<compile_context>
chip_gen: v7x
topology: tpu7x:2x2x1
jax: 0.10.2.dev20260603
libtpu: 0.0.44.dev20260713+nightly
codegen_flags: <defaults>
</compile_context>

<pallas_src>
import functools

import jax
import jax.numpy as jnp
from jax import lax
from jax.experimental import pallas as pl
from jax.experimental.pallas import tpu as pltpu
from jax.experimental.pallas import tpu_sc as plsc

N = 1_600_000
G = 10_000
EPS = 1e-08

NC = 2
NS = 16
L = 16
NW = NC * NS
APW = N // NW
CS = 10_000
NCHUNK = APW // CS
GP = 10_240
GPW = GP // NW
UNROLL = 5

_mesh = plsc.VectorSubcoreMesh(core_axis_name="c", subcore_axis_name="s")
_params = pltpu.CompilerParams(
    needs_layout_passes=False, use_tc_tiling_on_sc=False
)


def _wid():
    return lax.axis_index("s") * NC + lax.axis_index("c")


def _p1_body(ch_hbm, lv_hbm, bi_hbm, part_hbm,
             cb0, lb0, ib0, cb1, lb1, ib1, accc, accv, sm0, sm1):
    wid = _wid()
    base = wid * APW
    bufs = ((cb0, lb0, ib0, sm0), (cb1, lb1, ib1, sm1))

    def issue(k):
        cb, lb, ib, sem = bufs[k % 2]
        off = base + k * CS
        return (pltpu.async_copy(ch_hbm.at[pl.ds(off, CS)], cb, sem),
                pltpu.async_copy(lv_hbm.at[pl.ds(off, CS)], lb, sem),
                pltpu.async_copy(bi_hbm.at[pl.ds(off, CS)], ib, sem))

    pending = issue(0)

    @plsc.parallel_loop(0, GP // L, unroll=8)
    def _(i):
        s = pl.ds(i * L, L)
        accc[s] = jnp.zeros((L,), jnp.float32)
        accv[s] = jnp.zeros((L,), jnp.float32)

    lanes = lax.iota(jnp.int32, L) * (CS // L)

    for k in range(NCHUNK):
        for cp in pending:
            cp.wait()
        cb, lb, ib, _ = bufs[k % 2]
        if k + 1 < NCHUNK:
            pending = issue(k + 1)

        @plsc.parallel_loop(0, CS // L, unroll=UNROLL)
        def _(i):
            pos = lanes + i
            idx = plsc.load_gather(ib, [pos])
            c = plsc.load_gather(cb, [pos])
            v = jnp.exp(plsc.load_gather(lb, [pos]))
            plsc.addupdate_scatter(accc, [idx], c)
            plsc.addupdate_scatter(accv, [idx], v)

    wb1 = pltpu.async_copy(accc, part_hbm.at[2 * wid], sm0)
    wb2 = pltpu.async_copy(accv, part_hbm.at[2 * wid + 1], sm1)
    wb1.wait()
    wb2.wait()


_pass1 = functools.partial(
    pl.kernel,
    mesh=_mesh,
    compiler_params=_params,
    out_type=jax.ShapeDtypeStruct((2 * NW, GP), jnp.float32),
    scratch_types=[
        pltpu.VMEM((CS,), jnp.float32),
        pltpu.VMEM((CS,), jnp.float32),
        pltpu.VMEM((CS,), jnp.int32),
        pltpu.VMEM((CS,), jnp.float32),
        pltpu.VMEM((CS,), jnp.float32),
        pltpu.VMEM((CS,), jnp.int32),
        pltpu.VMEM((GP,), jnp.float32),
        pltpu.VMEM((GP,), jnp.float32),
        pltpu.SemaphoreType.DMA,
        pltpu.SemaphoreType.DMA,
    ],
)(_p1_body)


def _p2_body(part_hbm, formal_hbm, scale_hbm, pbuf, fbuf, sbuf, sma, smb):
    wid = _wid()
    gbase = wid * GPW
    cpa = pltpu.async_copy(part_hbm.at[pl.ds(0, NW), pl.ds(gbase, GPW)],
                           pbuf.at[pl.ds(0, NW)], sma)
    cpb = pltpu.async_copy(part_hbm.at[pl.ds(NW, NW), pl.ds(gbase, GPW)],
                           pbuf.at[pl.ds(NW, NW)], smb)
    cpf = pltpu.async_copy(formal_hbm.at[pl.ds(gbase, GPW)], fbuf, sma)
    cpa.wait()

    @plsc.parallel_loop(0, GPW // L, unroll=4)
    def _(j):
        s = pl.ds(j * L, L)
        cs = pbuf[0, s]
        vs = pbuf[1, s]
        for t in range(1, NW // 2):
            cs = cs + pbuf[2 * t, s]
            vs = vs + pbuf[2 * t + 1, s]
        sbuf[s] = cs
        pbuf[1, s] = vs

    cpb.wait()
    cpf.wait()

    @plsc.parallel_loop(0, GPW // L, unroll=4)
    def _(j):
        s = pl.ds(j * L, L)
        cs = sbuf[s]
        vs = pbuf[1, s]
        for t in range(NW // 2, NW):
            cs = cs + pbuf[2 * t, s]
            vs = vs + pbuf[2 * t + 1, s]
        sbuf[s] = (fbuf[s] - cs) / (vs + EPS)

    pltpu.sync_copy(sbuf, scale_hbm.at[pl.ds(gbase, GPW)])


_pass2 = functools.partial(
    pl.kernel,
    mesh=_mesh,
    compiler_params=_params,
    out_type=jax.ShapeDtypeStruct((GP,), jnp.float32),
    scratch_types=[
        pltpu.VMEM((2 * NW, GPW), jnp.float32),
        pltpu.VMEM((GPW,), jnp.float32),
        pltpu.VMEM((GPW,), jnp.float32),
        pltpu.SemaphoreType.DMA,
        pltpu.SemaphoreType.DMA,
    ],
)(_p2_body)


def _p3_body(ch_hbm, lv_hbm, bi_hbm, scale_hbm, out_hbm,
             cb0, lb0, ib0, cb1, lb1, ib1, sbuf, sms, sm0, sm1):
    wid = _wid()
    base = wid * APW
    bufs = ((cb0, lb0, ib0, sm0), (cb1, lb1, ib1, sm1))

    def issue(k):
        cb, lb, ib, sem = bufs[k % 2]
        off = base + k * CS
        return (pltpu.async_copy(ch_hbm.at[pl.ds(off, CS)], cb, sem),
                pltpu.async_copy(lv_hbm.at[pl.ds(off, CS)], lb, sem),
                pltpu.async_copy(bi_hbm.at[pl.ds(off, CS)], ib, sem))

    scale_cp = pltpu.async_copy(scale_hbm, sbuf, sms)
    pending = issue(0)
    scale_cp.wait()
    writeback = [None, None]

    for k in range(NCHUNK):
        for cp in pending:
            cp.wait()
        cb, lb, ib, sem = bufs[k % 2]
        if k + 1 < NCHUNK:
            wb = writeback[(k + 1) % 2]
            if wb is not None:
                wb.wait()
            pending = issue(k + 1)

        @plsc.parallel_loop(0, CS // L, unroll=UNROLL)
        def _(i):
            s = pl.ds(i * L, L)
            w = plsc.load_gather(sbuf, [ib[s]])
            cb[s] = cb[s] + jnp.exp(lb[s]) * w

        off = base + k * CS
        writeback[k % 2] = pltpu.async_copy(cb, out_hbm.at[pl.ds(off, CS)], sem)

    for wb in writeback:
        if wb is not None:
            wb.wait()


_pass3 = functools.partial(
    pl.kernel,
    mesh=_mesh,
    compiler_params=_params,
    out_type=jax.ShapeDtypeStruct((N,), jnp.float32),
    scratch_types=[
        pltpu.VMEM((CS,), jnp.float32),
        pltpu.VMEM((CS,), jnp.float32),
        pltpu.VMEM((CS,), jnp.int32),
        pltpu.VMEM((CS,), jnp.float32),
        pltpu.VMEM((CS,), jnp.float32),
        pltpu.VMEM((CS,), jnp.int32),
        pltpu.VMEM((GP,), jnp.float32),
        pltpu.SemaphoreType.DMA,
        pltpu.SemaphoreType.DMA,
        pltpu.SemaphoreType.DMA,
    ],
)(_p3_body)


def kernel(charges, log_variance, batch_index, formal_charges):
    partials = _pass1(charges, log_variance, batch_index)
    formal_pad = jnp.pad(formal_charges.astype(jnp.float32), (0, GP - G))
    scale = _pass2(partials, formal_pad)
    return _pass3(charges, log_variance, batch_index, scale)

# --- scband reference (transcript-rebuilt; emitter-appended) ---
"""Pipeline reference for scband-charge-conservation-layer-6897717477728 (READ-ONLY COPY).

The authoritative reference and input builder live on the scoring server;
editing this copy changes nothing except your own understanding.
"""

import jax, jax.numpy as jnp
import numpy as np

N = 1_600_000
G = 10_000
EPS = 1e-08


def setup_inputs(seed: int = 0) -> dict:
    key = jax.random.key(seed)
    k1, k2, k3, k4 = jax.random.split(key, 4)
    charges = jax.random.normal(k1, (N,), dtype=jnp.float32)
    log_variance = jax.random.normal(k2, (N,), dtype=jnp.float32)
    batch_index = jnp.sort(jax.random.randint(k3, (N,), 0, G, dtype=jnp.int32))
    # guarantee the max segment id is present so num_graphs == G
    batch_index = batch_index.at[-1].set(G - 1)
    formal_charges = jax.random.normal(k4, (G,), dtype=jnp.float32)
    return {
        "charges": charges,
        "log_variance": log_variance,
        "batch_index": batch_index,
        "formal_charges": formal_charges,
    }


def reference(charges, log_variance, batch_index, formal_charges):
    # num_graphs = batch_index.max() + 1 == G (static for jit)
    target_total = formal_charges.astype(charges.dtype).reshape(-1)
    current_total = jax.ops.segment_sum(charges, batch_index, num_segments=G)
    variance = jnp.exp(log_variance)
    variance_total = jax.ops.segment_sum(variance, batch_index, num_segments=G)
    normalized_weights = variance / (variance_total[batch_index] + EPS)
    total_delta = target_total - current_total
    return charges + normalized_weights * total_delta[batch_index]

if __name__ == "__main__":
    import jax
    _d = setup_inputs()
    print(jax.jit(kernel)(*tuple(_d.values())))

</pallas_src>

<mosaic_0001>
#map = affine_map<(d0, d1) -> (0, 0)>
#map1 = affine_map<(d0, d1) -> (0)>
module attributes {stable_mosaic.version = 14 : i64} {
  func.func @_p2_body(%arg0: i32, %arg1: i32, %arg2: memref<64x10240xf32, #tpu.memory_space<hbm>>, %arg3: memref<10240xf32, #tpu.memory_space<hbm>>, %arg4: memref<10240xf32, #tpu.memory_space<hbm>>, %arg5: memref<64x320xf32, #tpu.memory_space<vmem>>, %arg6: memref<320xf32, #tpu.memory_space<vmem>>, %arg7: memref<320xf32, #tpu.memory_space<vmem>>, %arg8: memref<!tpu.dma_semaphore, #tpu.memory_space<semaphore_mem>>, %arg9: memref<!tpu.dma_semaphore, #tpu.memory_space<semaphore_mem>>) attributes {dimension_semantics = [#tpu.dimension_semantics<core_parallel>, #tpu.dimension_semantics<subcore_parallel>], iteration_bounds = array<i64: 2, 16>, scalar_prefetch = 0 : i64, scratch_operands = 5 : i64, tpu.core_type = #tpu.core_type<sc_vector_subcore>, window_params = [{transform_indices = #map}, {transform_indices = #map1}, {transform_indices = #map1}]} {
    %mul3A = arith.constant 2 : i32
    %mul3A_0 = arith.muli %arg1, %mul3A : i32
    %add3A = arith.addi %mul3A_0, %arg0 : i32
    %mul3A_1 = arith.constant 320 : i32
    %mul3A_2 = arith.muli %add3A, %mul3A_1 : i32
    %dma_start3A = arith.constant 0 : i32
    %dma_start3A_3 = arith.constant 0 : i32
    %dma_start3A_4 = tpu.memref_slice %arg5[%dma_start3A, %dma_start3A_3] : memref<64x320xf32, #tpu.memory_space<vmem>> -> memref<32x320xf32, #tpu.memory_space<vmem>>
    %dma_start3A_5 = arith.constant 0 : i32
    %dma_start3A_6 = tpu.memref_slice %arg2[%dma_start3A_5, %mul3A_2] : memref<64x10240xf32, #tpu.memory_space<hbm>> -> memref<32x320xf32, #tpu.memory_space<hbm>>
    %dma_start3A_7 = arith.constant 0 : i32
    %dma_start3A_8 = arith.constant 0 : i32
    %dma_start3A_9 = tpu.memref_slice %arg5[%dma_start3A_7, %dma_start3A_8] : memref<64x320xf32, #tpu.memory_space<vmem>> -> memref<32x320xf32, #tpu.memory_space<vmem>>
    %dma_start3A_10 = arith.constant 0 : i32
    %dma_start3A_11 = tpu.memref_slice %arg2[%dma_start3A_10, %mul3A_2] : memref<64x10240xf32, #tpu.memory_space<hbm>> -> memref<32x320xf32, #tpu.memory_space<hbm>>
    tpu.enqueue_dma source(%dma_start3A_11 : memref<32x320xf32, #tpu.memory_space<hbm>>) target(%dma_start3A_9 : memref<32x320xf32, #tpu.memory_space<vmem>>) target_semaphore(%arg8 : memref<!tpu.dma_semaphore, #tpu.memory_space<semaphore_mem>>)
    %dma_start3A_12 = arith.constant 32 : i32
    %dma_start3A_13 = arith.constant 0 : i32
    %dma_start3A_14 = tpu.memref_slice %arg5[%dma_start3A_12, %dma_start3A_13] : memref<64x320xf32, #tpu.memory_space<vmem>> -> memref<32x320xf32, #tpu.memory_space<vmem>>
    %dma_start3A_15 = arith.constant 32 : i32
    %dma_start3A_16 = tpu.memref_slice %arg2[%dma_start3A_15, %mul3A_2] : memref<64x10240xf32, #tpu.memory_space<hbm>> -> memref<32x320xf32, #tpu.memory_space<hbm>>
    %dma_start3A_17 = arith.constant 32 : i32
    %dma_start3A_18 = arith.constant 0 : i32
    %dma_start3A_19 = tpu.memref_slice %arg5[%dma_start3A_17, %dma_start3A_18] : memref<64x320xf32, #tpu.memory_space<vmem>> -> memref<32x320xf32, #tpu.memory_space<vmem>>
    %dma_start3A_20 = arith.constant 32 : i32
    %dma_start3A_21 = tpu.memref_slice %arg2[%dma_start3A_20, %mul3A_2] : memref<64x10240xf32, #tpu.memory_space<hbm>> -> memref<32x320xf32, #tpu.memory_space<hbm>>
    tpu.enqueue_dma source(%dma_start3A_21 : memref<32x320xf32, #tpu.memory_space<hbm>>) target(%dma_start3A_19 : memref<32x320xf32, #tpu.memory_space<vmem>>) target_semaphore(%arg9 : memref<!tpu.dma_semaphore, #tpu.memory_space<semaphore_mem>>)
    %dma_start3A_22 = tpu.memref_slice %arg3[%mul3A_2] : memref<10240xf32, #tpu.memory_space<hbm>> -> memref<320xf32, #tpu.memory_space<hbm>>
    %dma_start3A_23 = tpu.memref_slice %arg3[%mul3A_2] : memref<10240xf32, #tpu.memory_space<hbm>> -> memref<320xf32, #tpu.memory_space<hbm>>
    tpu.enqueue_dma source(%dma_start3A_23 : memref<320xf32, #tpu.memory_space<hbm>>) target(%arg6 : memref<320xf32, #tpu.memory_space<vmem>>) target_semaphore(%arg8 : memref<!tpu.dma_semaphore, #tpu.memory_space<semaphore_mem>>)
    %dma_wait3A = arith.constant 0 : i32
    %dma_wait3A_24 = arith.constant 0 : i32
    %dma_wait3A_25 = tpu.memref_slice %arg5[%dma_wait3A, %dma_wait3A_24] : memref<64x320xf32, #tpu.memory_space<vmem>> -> memref<32x320xf32, #tpu.memory_space<vmem>>
    %dma_wait3A_26 = arith.constant 0 : i32
    %dma_wait3A_27 = tpu.memref_slice %arg2[%dma_wait3A_26, %mul3A_2] : memref<64x10240xf32, #tpu.memory_space<hbm>> -> memref<32x320xf32, #tpu.memory_space<hbm>>
    %dma_wait3A_28 = arith.constant 0 : i32
    %dma_wait3A_29 = arith.constant 0 : i32
    %dma_wait3A_30 = tpu.memref_slice %arg5[%dma_wait3A_28, %dma_wait3A_29] : memref<64x320xf32, #tpu.memory_space<vmem>> -> memref<32x320xf32, #tpu.memory_space<vmem>>
    %dma_wait3A_31 = arith.constant 0 : i32
    %dma_wait3A_32 = tpu.memref_slice %arg2[%dma_wait3A_31, %mul3A_2] : memref<64x10240xf32, #tpu.memory_space<hbm>> -> memref<32x320xf32, #tpu.memory_space<hbm>>
    tpu.wait_dma2 semaphore(%arg8 : memref<!tpu.dma_semaphore, #tpu.memory_space<semaphore_mem>>) src(%dma_wait3A_32 : memref<32x320xf32, #tpu.memory_space<hbm>>) dst(%dma_wait3A_30 : memref<32x320xf32, #tpu.memory_space<vmem>>)
    %parallel_loop3A = arith.constant 0 : i32
    %parallel_loop3A_33 = arith.constant 20 : i32
    %parallel_loop3A_34 = arith.constant 1 : i32
    scf.for %parallel_loop3A_50 = %parallel_loop3A to %parallel_loop3A_33 step %parallel_loop3A_34  : i32 {
      %parallel_loop3A_51 = arith.constant 16 : i32
      %parallel_loop3A_52 = arith.muli %parallel_loop3A_50, %parallel_loop3A_51 : i32
      %parallel_loop3A_53 = arith.constant 0 : i32
      %parallel_loop3A_54 = arith.index_cast %parallel_loop3A_53 : i32 to index
      %parallel_loop3A_55 = arith.index_cast %parallel_loop3A_52 : i32 to index
      %parallel_loop3A_56 = tpu.vector_load %arg5[%parallel_loop3A_54, %parallel_loop3A_55] {strides = array<i32>} : memref<64x320xf32, #tpu.memory_space<vmem>>, vector<16xf32>,
      %parallel_loop3A_57 = arith.constant 1 : i32
      %parallel_loop3A_58 = arith.index_cast %parallel_loop3A_57 : i32 to index
      %parallel_loop3A_59 = arith.index_cast %parallel_loop3A_52 : i32 to index
      %parallel_loop3A_60 = tpu.vector_load %arg5[%parallel_loop3A_58, %parallel_loop3A_59] {strides = array<i32>} : memref<64x320xf32, #tpu.memory_space<vmem>>, vector<16xf32>,
      %parallel_loop3A_61 = arith.constant 2 : i32
      %parallel_loop3A_62 = arith.index_cast %parallel_loop3A_61 : i32 to index
      %parallel_loop3A_63 = arith.index_cast %parallel_loop3A_52 : i32 to index
      %parallel_loop3A_64 = tpu.vector_load %arg5[%parallel_loop3A_62, %parallel_loop3A_63] {strides = array<i32>} : memref<64x320xf32, #tpu.memory_space<vmem>>, vector<16xf32>,
      %parallel_loop3A_65 = arith.addf %parallel_loop3A_56, %parallel_loop3A_64 : vector<16xf32>
      %parallel_loop3A_66 = arith.constant 3 : i32
      %parallel_loop3A_67 = arith.index_cast %parallel_loop3A_66 : i32 to index
      %parallel_loop3A_68 = arith.index_cast %parallel_loop3A_52 : i32 to index
      %parallel_loop3A_69 = tpu.vector_load %arg5[%parallel_loop3A_67, %parallel_loop3A_68] {strides = array<i32>} : memref<64x320xf32, #tpu.memory_space<vmem>>, vector<16xf32>,
      %parallel_loop3A_70 = arith.addf %parallel_loop3A_60, %parallel_loop3A_69 : vector<16xf32>
      %parallel_loop3A_71 = arith.constant 4 : i32
      %parallel_loop3A_72 = arith.index_cast %parallel_loop3A_71 : i32 to index
      %parallel_loop3A_73 = arith.index_cast %parallel_loop3A_52 : i32 to index
      %parallel_loop3A_74 = tpu.vector_load %arg5[%parallel_loop3A_72, %parallel_loop3A_73] {strides = array<i32>} : memref<64x320xf32, #tpu.memory_space<vmem>>, vector<16xf32>,
      %parallel_loop3A_75 = arith.addf %parallel_loop3A_65, %parallel_loop3A_74 : vector<16xf32>
      %parallel_loop3A_76 = arith.constant 5 : i32
      %parallel_loop3A_77 = arith.index_cast %parallel_loop3A_76 : i32 to index
      %parallel_loop3A_78 = arith.index_cast %parallel_loop3A_52 : i32 to index
      %parallel_loop3A_79 = tpu.vector_load %arg5[%parallel_loop3A_77, %parallel_loop3A_78] {strides = array<i32>} : memref<64x320xf32, #tpu.memory_space<vmem>>, vector<16xf32>,
      %parallel_loop3A_80 = arith.addf %parallel_loop3A_70, %parallel_loop3A_79 : vector<16xf32>
      %parallel_loop3A_81 = arith.constant 6 : i32
      %parallel_loop3A_82 = arith.index_cast %parallel_loop3A_81 : i32 to index
      %parallel_loop3A_83 = arith.index_cast %parallel_loop3A_52 : i32 to index
      %parallel_loop3A_84 = tpu.vector_load %arg5[%parallel_loop3A_82, %parallel_loop3A_83] {strides = array<i32>} : memref<64x320xf32, #tpu.memory_space<vmem>>, vector<16xf32>,
      %parallel_loop3A_85 = arith.addf %parallel_loop3A_75, %parallel_loop3A_84 : vector<16xf32>
      %parallel_loop3A_86 = arith.constant 7 : i32
      %parallel_loop3A_87 = arith.index_cast %parallel_loop3A_86 : i32 to index
      %parallel_loop3A_88 = arith.index_cast %parallel_loop3A_52 : i32 to index
      %parallel_loop3A_89 = tpu.vector_load %arg5[%parallel_loop3A_87, %parallel_loop3A_88] {strides = array<i32>} : memref<64x320xf32, #tpu.memory_space<vmem>>, vector<16xf32>,
      %parallel_loop3A_90 = arith.addf %parallel_loop3A_80, %parallel_loop3A_89 : vector<16xf32>
      %parallel_loop3A_91 = arith.constant 8 : i32
      %parallel_loop3A_92 = arith.index_cast %parallel_loop3A_91 : i32 to index
      %parallel_loop3A_93 = arith.index_cast %parallel_loop3A_52 : i32 to index
      %parallel_loop3A_94 = tpu.vector_load %arg5[%parallel_loop3A_92, %parallel_loop3A_93] {strides = array<i32>} : memref<64x320xf32, #tpu.memory_space<vmem>>, vector<16xf32>,
      %parallel_loop3A_95 = arith.addf %parallel_loop3A_85, %parallel_loop3A_94 : vector<16xf32>
      %parallel_loop3A_96 = arith.constant 9 : i32
      %parallel_loop3A_97 = arith.index_cast %parallel_loop3A_96 : i32 to index
      %parallel_loop3A_98 = arith.index_cast %parallel_loop3A_52 : i32 to index
      %parallel_loop3A_99 = tpu.vector_load %arg5[%parallel_loop3A_97, %parallel_loop3A_98] {strides = array<i32>} : memref<64x320xf32, #tpu.memory_space<vmem>>, vector<16xf32>,
      %parallel_loop3A_100 = arith.addf %parallel_loop3A_90, %parallel_loop3A_99 : vector<16xf32>
      %parallel_loop3A_101 = arith.constant 10 : i32
      %parallel_loop3A_102 = arith.index_cast %parallel_loop3A_101 : i32 to index
      %parallel_loop3A_103 = arith.index_cast %parallel_loop3A_52 : i32 to index
      %parallel_loop3A_104 = tpu.vector_load %arg5[%parallel_loop3A_102, %parallel_loop3A_103] {strides = array<i32>} : memref<64x320xf32, #tpu.memory_space<vmem>>, vector<16xf32>,
      %parallel_loop3A_105 = arith.addf %parallel_loop3A_95, %parallel_loop3A_104 : vector<16xf32>
      %parallel_loop3A_106 = arith.constant 11 : i32
      %parallel_loop3A_107 = arith.index_cast %parallel_loop3A_106 : i32 to index
      %parallel_loop3A_108 = arith.index_cast %parallel_loop3A_52 : i32 to index
      %parallel_loop3A_109 = tpu.vector_load %arg5[%parallel_loop3A_107, %parallel_loop3A_108] {strides = array<i32>} : memref<64x320xf32, #tpu.memory_space<vmem>>, vector<16xf32>,
      %parallel_loop3A_110 = arith.addf %parallel_loop3A_100, %parallel_loop3A_109 : vector<16xf32>
      %parallel_loop3A_111 = arith.constant 12 : i32
      %parallel_loop3A_112 = arith.index_cast %parallel_loop3A_111 : i32 to index
      %parallel_loop3A_113 = arith.index_cast %parallel_loop3A_52 : i32 to index
      %parallel_loop3A_114 = tpu.vector_load %arg5[%parallel_loop3A_112, %parallel_loop3A_113] {strides = array<i32>} : memref<64x320xf32, #tpu.memory_space<vmem>>, vector<16xf32>,
      %parallel_loop3A_115 = arith.addf %parallel_loop3A_105, %parallel_loop3A_114 : vector<16xf32>
      %parallel_loop3A_116 = arith.constant 13 : i32
      %parallel_loop3A_117 = arith.index_cast %parallel_loop3A_116 : i32 to index
      %parallel_loop3A_118 = arith.index_cast %parallel_loop3A_52 : i32 to index
      %parallel_loop3A_119 = tpu.vector_load %arg5[%parallel_loop3A_117, %parallel_loop3A_118] {strides = array<i32>} : memref<64x320xf32, #tpu.memory_space<vmem>>, vector<16xf32>,
      %parallel_loop3A_120 = arith.addf %parallel_loop3A_110, %parallel_loop3A_119 : vector<16xf32>
      %parallel_loop3A_121 = arith.constant 14 : i32
      %parallel_loop3A_122 = arith.index_cast %parallel_loop3A_121 : i32 to index
      %parallel_loop3A_123 = arith.index_cast %parallel_loop3A_52 : i32 to index
      %parallel_loop3A_124 = tpu.vector_load %arg5[%parallel_loop3A_122, %parallel_loop3A_123] {strides = array<i32>} : memref<64x320xf32, #tpu.memory_space<vmem>>, vector<16xf32>,
      %parallel_loop3A_125 = arith.addf %parallel_loop3A_115, %parallel_loop3A_124 : vector<16xf32>
      %parallel_loop3A_126 = arith.constant 15 : i32
      %parallel_loop3A_127 = arith.index_cast %parallel_loop3A_126 : i32 to index
      %parallel_loop3A_128 = arith.index_cast %parallel_loop3A_52 : i32 to index
      %parallel_loop3A_129 = tpu.vector_load %arg5[%parallel_loop3A_127, %parallel_loop3A_128] {strides = array<i32>} : memref<64x320xf32, #tpu.memory_space<vmem>>, vector<16xf32>,
      %parallel_loop3A_130 = arith.addf %parallel_loop3A_120, %parallel_loop3A_129 : vector<16xf32>
      %parallel_loop3A_131 = arith.constant 16 : i32
      %parallel_loop3A_132 = arith.index_cast %parallel_loop3A_131 : i32 to index
      %parallel_loop3A_133 = arith.index_cast %parallel_loop3A_52 : i32 to index
      %parallel_loop3A_134 = tpu.vector_load %arg5[%parallel_loop3A_132, %parallel_loop3A_133] {strides = array<i32>} : memref<64x320xf32, #tpu.memory_space<vmem>>, vector<16xf32>,
      %parallel_loop3A_135 = arith.addf %parallel_loop3A_125, %parallel_loop3A_134 : vector<16xf32>
      %parallel_loop3A_136 = arith.constant 17 : i32
      %parallel_loop3A_137 = arith.index_cast %parallel_loop3A_136 : i32 to index
      %parallel_loop3A_138 = arith.index_cast %parallel_loop3A_52 : i32 to index
      %parallel_loop3A_139 = tpu.vector_load %arg5[%parallel_loop3A_137, %parallel_loop3A_138] {strides = array<i32>} : memref<64x320xf32, #tpu.memory_space<vmem>>, vector<16xf32>,
      %parallel_loop3A_140 = arith.addf %parallel_loop3A_130, %parallel_loop3A_139 : vector<16xf32>
      %parallel_loop3A_141 = arith.constant 18 : i32
      %parallel_loop3A_142 = arith.index_cast %parallel_loop3A_141 : i32 to index
      %parallel_loop3A_143 = arith.index_cast %parallel_loop3A_52 : i32 to index
      %parallel_loop3A_144 = tpu.vector_load %arg5[%parallel_loop3A_142, %parallel_loop3A_143] {strides = array<i32>} : memref<64x320xf32, #tpu.memory_space<vmem>>, vector<16xf32>,
      %parallel_loop3A_145 = arith.addf %parallel_loop3A_135, %parallel_loop3A_144 : vector<16xf32>
      %parallel_loop3A_146 = arith.constant 19 : i32
      %parallel_loop3A_147 = arith.index_cast %parallel_loop3A_146 : i32 to index
      %parallel_loop3A_148 = arith.index_cast %parallel_loop3A_52 : i32 to index
      %parallel_loop3A_149 = tpu.vector_load %arg5[%parallel_loop3A_147, %parallel_loop3A_148] {strides = array<i32>} : memref<64x320xf32, #tpu.memory_space<vmem>>, vector<16xf32>,
      %parallel_loop3A_150 = arith.addf %parallel_loop3A_140, %parallel_loop3A_149 : vector<16xf32>
      %parallel_loop3A_151 = arith.constant 20 : i32
      %parallel_loop3A_152 = arith.index_cast %parallel_loop3A_151 : i32 to index
      %parallel_loop3A_153 = arith.index_cast %parallel_loop3A_52 : i32 to index
      %parallel_loop3A_154 = tpu.vector_load %arg5[%parallel_loop3A_152, %parallel_loop3A_153] {strides = array<i32>} : memref<64x320xf32, #tpu.memory_space<vmem>>, vector<16xf32>,
      %parallel_loop3A_155 = arith.addf %parallel_loop3A_145, %parallel_loop3A_154 : vector<16xf32>
      %parallel_loop3A_156 = arith.constant 21 : i32
      %parallel_loop3A_157 = arith.index_cast %parallel_loop3A_156 : i32 to index
      %parallel_loop3A_158 = arith.index_cast %parallel_loop3A_52 : i32 to index
      %parallel_loop3A_159 = tpu.vector_load %arg5[%parallel_loop3A_157, %parallel_loop3A_158] {strides = array<i32>} : memref<64x320xf32, #tpu.memory_space<vmem>>, vector<16xf32>,
      %parallel_loop3A_160 = arith.addf %parallel_loop3A_150, %parallel_loop3A_159 : vector<16xf32>
      %parallel_loop3A_161 = arith.constant 22 : i32
      %parallel_loop3A_162 = arith.index_cast %parallel_loop3A_161 : i32 to index
      %parallel_loop3A_163 = arith.index_cast %parallel_loop3A_52 : i32 to index
      %parallel_loop3A_164 = tpu.vector_load %arg5[%parallel_loop3A_162, %parallel_loop3A_163] {strides = array<i32>} : memref<64x320xf32, #tpu.memory_space<vmem>>, vector<16xf32>,
      %parallel_loop3A_165 = arith.addf %parallel_loop3A_155, %parallel_loop3A_164 : vector<16xf32>
      %parallel_loop3A_166 = arith.constant 23 : i32
      %parallel_loop3A_167 = arith.index_cast %parallel_loop3A_166 : i32 to index
      %parallel_loop3A_168 = arith.index_cast %parallel_loop3A_52 : i32 to index
      %parallel_loop3A_169 = tpu.vector_load %arg5[%parallel_loop3A_167, %parallel_loop3A_168] {strides = array<i32>} : memref<64x320xf32, #tpu.memory_space<vmem>>, vector<16xf32>,
      %parallel_loop3A_170 = arith.addf %parallel_loop3A_160, %parallel_loop3A_169 : vector<16xf32>
      %parallel_loop3A_171 = arith.constant 24 : i32
      %parallel_loop3A_172 = arith.index_cast %parallel_loop3A_171 : i32 to index
      %parallel_loop3A_173 = arith.index_cast %parallel_loop3A_52 : i32 to index
      %parallel_loop3A_174 = tpu.vector_load %arg5[%parallel_loop3A_172, %parallel_loop3A_173] {strides = array<i32>} : memref<64x320xf32, #tpu.memory_space<vmem>>, vector<16xf32>,
      %parallel_loop3A_175 = arith.addf %parallel_loop3A_165, %parallel_loop3A_174 : vector<16xf32>
      %parallel_loop3A_176 = arith.constant 25 : i32
      %parallel_loop3A_177 = arith.index_cast %parallel_loop3A_176 : i32 to index
      %parallel_loop3A_178 = arith.index_cast %parallel_loop3A_52 : i32 to index
      %parallel_loop3A_179 = tpu.vector_load %arg5[%parallel_loop3A_177, %parallel_loop3A_178] {strides = array<i32>} : memref<64x320xf32, #tpu.memory_space<vmem>>, vector<16xf32>,
      %parallel_loop3A_180 = arith.addf %parallel_loop3A_170, %parallel_loop3A_179 : vector<16xf32>
      %parallel_loop3A_181 = arith.constant 26 : i32
      %parallel_loop3A_182 = arith.index_cast %parallel_loop3A_181 : i32 to index
      %parallel_loop3A_183 = arith.index_cast %parallel_loop3A_52 : i32 to index
      %parallel_loop3A_184 = tpu.vector_load %arg5[%parallel_loop3A_182, %parallel_loop3A_183] {strides = array<i32>} : memref<64x320xf32, #tpu.memory_space<vmem>>, vector<16xf32>,
      %parallel_loop3A_185 = arith.addf %parallel_loop3A_175, %parallel_loop3A_184 : vector<16xf32>
      %parallel_loop3A_186 = arith.constant 27 : i32
      %parallel_loop3A_187 = arith.index_cast %parallel_loop3A_186 : i32 to index
      %parallel_loop3A_188 = arith.index_cast %parallel_loop3A_52 : i32 to index
      %parallel_loop3A_189 = tpu.vector_load %arg5[%parallel_loop3A_187, %parallel_loop3A_188] {strides = array<i32>} : memref<64x320xf32, #tpu.memory_space<vmem>>, vector<16xf32>,
      %parallel_loop3A_190 = arith.addf %parallel_loop3A_180, %parallel_loop3A_189 : vector<16xf32>
      %parallel_loop3A_191 = arith.constant 28 : i32
      %parallel_loop3A_192 = arith.index_cast %parallel_loop3A_191 : i32 to index
      %parallel_loop3A_193 = arith.index_cast %parallel_loop3A_52 : i32 to index
      %parallel_loop3A_194 = tpu.vector_load %arg5[%parallel_loop3A_192, %parallel_loop3A_193] {strides = array<i32>} : memref<64x320xf32, #tpu.memory_space<vmem>>, vector<16xf32>,
      %parallel_loop3A_195 = arith.addf %parallel_loop3A_185, %parallel_loop3A_194 : vector<16xf32>
      %parallel_loop3A_196 = arith.constant 29 : i32
      %parallel_loop3A_197 = arith.index_cast %parallel_loop3A_196 : i32 to index
      %parallel_loop3A_198 = arith.index_cast %parallel_loop3A_52 : i32 to index
      %parallel_loop3A_199 = tpu.vector_load %arg5[%parallel_loop3A_197, %parallel_loop3A_198] {strides = array<i32>} : memref<64x320xf32, #tpu.memory_space<vmem>>, vector<16xf32>,
      %parallel_loop3A_200 = arith.addf %parallel_loop3A_190, %parallel_loop3A_199 : vector<16xf32>
      %parallel_loop3A_201 = arith.constant 30 : i32
      %parallel_loop3A_202 = arith.index_cast %parallel_loop3A_201 : i32 to index
      %parallel_loop3A_203 = arith.index_cast %parallel_loop3A_52 : i32 to index
      %parallel_loop3A_204 = tpu.vector_load %arg5[%parallel_loop3A_202, %parallel_loop3A_203] {strides = array<i32>} : memref<64x320xf32, #tpu.memory_space<vmem>>, vector<16xf32>,
      %parallel_loop3A_205 = arith.addf %parallel_loop3A_195, %parallel_loop3A_204 : vector<16xf32>
      %parallel_loop3A_206 = arith.constant 31 : i32
      %parallel_loop3A_207 = arith.index_cast %parallel_loop3A_206 : i32 to index
      %parallel_loop3A_208 = arith.index_cast %parallel_loop3A_52 : i32 to index
      %parallel_loop3A_209 = tpu.vector_load %arg5[%parallel_loop3A_207, %parallel_loop3A_208] {strides = array<i32>} : memref<64x320xf32, #tpu.memory_space<vmem>>, vector<16xf32>,
      %parallel_loop3A_210 = arith.addf %parallel_loop3A_200, %parallel_loop3A_209 : vector<16xf32>
      %parallel_loop3A_211 = arith.index_cast %parallel_loop3A_52 : i32 to index
      %parallel_loop3A_212 = tpu.vector_load %arg7[%parallel_loop3A_211] {strides = array<i32>} : memref<320xf32, #tpu.memory_space<vmem>>, vector<16xf32>,
      tpu.vector_store %arg7[%parallel_loop3A_211], %parallel_loop3A_205 {strides = array<i32>} : memref<320xf32, #tpu.memory_space<vmem>>, vector<16xf32>,
      %parallel_loop3A_213 = arith.constant 1 : i32
      %parallel_loop3A_214 = arith.index_cast %parallel_loop3A_213 : i32 to index
      %parallel_loop3A_215 = arith.index_cast %parallel_loop3A_52 : i32 to index
      %parallel_loop3A_216 = tpu.vector_load %arg5[%parallel_loop3A_214, %parallel_loop3A_215] {strides = array<i32>} : memref<64x320xf32, #tpu.memory_space<vmem>>, vector<16xf32>,
      tpu.vector_store %arg5[%parallel_loop3A_214, %parallel_loop3A_215], %parallel_loop3A_210 {strides = array<i32>} : memref<64x320xf32, #tpu.memory_space<vmem>>, vector<16xf32>,
    } {sc.loop_unroll_factor = 4 : i64, sc.parallel_access}
    %dma_wait3A_35 = arith.constant 32 : i32
    %dma_wait3A_36 = arith.constant 0 : i32
    %dma_wait3A_37 = tpu.memref_slice %arg5[%dma_wait3A_35, %dma_wait3A_36] : memref<64x320xf32, #tpu.memory_space<vmem>> -> memref<32x320xf32, #tpu.memory_space<vmem>>
    %dma_wait3A_38 = arith.constant 32 : i32
    %dma_wait3A_39 = tpu.memref_slice %arg2[%dma_wait3A_38, %mul3A_2] : memref<64x10240xf32, #tpu.memory_space<hbm>> -> memref<32x320xf32, #tpu.memory_space<hbm>>
    %dma_wait3A_40 = arith.constant 32 : i32
    %dma_wait3A_41 = arith.constant 0 : i32
    %dma_wait3A_42 = tpu.memref_slice %arg5[%dma_wait3A_40, %dma_wait3A_41] : memref<64x320xf32, #tpu.memory_space<vmem>> -> memref<32x320xf32, #tpu.memory_space<vmem>>
    %dma_wait3A_43 = arith.constant 32 : i32
    %dma_wait3A_44 = tpu.memref_slice %arg2[%dma_wait3A_43, %mul3A_2] : memref<64x10240xf32, #tpu.memory_space<hbm>> -> memref<32x320xf32, #tpu.memory_space<hbm>>
    tpu.wait_dma2 semaphore(%arg9 : memref<!tpu.dma_semaphore, #tpu.memory_space<semaphore_mem>>) src(%dma_wait3A_44 : memref<32x320xf32, #tpu.memory_space<hbm>>) dst(%dma_wait3A_42 : memref<32x320xf32, #tpu.memory_space<vmem>>)
    %dma_wait3A_45 = tpu.memref_slice %arg3[%mul3A_2] : memref<10240xf32, #tpu.memory_space<hbm>> -> memref<320xf32, #tpu.memory_space<hbm>>
    %dma_wait3A_46 = tpu.memref_slice %arg3[%mul3A_2] : memref<10240xf32, #tpu.memory_space<hbm>> -> memref<320xf32, #tpu.memory_space<hbm>>
    tpu.wait_dma2 semaphore(%arg8 : memref<!tpu.dma_semaphore, #tpu.memory_space<semaphore_mem>>) src(%dma_wait3A_46 : memref<320xf32, #tpu.memory_space<hbm>>) dst(%arg6 : memref<320xf32, #tpu.memory_space<vmem>>)
    %parallel_loop3A_47 = arith.constant 0 : i32
    %parallel_loop3A_48 = arith.constant 20 : i32
    %parallel_loop3A_49 = arith.constant 1 : i32
    scf.for %parallel_loop3A_50 = %parallel_loop3A_47 to %parallel_loop3A_48 step %parallel_loop3A_49  : i32 {
      %parallel_loop3A_51 = arith.constant 16 : i32
      %parallel_loop3A_52 = arith.muli %parallel_loop3A_50, %parallel_loop3A_51 : i32
      %parallel_loop3A_53 = arith.index_cast %parallel_loop3A_52 : i32 to index
      %parallel_loop3A_54 = tpu.vector_load %arg7[%parallel_loop3A_53] {strides = array<i32>} : memref<320xf32, #tpu.memory_space<vmem>>, vector<16xf32>,
      %parallel_loop3A_55 = arith.constant 1 : i32
      %parallel_loop3A_56 = arith.index_cast %parallel_loop3A_55 : i32 to index
      %parallel_loop3A_57 = arith.index_cast %parallel_loop3A_52 : i32 to index
      %parallel_loop3A_58 = tpu.vector_load %arg5[%parallel_loop3A_56, %parallel_loop3A_57] {strides = array<i32>} : memref<64x320xf32, #tpu.memory_space<vmem>>, vector<16xf32>,
      %parallel_loop3A_59 = arith.constant 32 : i32
      %parallel_loop3A_60 = arith.index_cast %parallel_loop3A_59 : i32 to index
      %parallel_loop3A_61 = arith.index_cast %parallel_loop3A_52 : i32 to index
      %parallel_loop3A_62 = tpu.vector_load %arg5[%parallel_loop3A_60, %parallel_loop3A_61] {strides = array<i32>} : memref<64x320xf32, #tpu.memory_space<vmem>>, vector<16xf32>,
      %parallel_loop3A_63 = arith.addf %parallel_loop3A_54, %parallel_loop3A_62 : vector<16xf32>
      %parallel_loop3A_64 = arith.constant 33 : i32
      %parallel_loop3A_65 = arith.index_cast %parallel_loop3A_64 : i32 to index
      %parallel_loop3A_66 = arith.index_cast %parallel_loop3A_52 : i32 to index
      %parallel_loop3A_67 = tpu.vector_load %arg5[%parallel_loop3A_65, %parallel_loop3A_66] {strides = array<i32>} : memref<64x320xf32, #tpu.memory_space<vmem>>, vector<16xf32>,
      %parallel_loop3A_68 = arith.addf %parallel_loop3A_58, %parallel_loop3A_67 : vector<16xf32>
      %parallel_loop3A_69 = arith.constant 34 : i32
      %parallel_loop3A_70 = arith.index_cast %parallel_loop3A_69 : i32 to index
      %parallel_loop3A_71 = arith.index_cast %parallel_loop3A_52 : i32 to index
      %parallel_loop3A_72 = tpu.vector_load %arg5[%parallel_loop3A_70, %parallel_loop3A_71] {strides = array<i32>} : memref<64x320xf32, #tpu.memory_space<vmem>>, vector<16xf32>,
      %parallel_loop3A_73 = arith.addf %parallel_loop3A_63, %parallel_loop3A_72 : vector<16xf32>
      %parallel_loop3A_74 = arith.constant 35 : i32
      %parallel_loop3A_75 = arith.index_cast %parallel_loop3A_74 : i32 to index
      %parallel_loop3A_76 = arith.index_cast %parallel_loop3A_52 : i32 to index
      %parallel_loop3A_77 = tpu.vector_load %arg5[%parallel_loop3A_75, %parallel_loop3A_76] {strides = array<i32>} : memref<64x320xf32, #tpu.memory_space<vmem>>, vector<16xf32>,
      %parallel_loop3A_78 = arith.addf %parallel_loop3A_68, %parallel_loop3A_77 : vector<16xf32>
      %parallel_loop3A_79 = arith.constant 36 : i32
      %parallel_loop3A_80 = arith.index_cast %parallel_loop3A_79 : i32 to index
      %parallel_loop3A_81 = arith.index_cast %parallel_loop3A_52 : i32 to index
      %parallel_loop3A_82 = tpu.vector_load %arg5[%parallel_loop3A_80, %parallel_loop3A_81] {strides = array<i32>} : memref<64x320xf32, #tpu.memory_space<vmem>>, vector<16xf32>,
      %parallel_loop3A_83 = arith.addf %parallel_loop3A_73, %parallel_loop3A_82 : vector<16xf32>
      %parallel_loop3A_84 = arith.constant 37 : i32
      %parallel_loop3A_85 = arith.index_cast %parallel_loop3A_84 : i32 to index
      %parallel_loop3A_86 = arith.index_cast %parallel_loop3A_52 : i32 to index
      %parallel_loop3A_87 = tpu.vector_load %arg5[%parallel_loop3A_85, %parallel_loop3A_86] {strides = array<i32>} : memref<64x320xf32, #tpu.memory_space<vmem>>, vector<16xf32>,
      %parallel_loop3A_88 = arith.addf %parallel_loop3A_78, %parallel_loop3A_87 : vector<16xf32>
      %parallel_loop3A_89 = arith.constant 38 : i32
      %parallel_loop3A_90 = arith.index_cast %parallel_loop3A_89 : i32 to index
      %parallel_loop3A_91 = arith.index_cast %parallel_loop3A_52 : i32 to index
      %parallel_loop3A_92 = tpu.vector_load %arg5[%parallel_loop3A_90, %parallel_loop3A_91] {strides = array<i32>} : memref<64x320xf32, #tpu.memory_space<vmem>>, vector<16xf32>,
      %parallel_loop3A_93 = arith.addf %parallel_loop3A_83, %parallel_loop3A_92 : vector<16xf32>
      %parallel_loop3A_94 = arith.constant 39 : i32
      %parallel_loop3A_95 = arith.index_cast %parallel_loop3A_94 : i32 to index
      %parallel_loop3A_96 = arith.index_cast %parallel_loop3A_52 : i32 to index
      %parallel_loop3A_97 = tpu.vector_load %arg5[%parallel_loop3A_95, %parallel_loop3A_96] {strides = array<i32>} : memref<64x320xf32, #tpu.memory_space<vmem>>, vector<16xf32>,
      %parallel_loop3A_98 = arith.addf %parallel_loop3A_88, %parallel_loop3A_97 : vector<16xf32>
      %parallel_loop3A_99 = arith.constant 40 : i32
      %parallel_loop3A_100 = arith.index_cast %parallel_loop3A_99 : i32 to index
      %parallel_loop3A_101 = arith.index_cast %parallel_loop3A_52 : i32 to index
      %parallel_loop3A_102 = tpu.vector_load %arg5[%parallel_loop3A_100, %parallel_loop3A_101] {strides = array<i32>} : memref<64x320xf32, #tpu.memory_space<vmem>>, vector<16xf32>,
      %parallel_loop3A_103 = arith.addf %parallel_loop3A_93, %parallel_loop3A_102 : vector<16xf32>
      %parallel_loop3A_104 = arith.constant 41 : i32
      %parallel_loop3A_105 = arith.index_cast %parallel_loop3A_104 : i32 to index
      %parallel_loop3A_106 = arith.index_cast %parallel_loop3A_52 : i32 to index
      %parallel_loop3A_107 = tpu.vector_load %arg5[%parallel_loop3A_105, %parallel_loop3A_106] {strides = array<i32>} : memref<64x320xf32, #tpu.memory_space<vmem>>, vector<16xf32>,
      %parallel_loop3A_108 = arith.addf %parallel_loop3A_98, %parallel_loop3A_107 : vector<16xf32>
      %parallel_loop3A_109 = arith.constant 42 : i32
      %parallel_loop3A_110 = arith.index_cast %parallel_loop3A_109 : i32 to index
      %parallel_loop3A_111 = arith.index_cast %parallel_loop3A_52 : i32 to index
      %parallel_loop3A_112 = tpu.vector_load %arg5[%parallel_loop3A_110, %parallel_loop3A_111] {strides = array<i32>} : memref<64x320xf32, #tpu.memory_space<vmem>>, vector<16xf32>,
      %parallel_loop3A_113 = arith.addf %parallel_loop3A_103, %parallel_loop3A_112 : vector<16xf32>
      %parallel_loop3A_114 = arith.constant 43 : i32
      %parallel_loop3A_115 = arith.index_cast %parallel_loop3A_114 : i32 to index
      %parallel_loop3A_116 = arith.index_cast %parallel_loop3A_52 : i32 to index
      %parallel_loop3A_117 = tpu.vector_load %arg5[%parallel_loop3A_115, %parallel_loop3A_116] {strides = array<i32>} : memref<64x320xf32, #tpu.memory_space<vmem>>, vector<16xf32>,
      %parallel_loop3A_118 = arith.addf %parallel_loop3A_108, %parallel_loop3A_117 : vector<16xf32>
      %parallel_loop3A_119 = arith.constant 44 : i32
      %parallel_loop3A_120 = arith.index_cast %parallel_loop3A_119 : i32 to index
      %parallel_loop3A_121 = arith.index_cast %parallel_loop3A_52 : i32 to index
      %parallel_loop3A_122 = tpu.vector_load %arg5[%parallel_loop3A_120, %parallel_loop3A_121] {strides = array<i32>} : memref<64x320xf32, #tpu.memory_space<vmem>>, vector<16xf32>,
      %parallel_loop3A_123 = arith.addf %parallel_loop3A_113, %parallel_loop3A_122 : vector<16xf32>
      %parallel_loop3A_124 = arith.constant 45 : i32
      %parallel_loop3A_125 = arith.index_cast %parallel_loop3A_124 : i32 to index
      %parallel_loop3A_126 = arith.index_cast %parallel_loop3A_52 : i32 to index
      %parallel_loop3A_127 = tpu.vector_load %arg5[%parallel_loop3A_125, %parallel_loop3A_126] {strides = array<i32>} : memref<64x320xf32, #tpu.memory_space<vmem>>, vector<16xf32>,
      %parallel_loop3A_128 = arith.addf %parallel_loop3A_118, %parallel_loop3A_127 : vector<16xf32>
      %parallel_loop3A_129 = arith.constant 46 : i32
      %parallel_loop3A_130 = arith.index_cast %parallel_loop3A_129 : i32 to index
      %parallel_loop3A_131 = arith.index_cast %parallel_loop3A_52 : i32 to index
      %parallel_loop3A_132 = tpu.vector_load %arg5[%parallel_loop3A_130, %parallel_loop3A_131] {strides = array<i32>} : memref<64x320xf32, #tpu.memory_space<vmem>>, vector<16xf32>,
      %parallel_loop3A_133 = arith.addf %parallel_loop3A_123, %parallel_loop3A_132 : vector<16xf32>
      %parallel_loop3A_134 = arith.constant 47 : i32
      %parallel_loop3A_135 = arith.index_cast %parallel_loop3A_134 : i32 to index
      %parallel_loop3A_136 = arith.index_cast %parallel_loop3A_52 : i32 to index
      %parallel_loop3A_137 = tpu.vector_load %arg5[%parallel_loop3A_135, %parallel_loop3A_136] {strides = array<i32>} : memref<64x320xf32, #tpu.memory_space<vmem>>, vector<16xf32>,
      %parallel_loop3A_138 = arith.addf %parallel_loop3A_128, %parallel_loop3A_137 : vector<16xf32>
      %parallel_loop3A_139 = arith.constant 48 : i32
      %parallel_loop3A_140 = arith.index_cast %parallel_loop3A_139 : i32 to index
      %parallel_loop3A_141 = arith.index_cast %parallel_loop3A_52 : i32 to index
      %parallel_loop3A_142 = tpu.vector_load %arg5[%parallel_loop3A_140, %parallel_loop3A_141] {strides = array<i32>} : memref<64x320xf32, #tpu.memory_space<vmem>>, vector<16xf32>,
      %parallel_loop3A_143 = arith.addf %parallel_loop3A_133, %parallel_loop3A_142 : vector<16xf32>
      %parallel_loop3A_144 = arith.constant 49 : i32
      %parallel_loop3A_145 = arith.index_cast %parallel_loop3A_144 : i32 to index
      %parallel_loop3A_146 = arith.index_cast %parallel_loop3A_52 : i32 to index
      %parallel_loop3A_147 = tpu.vector_load %arg5[%parallel_loop3A_145, %parallel_loop3A_146] {strides = array<i32>} : memref<64x320xf32, #tpu.memory_space<vmem>>, vector<16xf32>,
      %parallel_loop3A_148 = arith.addf %parallel_loop3A_138, %parallel_loop3A_147 : vector<16xf32>
      %parallel_loop3A_149 = arith.constant 50 : i32
      %parallel_loop3A_150 = arith.index_cast %parallel_loop3A_149 : i32 to index
      %parallel_loop3A_151 = arith.index_cast %parallel_loop3A_52 : i32 to index
      %parallel_loop3A_152 = tpu.vector_load %arg5[%parallel_loop3A_150, %parallel_loop3A_151] {strides = array<i32>} : memref<64x320xf32, #tpu.memory_space<vmem>>, vector<16xf32>,
      %parallel_loop3A_153 = arith.addf %parallel_loop3A_143, %parallel_loop3A_152 : vector<16xf32>
      %parallel_loop3A_154 = arith.constant 51 : i32
      %parallel_loop3A_155 = arith.index_cast %parallel_loop3A_154 : i32 to index
      %parallel_loop3A_156 = arith.index_cast %parallel_loop3A_52 : i32 to index
      %parallel_loop3A_157 = tpu.vector_load %arg5[%parallel_loop3A_155, %parallel_loop3A_156] {strides = array<i32>} : memref<64x320xf32, #tpu.memory_space<vmem>>, vector<16xf32>,
      %parallel_loop3A_158 = arith.addf %parallel_loop3A_148, %parallel_loop3A_157 : vector<16xf32>
      %parallel_loop3A_159 = arith.constant 52 : i32
      %parallel_loop3A_160 = arith.index_cast %parallel_loop3A_159 : i32 to index
      %parallel_loop3A_161 = arith.index_cast %parallel_loop3A_52 : i32 to index
      %parallel_loop3A_162 = tpu.vector_load %arg5[%parallel_loop3A_160, %parallel_loop3A_161] {strides = array<i32>} : memref<64x320xf32, #tpu.memory_space<vmem>>, vector<16xf32>,
      %parallel_loop3A_163 = arith.addf %parallel_loop3A_153, %parallel_loop3A_162 : vector<16xf32>
      %parallel_loop3A_164 = arith.constant 53 : i32
      %parallel_loop3A_165 = arith.index_cast %parallel_loop3A_164 : i32 to index
      %parallel_loop3A_166 = arith.index_cast %parallel_loop3A_52 : i32 to index
      %parallel_loop3A_167 = tpu.vector_load %arg5[%parallel_loop3A_165, %parallel_loop3A_166] {strides = array<i32>} : memref<64x320xf32, #tpu.memory_space<vmem>>, vector<16xf32>,
      %parallel_loop3A_168 = arith.addf %parallel_loop3A_158, %parallel_loop3A_167 : vector<16xf32>
      %parallel_loop3A_169 = arith.constant 54 : i32
      %parallel_loop3A_170 = arith.index_cast %parallel_loop3A_169 : i32 to index
      %parallel_loop3A_171 = arith.index_cast %parallel_loop3A_52 : i32 to index
      %parallel_loop3A_172 = tpu.vector_load %arg5[%parallel_loop3A_170, %parallel_loop3A_171] {strides = array<i32>} : memref<64x320xf32, #tpu.memory_space<vmem>>, vector<16xf32>,
      %parallel_loop3A_173 = arith.addf %parallel_loop3A_163, %parallel_loop3A_172 : vector<16xf32>
      %parallel_loop3A_174 = arith.constant 55 : i32
      %parallel_loop3A_175 = arith.index_cast %parallel_loop3A_174 : i32 to index
      %parallel_loop3A_176 = arith.index_cast %parallel_loop3A_52 : i32 to index
      %parallel_loop3A_177 = tpu.vector_load %arg5[%parallel_loop3A_175, %parallel_loop3A_176] {strides = array<i32>} : memref<64x320xf32, #tpu.memory_space<vmem>>, vector<16xf32>,
      %parallel_loop3A_178 = arith.addf %parallel_loop3A_168, %parallel_loop3A_177 : vector<16xf32>
      %parallel_loop3A_179 = arith.constant 56 : i32
      %parallel_loop3A_180 = arith.index_cast %parallel_loop3A_179 : i32 to index
      %parallel_loop3A_181 = arith.index_cast %parallel_loop3A_52 : i32 to index
      %parallel_loop3A_182 = tpu.vector_load %arg5[%parallel_loop3A_180, %parallel_loop3A_181] {strides = array<i32>} : memref<64x320xf32, #tpu.memory_space<vmem>>, vector<16xf32>,
      %parallel_loop3A_183 = arith.addf %parallel_loop3A_173, %parallel_loop3A_182 : vector<16xf32>
      %parallel_loop3A_184 = arith.constant 57 : i32
      %parallel_loop3A_185 = arith.index_cast %parallel_loop3A_184 : i32 to index
      %parallel_loop3A_186 = arith.index_cast %parallel_loop3A_52 : i32 to index
      %parallel_loop3A_187 = tpu.vector_load %arg5[%parallel_loop3A_185, %parallel_loop3A_186] {strides = array<i32>} : memref<64x320xf32, #tpu.memory_space<vmem>>, vector<16xf32>,
      %parallel_loop3A_188 = arith.addf %parallel_loop3A_178, %parallel_loop3A_187 : vector<16xf32>
      %parallel_loop3A_189 = arith.constant 58 : i32
      %parallel_loop3A_190 = arith.index_cast %parallel_loop3A_189 : i32 to index
      %parallel_loop3A_191 = arith.index_cast %parallel_loop3A_52 : i32 to index
      %parallel_loop3A_192 = tpu.vector_load %arg5[%parallel_loop3A_190, %parallel_loop3A_191] {strides = array<i32>} : memref<64x320xf32, #tpu.memory_space<vmem>>, vector<16xf32>,
      %parallel_loop3A_193 = arith.addf %parallel_loop3A_183, %parallel_loop3A_192 : vector<16xf32>
      %parallel_loop3A_194 = arith.constant 59 : i32
      %parallel_loop3A_195 = arith.index_cast %parallel_loop3A_194 : i32 to index
      %parallel_loop3A_196 = arith.index_cast %parallel_loop3A_52 : i32 to index
      %parallel_loop3A_197 = tpu.vector_load %arg5[%parallel_loop3A_195, %parallel_loop3A_196] {strides = array<i32>} : memref<64x320xf32, #tpu.memory_space<vmem>>, vector<16xf32>,
      %parallel_loop3A_198 = arith.addf %parallel_loop3A_188, %parallel_loop3A_197 : vector<16xf32>
      %parallel_loop3A_199 = arith.constant 60 : i32
      %parallel_loop3A_200 = arith.index_cast %parallel_loop3A_199 : i32 to index
      %parallel_loop3A_201 = arith.index_cast %parallel_loop3A_52 : i32 to index
      %parallel_loop3A_202 = tpu.vector_load %arg5[%parallel_loop3A_200, %parallel_loop3A_201] {strides = array<i32>} : memref<64x320xf32, #tpu.memory_space<vmem>>, vector<16xf32>,
      %parallel_loop3A_203 = arith.addf %parallel_loop3A_193, %parallel_loop3A_202 : vector<16xf32>
      %parallel_loop3A_204 = arith.constant 61 : i32
      %parallel_loop3A_205 = arith.index_cast %parallel_loop3A_204 : i32 to index
      %parallel_loop3A_206 = arith.index_cast %parallel_loop3A_52 : i32 to index
      %parallel_loop3A_207 = tpu.vector_load %arg5[%parallel_loop3A_205, %parallel_loop3A_206] {strides = array<i32>} : memref<64x320xf32, #tpu.memory_space<vmem>>, vector<16xf32>,
      %parallel_loop3A_208 = arith.addf %parallel_loop3A_198, %parallel_loop3A_207 : vector<16xf32>
      %parallel_loop3A_209 = arith.constant 62 : i32
      %parallel_loop3A_210 = arith.index_cast %parallel_loop3A_209 : i32 to index
      %parallel_loop3A_211 = arith.index_cast %parallel_loop3A_52 : i32 to index
      %parallel_loop3A_212 = tpu.vector_load %arg5[%parallel_loop3A_210, %parallel_loop3A_211] {strides = array<i32>} : memref<64x320xf32, #tpu.memory_space<vmem>>, vector<16xf32>,
      %parallel_loop3A_213 = arith.addf %parallel_loop3A_203, %parallel_loop3A_212 : vector<16xf32>
      %parallel_loop3A_214 = arith.constant 63 : i32
      %parallel_loop3A_215 = arith.index_cast %parallel_loop3A_214 : i32 to index
      %parallel_loop3A_216 = arith.index_cast %parallel_loop3A_52 : i32 to index
      %parallel_loop3A_217 = tpu.vector_load %arg5[%parallel_loop3A_215, %parallel_loop3A_216] {strides = array<i32>} : memref<64x320xf32, #tpu.memory_space<vmem>>, vector<16xf32>,
      %parallel_loop3A_218 = arith.addf %parallel_loop3A_208, %parallel_loop3A_217 : vector<16xf32>
      %parallel_loop3A_219 = arith.index_cast %parallel_loop3A_52 : i32 to index
      %parallel_loop3A_220 = tpu.vector_load %arg6[%parallel_loop3A_219] {strides = array<i32>} : memref<320xf32, #tpu.memory_space<vmem>>, vector<16xf32>,
      %parallel_loop3A_221 = arith.subf %parallel_loop3A_220, %parallel_loop3A_213 : vector<16xf32>
      %parallel_loop3A_222 = arith.constant 9.99999993E-9 : f32
      %parallel_loop3A_223 = vector.broadcast %parallel_loop3A_222 : f32 to vector<16xf32>
      %parallel_loop3A_224 = arith.addf %parallel_loop3A_218, %parallel_loop3A_223 : vector<16xf32>
      %parallel_loop3A_225 = arith.divf %parallel_loop3A_221, %parallel_loop3A_224 : vector<16xf32>
      %parallel_loop3A_226 = arith.index_cast %parallel_loop3A_52 : i32 to index
      %parallel_loop3A_227 = tpu.vector_load %arg7[%parallel_loop3A_226] {strides = array<i32>} : memref<320xf32, #tpu.memory_space<vmem>>, vector<16xf32>,
      tpu.vector_store %arg7[%parallel_loop3A_226], %parallel_loop3A_225 {strides = array<i32>} : memref<320xf32, #tpu.memory_space<vmem>>, vector<16xf32>,
    } {sc.loop_unroll_factor = 4 : i64, sc.parallel_access}
    "tpu.region"() ({
      %run_scoped3A = tpu.sem_alloc : memref<!tpu.dma_semaphore, #tpu.memory_space<semaphore_mem>>
      %dma_start3A_50 = tpu.memref_slice %arg4[%mul3A_2] : memref<10240xf32, #tpu.memory_space<hbm>> -> memref<320xf32, #tpu.memory_space<hbm>>
      %dma_start3A_51 = tpu.memref_slice %arg4[%mul3A_2] : memref<10240xf32, #tpu.memory_space<hbm>> -> memref<320xf32, #tpu.memory_space<hbm>>
      tpu.enqueue_dma source(%arg7 : memref<320xf32, #tpu.memory_space<vmem>>) target(%dma_start3A_51 : memref<320xf32, #tpu.memory_space<hbm>>) target_semaphore(%run_scoped3A : memref<!tpu.dma_semaphore, #tpu.memory_space<semaphore_mem>>)
      %dma_wait3A_52 = tpu.memref_slice %arg4[%mul3A_2] : memref<10240xf32, #tpu.memory_space<hbm>> -> memref<320xf32, #tpu.memory_space<hbm>>
      %dma_wait3A_53 = tpu.memref_slice %arg4[%mul3A_2] : memref<10240xf32, #tpu.memory_space<hbm>> -> memref<320xf32, #tpu.memory_space<hbm>>
      tpu.wait_dma2 semaphore(%run_scoped3A : memref<!tpu.dma_semaphore, #tpu.memory_space<semaphore_mem>>) src(%arg7 : memref<320xf32, #tpu.memory_space<vmem>>) dst(%dma_wait3A_53 : memref<320xf32, #tpu.memory_space<hbm>>)
      tpu.yield
    }) : () -> ()
    return
  }
}

#map = affine_map<(d0, d1) -> (0)>
#map1 = affine_map<(d0, d1) -> (0, 0)>
module attributes {stable_mosaic.version = 14 : i64} {
  func.func @_p1_body(%arg0: i32, %arg1: i32, %arg2: memref<1600000xf32, #tpu.memory_space<hbm>>, %arg3: memref<1600000xf32, #tpu.memory_space<hbm>>, %arg4: memref<1600000xi32, #tpu.memory_space<hbm>>, %arg5: memref<64x10240xf32, #tpu.memory_space<hbm>>, %arg6: memref<10000xf32, #tpu.memory_space<vmem>>, %arg7: memref<10000xf32, #tpu.memory_space<vmem>>, %arg8: memref<10000xi32, #tpu.memory_space<vmem>>, %arg9: memref<10000xf32, #tpu.memory_space<vmem>>, %arg10: memref<10000xf32, #tpu.memory_space<vmem>>, %arg11: memref<10000xi32, #tpu.memory_space<vmem>>, %arg12: memref<10240xf32, #tpu.memory_space<vmem>>, %arg13: memref<10240xf32, #tpu.memory_space<vmem>>, %arg14: memref<!tpu.dma_semaphore, #tpu.memory_space<semaphore_mem>>, %arg15: memref<!tpu.dma_semaphore, #tpu.memory_space<semaphore_mem>>) attributes {dimension_semantics = [#tpu.dimension_semantics<core_parallel>, #tpu.dimension_semantics<subcore_parallel>], iteration_bounds = array<i64: 2, 16>, scalar_prefetch = 0 : i64, scratch_operands = 10 : i64, tpu.core_type = #tpu.core_type<sc_vector_subcore>, window_params = [{transform_indices = #map}, {transform_indices = #map}, {transform_indices = #map}, {transform_indices = #map1}]} {
    %mul3A = arith.constant 2 : i32
    %mul3A_0 = arith.muli %arg1, %mul3A : i32
    %add3A = arith.addi %mul3A_0, %arg0 : i32
    %mul3A_1 = arith.constant 50000 : i32
    %mul3A_2 = arith.muli %add3A, %mul3A_1 : i32
    %add3A_3 = arith.constant 0 : i32
    %add3A_4 = arith.addi %mul3A_2, %add3A_3 : i32
    %dma_start3A = tpu.memref_slice %arg2[%add3A_4] : memref<1600000xf32, #tpu.memory_space<hbm>> -> memref<10000xf32, #tpu.memory_space<hbm>>
    %dma_start3A_5 = tpu.memref_slice %arg2[%add3A_4] : memref<1600000xf32, #tpu.memory_space<hbm>> -> memref<10000xf32, #tpu.memory_space<hbm>>
    tpu.enqueue_dma source(%dma_start3A_5 : memref<10000xf32, #tpu.memory_space<hbm>>) target(%arg6 : memref<10000xf32, #tpu.memory_space<vmem>>) target_semaphore(%arg14 : memref<!tpu.dma_semaphore, #tpu.memory_space<semaphore_mem>>)
    %dma_start3A_6 = tpu.memref_slice %arg3[%add3A_4] : memref<1600000xf32, #tpu.memory_space<hbm>> -> memref<10000xf32, #tpu.memory_space<hbm>>
    %dma_start3A_7 = tpu.memref_slice %arg3[%add3A_4] : memref<1600000xf32, #tpu.memory_space<hbm>> -> memref<10000xf32, #tpu.memory_space<hbm>>
    tpu.enqueue_dma source(%dma_start3A_7 : memref<10000xf32, #tpu.memory_space<hbm>>) target(%arg7 : memref<10000xf32, #tpu.memory_space<vmem>>) target_semaphore(%arg14 : memref<!tpu.dma_semaphore, #tpu.memory_space<semaphore_mem>>)
    %dma_start3A_8 = tpu.memref_slice %arg4[%add3A_4] : memref<1600000xi32, #tpu.memory_space<hbm>> -> memref<10000xi32, #tpu.memory_space<hbm>>
    %dma_start3A_9 = tpu.memref_slice %arg4[%add3A_4] : memref<1600000xi32, #tpu.memory_space<hbm>> -> memref<10000xi32, #tpu.memory_space<hbm>>
    tpu.enqueue_dma source(%dma_start3A_9 : memref<10000xi32, #tpu.memory_space<hbm>>) target(%arg8 : memref<10000xi32, #tpu.memory_space<vmem>>) target_semaphore(%arg14 : memref<!tpu.dma_semaphore, #tpu.memory_space<semaphore_mem>>)
    %parallel_loop3A = arith.constant 0 : i32
    %parallel_loop3A_10 = arith.constant 640 : i32
    %parallel_loop3A_11 = arith.constant 1 : i32
    scf.for %parallel_loop3A_121 = %parallel_loop3A to %parallel_loop3A_10 step %parallel_loop3A_11  : i32 {
      %parallel_loop3A_122 = arith.constant 16 : i32
      %parallel_loop3A_123 = arith.muli %parallel_loop3A_121, %parallel_loop3A_122 : i32
      %parallel_loop3A_124 = arith.constant 0.000000e+00 : f32
      %parallel_loop3A_125 = vector.broadcast %parallel_loop3A_124 : f32 to vector<16xf32>
      %parallel_loop3A_126 = arith.index_cast %parallel_loop3A_123 : i32 to index
      %parallel_loop3A_127 = tpu.vector_load %arg12[%parallel_loop3A_126] {strides = array<i32>} : memref<10240xf32, #tpu.memory_space<vmem>>, vector<16xf32>,
      tpu.vector_store %arg12[%parallel_loop3A_126], %parallel_loop3A_125 {strides = array<i32>} : memref<10240xf32, #tpu.memory_space<vmem>>, vector<16xf32>,
      %parallel_loop3A_128 = arith.constant 0.000000e+00 : f32
      %parallel_loop3A_129 = vector.broadcast %parallel_loop3A_128 : f32 to vector<16xf32>
      %parallel_loop3A_130 = arith.index_cast %parallel_loop3A_123 : i32 to index
      %parallel_loop3A_131 = tpu.vector_load %arg13[%parallel_loop3A_130] {strides = array<i32>} : memref<10240xf32, #tpu.memory_space<vmem>>, vector<16xf32>,
      tpu.vector_store %arg13[%parallel_loop3A_130], %parallel_loop3A_129 {strides = array<i32>} : memref<10240xf32, #tpu.memory_space<vmem>>, vector<16xf32>,
    } {sc.loop_unroll_factor = 8 : i64, sc.parallel_access}
    %iota3A = tpu.iota {dimensions = array<i32: 0>} : vector<16xi32>
    %mul3A_12 = arith.constant 625 : i32
    %mul3A_13 = vector.broadcast %mul3A_12 : i32 to vector<16xi32>
    %mul3A_14 = arith.muli %iota3A, %mul3A_13 : vector<16xi32>
    %dma_wait3A = tpu.memref_slice %arg2[%add3A_4] : memref<1600000xf32, #tpu.memory_space<hbm>> -> memref<10000xf32, #tpu.memory_space<hbm>>
    %dma_wait3A_15 = tpu.memref_slice %arg2[%add3A_4] : memref<1600000xf32, #tpu.memory_space<hbm>> -> memref<10000xf32, #tpu.memory_space<hbm>>
    tpu.wait_dma2 semaphore(%arg14 : memref<!tpu.dma_semaphore, #tpu.memory_space<semaphore_mem>>) src(%dma_wait3A_15 : memref<10000xf32, #tpu.memory_space<hbm>>) dst(%arg6 : memref<10000xf32, #tpu.memory_space<vmem>>)
    %dma_wait3A_16 = tpu.memref_slice %arg3[%add3A_4] : memref<1600000xf32, #tpu.memory_space<hbm>> -> memref<10000xf32, #tpu.memory_space<hbm>>
    %dma_wait3A_17 = tpu.memref_slice %arg3[%add3A_4] : memref<1600000xf32, #tpu.memory_space<hbm>> -> memref<10000xf32, #tpu.memory_space<hbm>>
    tpu.wait_dma2 semaphore(%arg14 : memref<!tpu.dma_semaphore, #tpu.memory_space<semaphore_mem>>) src(%dma_wait3A_17 : memref<10000xf32, #tpu.memory_space<hbm>>) dst(%arg7 : memref<10000xf32, #tpu.memory_space<vmem>>)
    %dma_wait3A_18 = tpu.memref_slice %arg4[%add3A_4] : memref<1600000xi32, #tpu.memory_space<hbm>> -> memref<10000xi32, #tpu.memory_space<hbm>>
    %dma_wait3A_19 = tpu.memref_slice %arg4[%add3A_4] : memref<1600000xi32, #tpu.memory_space<hbm>> -> memref<10000xi32, #tpu.memory_space<hbm>>
    tpu.wait_dma2 semaphore(%arg14 : memref<!tpu.dma_semaphore, #tpu.memory_space<semaphore_mem>>) src(%dma_wait3A_19 : memref<10000xi32, #tpu.memory_space<hbm>>) dst(%arg8 : memref<10000xi32, #tpu.memory_space<vmem>>)
    %add3A_20 = arith.constant 10000 : i32
    %add3A_21 = arith.addi %mul3A_2, %add3A_20 : i32
    %dma_start3A_22 = tpu.memref_slice %arg2[%add3A_21] : memref<1600000xf32, #tpu.memory_space<hbm>> -> memref<10000xf32, #tpu.memory_space<hbm>>
    %dma_start3A_23 = tpu.memref_slice %arg2[%add3A_21] : memref<1600000xf32, #tpu.memory_space<hbm>> -> memref<10000xf32, #tpu.memory_space<hbm>>
    tpu.enqueue_dma source(%dma_start3A_23 : memref<10000xf32, #tpu.memory_space<hbm>>) target(%arg9 : memref<10000xf32, #tpu.memory_space<vmem>>) target_semaphore(%arg15 : memref<!tpu.dma_semaphore, #tpu.memory_space<semaphore_mem>>)
    %dma_start3A_24 = tpu.memref_slice %arg3[%add3A_21] : memref<1600000xf32, #tpu.memory_space<hbm>> -> memref<10000xf32, #tpu.memory_space<hbm>>
    %dma_start3A_25 = tpu.memref_slice %arg3[%add3A_21] : memref<1600000xf32, #tpu.memory_space<hbm>> -> memref<10000xf32, #tpu.memory_space<hbm>>
    tpu.enqueue_dma source(%dma_start3A_25 : memref<10000xf32, #tpu.memory_space<hbm>>) target(%arg10 : memref<10000xf32, #tpu.memory_space<vmem>>) target_semaphore(%arg15 : memref<!tpu.dma_semaphore, #tpu.memory_space<semaphore_mem>>)
    %dma_start3A_26 = tpu.memref_slice %arg4[%add3A_21] : memref<1600000xi32, #tpu.memory_space<hbm>> -> memref<10000xi32, #tpu.memory_space<hbm>>
    %dma_start3A_27 = tpu.memref_slice %arg4[%add3A_21] : memref<1600000xi32, #tpu.memory_space<hbm>> -> memref<10000xi32, #tpu.memory_space<hbm>>
    tpu.enqueue_dma source(%dma_start3A_27 : memref<10000xi32, #tpu.memory_space<hbm>>) target(%arg11 : memref<10000xi32, #tpu.memory_space<vmem>>) target_semaphore(%arg15 : memref<!tpu.dma_semaphore, #tpu.memory_space<semaphore_mem>>)
    %parallel_loop3A_28 = arith.constant 0 : i32
    %parallel_loop3A_29 = arith.constant 625 : i32
    %parallel_loop3A_30 = arith.constant 1 : i32
    scf.for %parallel_loop3A_121 = %parallel_loop3A_28 to %parallel_loop3A_29 step %parallel_loop3A_30  : i32 {
      %parallel_loop3A_122 = vector.broadcast %parallel_loop3A_121 : i32 to vector<16xi32>
      %parallel_loop3A_123 = arith.addi %mul3A_14, %parallel_loop3A_122 : vector<16xi32>
      %parallel_loop3A_124 = tpu.vector_load_idx %arg8[%parallel_loop3A_123] : memref<10000xi32, #tpu.memory_space<vmem>>[vector<16xi32>], vector<16xi32>,
      %parallel_loop3A_125 = tpu.vector_load_idx %arg6[%parallel_loop3A_123] : memref<10000xf32, #tpu.memory_space<vmem>>[vector<16xi32>], vector<16xf32>,
      %parallel_loop3A_126 = tpu.vector_load_idx %arg7[%parallel_loop3A_123] : memref<10000xf32, #tpu.memory_space<vmem>>[vector<16xi32>], vector<16xf32>,
      %parallel_loop3A_127 = math.exp %parallel_loop3A_126 : vector<16xf32>
      tpu.vector_store_idx %arg12[%parallel_loop3A_124], %parallel_loop3A_125 {add = true} : memref<10240xf32, #tpu.memory_space<vmem>>[vector<16xi32>], vector<16xf32>,
      tpu.vector_store_idx %arg13[%parallel_loop3A_124], %parallel_loop3A_127 {add = true} : memref<10240xf32, #tpu.memory_space<vmem>>[vector<16xi32>], vector<16xf32>,
    } {sc.loop_unroll_factor = 5 : i64, sc.parallel_access}
    %dma_wait3A_31 = tpu.memref_slice %arg2[%add3A_21] : memref<1600000xf32, #tpu.memory_space<hbm>> -> memref<10000xf32, #tpu.memory_space<hbm>>
    %dma_wait3A_32 = tpu.memref_slice %arg2[%add3A_21] : memref<1600000xf32, #tpu.memory_space<hbm>> -> memref<10000xf32, #tpu.memory_space<hbm>>
    tpu.wait_dma2 semaphore(%arg15 : memref<!tpu.dma_semaphore, #tpu.memory_space<semaphore_mem>>) src(%dma_wait3A_32 : memref<10000xf32, #tpu.memory_space<hbm>>) dst(%arg9 : memref<10000xf32, #tpu.memory_space<vmem>>)
    %dma_wait3A_33 = tpu.memref_slice %arg3[%add3A_21] : memref<1600000xf32, #tpu.memory_space<hbm>> -> memref<10000xf32, #tpu.memory_space<hbm>>
    %dma_wait3A_34 = tpu.memref_slice %arg3[%add3A_21] : memref<1600000xf32, #tpu.memory_space<hbm>> -> memref<10000xf32, #tpu.memory_space<hbm>>
    tpu.wait_dma2 semaphore(%arg15 : memref<!tpu.dma_semaphore, #tpu.memory_space<semaphore_mem>>) src(%dma_wait3A_34 : memref<10000xf32, #tpu.memory_space<hbm>>) dst(%arg10 : memref<10000xf32, #tpu.memory_space<vmem>>)
    %dma_wait3A_35 = tpu.memref_slice %arg4[%add3A_21] : memref<1600000xi32, #tpu.memory_space<hbm>> -> memref<10000xi32, #tpu.memory_space<hbm>>
    %dma_wait3A_36 = tpu.memref_slice %arg4[%add3A_21] : memref<1600000xi32, #tpu.memory_space<hbm>> -> memref<10000xi32, #tpu.memory_space<hbm>>
    tpu.wait_dma2 semaphore(%arg15 : memref<!tpu.dma_semaphore, #tpu.memory_space<semaphore_mem>>) src(%dma_wait3A_36 : memref<10000xi32, #tpu.memory_space<hbm>>) dst(%arg11 : memref<10000xi32, #tpu.memory_space<vmem>>)
    %add3A_37 = arith.constant 20000 : i32
    %add3A_38 = arith.addi %mul3A_2, %add3A_37 : i32
    %dma_start3A_39 = tpu.memref_slice %arg2[%add3A_38] : memref<1600000xf32, #tpu.memory_space<hbm>> -> memref<10000xf32, #tpu.memory_space<hbm>>
    %dma_start3A_40 = tpu.memref_slice %arg2[%add3A_38] : memref<1600000xf32, #tpu.memory_space<hbm>> -> memref<10000xf32, #tpu.memory_space<hbm>>
    tpu.enqueue_dma source(%dma_start3A_40 : memref<10000xf32, #tpu.memory_space<hbm>>) target(%arg6 : memref<10000xf32, #tpu.memory_space<vmem>>) target_semaphore(%arg14 : memref<!tpu.dma_semaphore, #tpu.memory_space<semaphore_mem>>)
    %dma_start3A_41 = tpu.memref_slice %arg3[%add3A_38] : memref<1600000xf32, #tpu.memory_space<hbm>> -> memref<10000xf32, #tpu.memory_space<hbm>>
    %dma_start3A_42 = tpu.memref_slice %arg3[%add3A_38] : memref<1600000xf32, #tpu.memory_space<hbm>> -> memref<10000xf32, #tpu.memory_space<hbm>>
    tpu.enqueue_dma source(%dma_start3A_42 : memref<10000xf32, #tpu.memory_space<hbm>>) target(%arg7 : memref<10000xf32, #tpu.memory_space<vmem>>) target_semaphore(%arg14 : memref<!tpu.dma_semaphore, #tpu.memory_space<semaphore_mem>>)
    %dma_start3A_43 = tpu.memref_slice %arg4[%add3A_38] : memref<1600000xi32, #tpu.memory_space<hbm>> -> memref<10000xi32, #tpu.memory_space<hbm>>
    %dma_start3A_44 = tpu.memref_slice %arg4[%add3A_38] : memref<1600000xi32, #tpu.memory_space<hbm>> -> memref<10000xi32, #tpu.memory_space<hbm>>
    tpu.enqueue_dma source(%dma_start3A_44 : memref<10000xi32, #tpu.memory_space<hbm>>) target(%arg8 : memref<10000xi32, #tpu.memory_space<vmem>>) target_semaphore(%arg14 : memref<!tpu.dma_semaphore, #tpu.memory_space<semaphore_mem>>)
    %parallel_loop3A_45 = arith.constant 0 : i32
    %parallel_loop3A_46 = arith.constant 625 : i32
    %parallel_loop3A_47 = arith.constant 1 : i32
    scf.for %parallel_loop3A_121 = %parallel_loop3A_45 to %parallel_loop3A_46 step %parallel_loop3A_47  : i32 {
      %parallel_loop3A_122 = vector.broadcast %parallel_loop3A_121 : i32 to vector<16xi32>
      %parallel_loop3A_123 = arith.addi %mul3A_14, %parallel_loop3A_122 : vector<16xi32>
      %parallel_loop3A_124 = tpu.vector_load_idx %arg11[%parallel_loop3A_123] : memref<10000xi32, #tpu.memory_space<vmem>>[vector<16xi32>], vector<16xi32>,
      %parallel_loop3A_125 = tpu.vector_load_idx %arg9[%parallel_loop3A_123] : memref<10000xf32, #tpu.memory_space<vmem>>[vector<16xi32>], vector<16xf32>,
      %parallel_loop3A_126 = tpu.vector_load_idx %arg10[%parallel_loop3A_123] : memref<10000xf32, #tpu.memory_space<vmem>>[vector<16xi32>], vector<16xf32>,
      %parallel_loop3A_127 = math.exp %parallel_loop3A_126 : vector<16xf32>
      tpu.vector_store_idx %arg12[%parallel_loop3A_124], %parallel_loop3A_125 {add = true} : memref<10240xf32, #tpu.memory_space<vmem>>[vector<16xi32>], vector<16xf32>,
      tpu.vector_store_idx %arg13[%parallel_loop3A_124], %parallel_loop3A_127 {add = true} : memref<10240xf32, #tpu.memory_space<vmem>>[vector<16xi32>], vector<16xf32>,
    } {sc.loop_unroll_factor = 5 : i64, sc.parallel_access}
    %dma_wait3A_48 = tpu.memref_slice %arg2[%add3A_38] : memref<1600000xf32, #tpu.memory_space<hbm>> -> memref<10000xf32, #tpu.memory_space<hbm>>
    %dma_wait3A_49 = tpu.memref_slice %arg2[%add3A_38] : memref<1600000xf32, #tpu.memory_space<hbm>> -> memref<10000xf32, #tpu.memory_space<hbm>>
    tpu.wait_dma2 semaphore(%arg14 : memref<!tpu.dma_semaphore, #tpu.memory_space<semaphore_mem>>) src(%dma_wait3A_49 : memref<10000xf32, #tpu.memory_space<hbm>>) dst(%arg6 : memref<10000xf32, #tpu.memory_space<vmem>>)
    %dma_wait3A_50 = tpu.memref_slice %arg3[%add3A_38] : memref<1600000xf32, #tpu.memory_space<hbm>> -> memref<10000xf32, #tpu.memory_space<hbm>>
    %dma_wait3A_51 = tpu.memref_slice %arg3[%add3A_38] : memref<1600000xf32, #tpu.memory_space<hbm>> -> memref<10000xf32, #tpu.memory_space<hbm>>
    tpu.wait_dma2 semaphore(%arg14 : memref<!tpu.dma_semaphore, #tpu.memory_space<semaphore_mem>>) src(%dma_wait3A_51 : memref<10000xf32, #tpu.memory_space<hbm>>) dst(%arg7 : memref<10000xf32, #tpu.memory_space<vmem>>)
    %dma_wait3A_52 = tpu.memref_slice %arg4[%add3A_38] : memref<1600000xi32, #tpu.memory_space<hbm>> -> memref<10000xi32, #tpu.memory_space<hbm>>
    %dma_wait3A_53 = tpu.memref_slice %arg4[%add3A_38] : memref<1600000xi32, #tpu.memory_space<hbm>> -> memref<10000xi32, #tpu.memory_space<hbm>>
    tpu.wait_dma2 semaphore(%arg14 : memref<!tpu.dma_semaphore, #tpu.memory_space<semaphore_mem>>) src(%dma_wait3A_53 : memref<10000xi32, #tpu.memory_space<hbm>>) dst(%arg8 : memref<10000xi32, #tpu.memory_space<vmem>>)
    %add3A_54 = arith.constant 30000 : i32
    %add3A_55 = arith.addi %mul3A_2, %add3A_54 : i32
    %dma_start3A_56 = tpu.memref_slice %arg2[%add3A_55] : memref<1600000xf32, #tpu.memory_space<hbm>> -> memref<10000xf32, #tpu.memory_space<hbm>>
    %dma_start3A_57 = tpu.memref_slice %arg2[%add3A_55] : memref<1600000xf32, #tpu.memory_space<hbm>> -> memref<10000xf32, #tpu.memory_space<hbm>>
    tpu.enqueue_dma source(%dma_start3A_57 : memref<10000xf32, #tpu.memory_space<hbm>>) target(%arg9 : memref<10000xf32, #tpu.memory_space<vmem>>) target_semaphore(%arg15 : memref<!tpu.dma_semaphore, #tpu.memory_space<semaphore_mem>>)
    %dma_start3A_58 = tpu.memref_slice %arg3[%add3A_55] : memref<1600000xf32, #tpu.memory_space<hbm>> -> memref<10000xf32, #tpu.memory_space<hbm>>
    %dma_start3A_59 = tpu.memref_slice %arg3[%add3A_55] : memref<1600000xf32, #tpu.memory_space<hbm>> -> memref<10000xf32, #tpu.memory_space<hbm>>
    tpu.enqueue_dma source(%dma_start3A_59 : memref<10000xf32, #tpu.memory_space<hbm>>) target(%arg10 : memref<10000xf32, #tpu.memory_space<vmem>>) target_semaphore(%arg15 : memref<!tpu.dma_semaphore, #tpu.memory_space<semaphore_mem>>)
    %dma_start3A_60 = tpu.memref_slice %arg4[%add3A_55] : memref<1600000xi32, #tpu.memory_space<hbm>> -> memref<10000xi32, #tpu.memory_space<hbm>>
    %dma_start3A_61 = tpu.memref_slice %arg4[%add3A_55] : memref<1600000xi32, #tpu.memory_space<hbm>> -> memref<10000xi32, #tpu.memory_space<hbm>>
    tpu.enqueue_dma source(%dma_start3A_61 : memref<10000xi32, #tpu.memory_space<hbm>>) target(%arg11 : memref<10000xi32, #tpu.memory_space<vmem>>) target_semaphore(%arg15 : memref<!tpu.dma_semaphore, #tpu.memory_space<semaphore_mem>>)
    %parallel_loop3A_62 = arith.constant 0 : i32
    %parallel_loop3A_63 = arith.constant 625 : i32
    %parallel_loop3A_64 = arith.constant 1 : i32
    scf.for %parallel_loop3A_121 = %parallel_loop3A_62 to %parallel_loop3A_63 step %parallel_loop3A_64  : i32 {
      %parallel_loop3A_122 = vector.broadcast %parallel_loop3A_121 : i32 to vector<16xi32>
      %parallel_loop3A_123 = arith.addi %mul3A_14, %parallel_loop3A_122 : vector<16xi32>
      %parallel_loop3A_124 = tpu.vector_load_idx %arg8[%parallel_loop3A_123] : memref<10000xi32, #tpu.memory_space<vmem>>[vector<16xi32>], vector<16xi32>,
      %parallel_loop3A_125 = tpu.vector_load_idx %arg6[%parallel_loop3A_123] : memref<10000xf32, #tpu.memory_space<vmem>>[vector<16xi32>], vector<16xf32>,
      %parallel_loop3A_126 = tpu.vector_load_idx %arg7[%parallel_loop3A_123] : memref<10000xf32, #tpu.memory_space<vmem>>[vector<16xi32>], vector<16xf32>,
      %parallel_loop3A_127 = math.exp %parallel_loop3A_126 : vector<16xf32>
      tpu.vector_store_idx %arg12[%parallel_loop3A_124], %parallel_loop3A_125 {add = true} : memref<10240xf32, #tpu.memory_space<vmem>>[vector<16xi32>], vector<16xf32>,
      tpu.vector_store_idx %arg13[%parallel_loop3A_124], %parallel_loop3A_127 {add = true} : memref<10240xf32, #tpu.memory_space<vmem>>[vector<16xi32>], vector<16xf32>,
    } {sc.loop_unroll_factor = 5 : i64, sc.parallel_access}
    %dma_wait3A_65 = tpu.memref_slice %arg2[%add3A_55] : memref<1600000xf32, #tpu.memory_space<hbm>> -> memref<10000xf32, #tpu.memory_space<hbm>>
    %dma_wait3A_66 = tpu.memref_slice %arg2[%add3A_55] : memref<1600000xf32, #tpu.memory_space<hbm>> -> memref<10000xf32, #tpu.memory_space<hbm>>
    tpu.wait_dma2 semaphore(%arg15 : memref<!tpu.dma_semaphore, #tpu.memory_space<semaphore_mem>>) src(%dma_wait3A_66 : memref<10000xf32, #tpu.memory_space<hbm>>) dst(%arg9 : memref<10000xf32, #tpu.memory_space<vmem>>)
    %dma_wait3A_67 = tpu.memref_slice %arg3[%add3A_55] : memref<1600000xf32, #tpu.memory_space<hbm>> -> memref<10000xf32, #tpu.memory_space<hbm>>
    %dma_wait3A_68 = tpu.memref_slice %arg3[%add3A_55] : memref<1600000xf32, #tpu.memory_space<hbm>> -> memref<10000xf32, #tpu.memory_space<hbm>>
    tpu.wait_dma2 semaphore(%arg15 : memref<!tpu.dma_semaphore, #tpu.memory_space<semaphore_mem>>) src(%dma_wait3A_68 : memref<10000xf32, #tpu.memory_space<hbm>>) dst(%arg10 : memref<10000xf32, #tpu.memory_space<vmem>>)
    %dma_wait3A_69 = tpu.memref_slice %arg4[%add3A_55] : memref<1600000xi32, #tpu.memory_space<hbm>> -> memref<10000xi32, #tpu.memory_space<hbm>>
    %dma_wait3A_70 = tpu.memref_slice %arg4[%add3A_55] : memref<1600000xi32, #tpu.memory_space<hbm>> -> memref<10000xi32, #tpu.memory_space<hbm>>
    tpu.wait_dma2 semaphore(%arg15 : memref<!tpu.dma_semaphore, #tpu.memory_space<semaphore_mem>>) src(%dma_wait3A_70 : memref<10000xi32, #tpu.memory_space<hbm>>) dst(%arg11 : memref<10000xi32, #tpu.memory_space<vmem>>)
    %add3A_71 = arith.constant 40000 : i32
    %add3A_72 = arith.addi %mul3A_2, %add3A_71 : i32
    %dma_start3A_73 = tpu.memref_slice %arg2[%add3A_72] : memref<1600000xf32, #tpu.memory_space<hbm>> -> memref<10000xf32, #tpu.memory_space<hbm>>
    %dma_start3A_74 = tpu.memref_slice %arg2[%add3A_72] : memref<1600000xf32, #tpu.memory_space<hbm>> -> memref<10000xf32, #tpu.memory_space<hbm>>
    tpu.enqueue_dma source(%dma_start3A_74 : memref<10000xf32, #tpu.memory_space<hbm>>) target(%arg6 : memref<10000xf32, #tpu.memory_space<vmem>>) target_semaphore(%arg14 : memref<!tpu.dma_semaphore, #tpu.memory_space<semaphore_mem>>)
    %dma_start3A_75 = tpu.memref_slice %arg3[%add3A_72] : memref<1600000xf32, #tpu.memory_space<hbm>> -> memref<10000xf32, #tpu.memory_space<hbm>>
    %dma_start3A_76 = tpu.memref_slice %arg3[%add3A_72] : memref<1600000xf32, #tpu.memory_space<hbm>> -> memref<10000xf32, #tpu.memory_space<hbm>>
    tpu.enqueue_dma source(%dma_start3A_76 : memref<10000xf32, #tpu.memory_space<hbm>>) target(%arg7 : memref<10000xf32, #tpu.memory_space<vmem>>) target_semaphore(%arg14 : memref<!tpu.dma_semaphore, #tpu.memory_space<semaphore_mem>>)
    %dma_start3A_77 = tpu.memref_slice %arg4[%add3A_72] : memref<1600000xi32, #tpu.memory_space<hbm>> -> memref<10000xi32, #tpu.memory_space<hbm>>
    %dma_start3A_78 = tpu.memref_slice %arg4[%add3A_72] : memref<1600000xi32, #tpu.memory_space<hbm>> -> memref<10000xi32, #tpu.memory_space<hbm>>
    tpu.enqueue_dma source(%dma_start3A_78 : memref<10000xi32, #tpu.memory_space<hbm>>) target(%arg8 : memref<10000xi32, #tpu.memory_space<vmem>>) target_semaphore(%arg14 : memref<!tpu.dma_semaphore, #tpu.memory_space<semaphore_mem>>)
    %parallel_loop3A_79 = arith.constant 0 : i32
    %parallel_loop3A_80 = arith.constant 625 : i32
    %parallel_loop3A_81 = arith.constant 1 : i32
    scf.for %parallel_loop3A_121 = %parallel_loop3A_79 to %parallel_loop3A_80 step %parallel_loop3A_81  : i32 {
      %parallel_loop3A_122 = vector.broadcast %parallel_loop3A_121 : i32 to vector<16xi32>
      %parallel_loop3A_123 = arith.addi %mul3A_14, %parallel_loop3A_122 : vector<16xi32>
      %parallel_loop3A_124 = tpu.vector_load_idx %arg11[%parallel_loop3A_123] : memref<10000xi32, #tpu.memory_space<vmem>>[vector<16xi32>], vector<16xi32>,
      %parallel_loop3A_125 = tpu.vector_load_idx %arg9[%parallel_loop3A_123] : memref<10000xf32, #tpu.memory_space<vmem>>[vector<16xi32>], vector<16xf32>,
      %parallel_loop3A_126 = tpu.vector_load_idx %arg10[%parallel_loop3A_123] : memref<10000xf32, #tpu.memory_space<vmem>>[vector<16xi32>], vector<16xf32>,
      %parallel_loop3A_127 = math.exp %parallel_loop3A_126 : vector<16xf32>
      tpu.vector_store_idx %arg12[%parallel_loop3A_124], %parallel_loop3A_125 {add = true} : memref<10240xf32, #tpu.memory_space<vmem>>[vector<16xi32>], vector<16xf32>,
      tpu.vector_store_idx %arg13[%parallel_loop3A_124], %parallel_loop3A_127 {add = true} : memref<10240xf32, #tpu.memory_space<vmem>>[vector<16xi32>], vector<16xf32>,
    } {sc.loop_unroll_factor = 5 : i64, sc.parallel_access}
    %dma_wait3A_82 = tpu.memref_slice %arg2[%add3A_72] : memref<1600000xf32, #tpu.memory_space<hbm>> -> memref<10000xf32, #tpu.memory_space<hbm>>
    %dma_wait3A_83 = tpu.memref_slice %arg2[%add3A_72] : memref<1600000xf32, #tpu.memory_space<hbm>> -> memref<10000xf32, #tpu.memory_space<hbm>>
    tpu.wait_dma2 semaphore(%arg14 : memref<!tpu.dma_semaphore, #tpu.memory_space<semaphore_mem>>) src(%dma_wait3A_83 : memref<10000xf32, #tpu.memory_space<hbm>>) dst(%arg6 : memref<10000xf32, #tpu.memory_space<vmem>>)
    %dma_wait3A_84 = tpu.memref_slice %arg3[%add3A_72] : memref<1600000xf32, #tpu.memory_space<hbm>> -> memref<10000xf32, #tpu.memory_space<hbm>>
    %dma_wait3A_85 = tpu.memref_slice %arg3[%add3A_72] : memref<1600000xf32, #tpu.memory_space<hbm>> -> memref<10000xf32, #tpu.memory_space<hbm>>
    tpu.wait_dma2 semaphore(%arg14 : memref<!tpu.dma_semaphore, #tpu.memory_space<semaphore_mem>>) src(%dma_wait3A_85 : memref<10000xf32, #tpu.memory_space<hbm>>) dst(%arg7 : memref<10000xf32, #tpu.memory_space<vmem>>)
    %dma_wait3A_86 = tpu.memref_slice %arg4[%add3A_72] : memref<1600000xi32, #tpu.memory_space<hbm>> -> memref<10000xi32, #tpu.memory_space<hbm>>
    %dma_wait3A_87 = tpu.memref_slice %arg4[%add3A_72] : memref<1600000xi32, #tpu.memory_space<hbm>> -> memref<10000xi32, #tpu.memory_space<hbm>>
    tpu.wait_dma2 semaphore(%arg14 : memref<!tpu.dma_semaphore, #tpu.memory_space<semaphore_mem>>) src(%dma_wait3A_87 : memref<10000xi32, #tpu.memory_space<hbm>>) dst(%arg8 : memref<10000xi32, #tpu.memory_space<vmem>>)
    %parallel_loop3A_88 = arith.constant 0 : i32
    %parallel_loop3A_89 = arith.constant 625 : i32
    %parallel_loop3A_90 = arith.constant 1 : i32
    scf.for %parallel_loop3A_121 = %parallel_loop3A_88 to %parallel_loop3A_89 step %parallel_loop3A_90  : i32 {
      %parallel_loop3A_122 = vector.broadcast %parallel_loop3A_121 : i32 to vector<16xi32>
      %parallel_loop3A_123 = arith.addi %mul3A_14, %parallel_loop3A_122 : vector<16xi32>
      %parallel_loop3A_124 = tpu.vector_load_idx %arg8[%parallel_loop3A_123] : memref<10000xi32, #tpu.memory_space<vmem>>[vector<16xi32>], vector<16xi32>,
      %parallel_loop3A_125 = tpu.vector_load_idx %arg6[%parallel_loop3A_123] : memref<10000xf32, #tpu.memory_space<vmem>>[vector<16xi32>], vector<16xf32>,
      %parallel_loop3A_126 = tpu.vector_load_idx %arg7[%parallel_loop3A_123] : memref<10000xf32, #tpu.memory_space<vmem>>[vector<16xi32>], vector<16xf32>,
      %parallel_loop3A_127 = math.exp %parallel_loop3A_126 : vector<16xf32>
      tpu.vector_store_idx %arg12[%parallel_loop3A_124], %parallel_loop3A_125 {add = true} : memref<10240xf32, #tpu.memory_space<vmem>>[vector<16xi32>], vector<16xf32>,
      tpu.vector_store_idx %arg13[%parallel_loop3A_124], %parallel_loop3A_127 {add = true} : memref<10240xf32, #tpu.memory_space<vmem>>[vector<16xi32>], vector<16xf32>,
    } {sc.loop_unroll_factor = 5 : i64, sc.parallel_access}
    %mul3A_91 = arith.constant 2 : i32
    %mul3A_92 = arith.muli %mul3A_91, %add3A : i32
    %dma_start3A_93 = arith.constant 0 : i32
    %dma_start3A_94 = tpu.memref_slice %arg5[%mul3A_92, %dma_start3A_93] : memref<64x10240xf32, #tpu.memory_space<hbm>> -> memref<1x10240xf32, #tpu.memory_space<hbm>>
    %dma_start3A_95 = tpu.memref_squeeze %dma_start3A_94 : memref<1x10240xf32, #tpu.memory_space<hbm>> -> memref<10240xf32, #tpu.memory_space<hbm>>
    %dma_start3A_96 = arith.constant 0 : i32
    %dma_start3A_97 = tpu.memref_slice %arg5[%mul3A_92, %dma_start3A_96] : memref<64x10240xf32, #tpu.memory_space<hbm>> -> memref<1x10240xf32, #tpu.memory_space<hbm>>
    %dma_start3A_98 = tpu.memref_squeeze %dma_start3A_97 : memref<1x10240xf32, #tpu.memory_space<hbm>> -> memref<10240xf32, #tpu.memory_space<hbm>>
    tpu.enqueue_dma source(%arg12 : memref<10240xf32, #tpu.memory_space<vmem>>) target(%dma_start3A_98 : memref<10240xf32, #tpu.memory_space<hbm>>) target_semaphore(%arg14 : memref<!tpu.dma_semaphore, #tpu.memory_space<semaphore_mem>>)
    %mul3A_99 = arith.constant 2 : i32
    %mul3A_100 = arith.muli %mul3A_99, %add3A : i32
    %add3A_101 = arith.constant 1 : i32
    %add3A_102 = arith.addi %mul3A_100, %add3A_101 : i32
    %dma_start3A_103 = arith.constant 0 : i32
    %dma_start3A_104 = tpu.memref_slice %arg5[%add3A_102, %dma_start3A_103] : memref<64x10240xf32, #tpu.memory_space<hbm>> -> memref<1x10240xf32, #tpu.memory_space<hbm>>
    %dma_start3A_105 = tpu.memref_squeeze %dma_start3A_104 : memref<1x10240xf32, #tpu.memory_space<hbm>> -> memref<10240xf32, #tpu.memory_space<hbm>>
    %dma_start3A_106 = arith.constant 0 : i32
    %dma_start3A_107 = tpu.memref_slice %arg5[%add3A_102, %dma_start3A_106] : memref<64x10240xf32, #tpu.memory_space<hbm>> -> memref<1x10240xf32, #tpu.memory_space<hbm>>
    %dma_start3A_108 = tpu.memref_squeeze %dma_start3A_107 : memref<1x10240xf32, #tpu.memory_space<hbm>> -> memref<10240xf32, #tpu.memory_space<hbm>>
    tpu.enqueue_dma source(%arg13 : memref<10240xf32, #tpu.memory_space<vmem>>) target(%dma_start3A_108 : memref<10240xf32, #tpu.memory_space<hbm>>) target_semaphore(%arg15 : memref<!tpu.dma_semaphore, #tpu.memory_space<semaphore_mem>>)
    %dma_wait3A_109 = arith.constant 0 : i32
    %dma_wait3A_110 = tpu.memref_slice %arg5[%mul3A_92, %dma_wait3A_109] : memref<64x10240xf32, #tpu.memory_space<hbm>> -> memref<1x10240xf32, #tpu.memory_space<hbm>>
    %dma_wait3A_111 = tpu.memref_squeeze %dma_wait3A_110 : memref<1x10240xf32, #tpu.memory_space<hbm>> -> memref<10240xf32, #tpu.memory_space<hbm>>
    %dma_wait3A_112 = arith.constant 0 : i32
    %dma_wait3A_113 = tpu.memref_slice %arg5[%mul3A_92, %dma_wait3A_112] : memref<64x10240xf32, #tpu.memory_space<hbm>> -> memref<1x10240xf32, #tpu.memory_space<hbm>>
    %dma_wait3A_114 = tpu.memref_squeeze %dma_wait3A_113 : memref<1x10240xf32, #tpu.memory_space<hbm>> -> memref<10240xf32, #tpu.memory_space<hbm>>
    tpu.wait_dma2 semaphore(%arg14 : memref<!tpu.dma_semaphore, #tpu.memory_space<semaphore_mem>>) src(%arg12 : memref<10240xf32, #tpu.memory_space<vmem>>) dst(%dma_wait3A_114 : memref<10240xf32, #tpu.memory_space<hbm>>)
    %dma_wait3A_115 = arith.constant 0 : i32
    %dma_wait3A_116 = tpu.memref_slice %arg5[%add3A_102, %dma_wait3A_115] : memref<64x10240xf32, #tpu.memory_space<hbm>> -> memref<1x10240xf32, #tpu.memory_space<hbm>>
    %dma_wait3A_117 = tpu.memref_squeeze %dma_wait3A_116 : memref<1x10240xf32, #tpu.memory_space<hbm>> -> memref<10240xf32, #tpu.memory_space<hbm>>
    %dma_wait3A_118 = arith.constant 0 : i32
    %dma_wait3A_119 = tpu.memref_slice %arg5[%add3A_102, %dma_wait3A_118] : memref<64x10240xf32, #tpu.memory_space<hbm>> -> memref<1x10240xf32, #tpu.memory_space<hbm>>
    %dma_wait3A_120 = tpu.memref_squeeze %dma_wait3A_119 : memref<1x10240xf32, #tpu.memory_space<hbm>> -> memref<10240xf32, #tpu.memory_space<hbm>>
    tpu.wait_dma2 semaphore(%arg15 : memref<!tpu.dma_semaphore, #tpu.memory_space<semaphore_mem>>) src(%arg13 : memref<10240xf32, #tpu.memory_space<vmem>>) dst(%dma_wait3A_120 : memref<10240xf32, #tpu.memory_space<hbm>>)
    return
  }
}

#map = affine_map<(d0, d1) -> (0)>
module attributes {stable_mosaic.version = 14 : i64} {
  func.func @_p3_body(%arg0: i32, %arg1: i32, %arg2: memref<1600000xf32, #tpu.memory_space<hbm>>, %arg3: memref<1600000xf32, #tpu.memory_space<hbm>>, %arg4: memref<1600000xi32, #tpu.memory_space<hbm>>, %arg5: memref<10240xf32, #tpu.memory_space<hbm>>, %arg6: memref<1600000xf32, #tpu.memory_space<hbm>>, %arg7: memref<10000xf32, #tpu.memory_space<vmem>>, %arg8: memref<10000xf32, #tpu.memory_space<vmem>>, %arg9: memref<10000xi32, #tpu.memory_space<vmem>>, %arg10: memref<10000xf32, #tpu.memory_space<vmem>>, %arg11: memref<10000xf32, #tpu.memory_space<vmem>>, %arg12: memref<10000xi32, #tpu.memory_space<vmem>>, %arg13: memref<10240xf32, #tpu.memory_space<vmem>>, %arg14: memref<!tpu.dma_semaphore, #tpu.memory_space<semaphore_mem>>, %arg15: memref<!tpu.dma_semaphore, #tpu.memory_space<semaphore_mem>>, %arg16: memref<!tpu.dma_semaphore, #tpu.memory_space<semaphore_mem>>) attributes {dimension_semantics = [#tpu.dimension_semantics<core_parallel>, #tpu.dimension_semantics<subcore_parallel>], iteration_bounds = array<i64: 2, 16>, scalar_prefetch = 0 : i64, scratch_operands = 10 : i64, tpu.core_type = #tpu.core_type<sc_vector_subcore>, window_params = [{transform_indices = #map}, {transform_indices = #map}, {transform_indices = #map}, {transform_indices = #map}, {transform_indices = #map}]} {
    %mul3A = arith.constant 2 : i32
    %mul3A_0 = arith.muli %arg1, %mul3A : i32
    %add3A = arith.addi %mul3A_0, %arg0 : i32
    %mul3A_1 = arith.constant 50000 : i32
    %mul3A_2 = arith.muli %add3A, %mul3A_1 : i32
    tpu.enqueue_dma source(%arg5 : memref<10240xf32, #tpu.memory_space<hbm>>) target(%arg13 : memref<10240xf32, #tpu.memory_space<vmem>>) target_semaphore(%arg14 : memref<!tpu.dma_semaphore, #tpu.memory_space<semaphore_mem>>)
    %add3A_3 = arith.constant 0 : i32
    %add3A_4 = arith.addi %mul3A_2, %add3A_3 : i32
    %dma_start3A = tpu.memref_slice %arg2[%add3A_4] : memref<1600000xf32, #tpu.memory_space<hbm>> -> memref<10000xf32, #tpu.memory_space<hbm>>
    %dma_start3A_5 = tpu.memref_slice %arg2[%add3A_4] : memref<1600000xf32, #tpu.memory_space<hbm>> -> memref<10000xf32, #tpu.memory_space<hbm>>
    tpu.enqueue_dma source(%dma_start3A_5 : memref<10000xf32, #tpu.memory_space<hbm>>) target(%arg7 : memref<10000xf32, #tpu.memory_space<vmem>>) target_semaphore(%arg15 : memref<!tpu.dma_semaphore, #tpu.memory_space<semaphore_mem>>)
    %dma_start3A_6 = tpu.memref_slice %arg3[%add3A_4] : memref<1600000xf32, #tpu.memory_space<hbm>> -> memref<10000xf32, #tpu.memory_space<hbm>>
    %dma_start3A_7 = tpu.memref_slice %arg3[%add3A_4] : memref<1600000xf32, #tpu.memory_space<hbm>> -> memref<10000xf32, #tpu.memory_space<hbm>>
    tpu.enqueue_dma source(%dma_start3A_7 : memref<10000xf32, #tpu.memory_space<hbm>>) target(%arg8 : memref<10000xf32, #tpu.memory_space<vmem>>) target_semaphore(%arg15 : memref<!tpu.dma_semaphore, #tpu.memory_space<semaphore_mem>>)
    %dma_start3A_8 = tpu.memref_slice %arg4[%add3A_4] : memref<1600000xi32, #tpu.memory_space<hbm>> -> memref<10000xi32, #tpu.memory_space<hbm>>
    %dma_start3A_9 = tpu.memref_slice %arg4[%add3A_4] : memref<1600000xi32, #tpu.memory_space<hbm>> -> memref<10000xi32, #tpu.memory_space<hbm>>
    tpu.enqueue_dma source(%dma_start3A_9 : memref<10000xi32, #tpu.memory_space<hbm>>) target(%arg9 : memref<10000xi32, #tpu.memory_space<vmem>>) target_semaphore(%arg15 : memref<!tpu.dma_semaphore, #tpu.memory_space<semaphore_mem>>)
    tpu.wait_dma2 semaphore(%arg14 : memref<!tpu.dma_semaphore, #tpu.memory_space<semaphore_mem>>) src(%arg5 : memref<10240xf32, #tpu.memory_space<hbm>>) dst(%arg13 : memref<10240xf32, #tpu.memory_space<vmem>>)
    %dma_wait3A = tpu.memref_slice %arg2[%add3A_4] : memref<1600000xf32, #tpu.memory_space<hbm>> -> memref<10000xf32, #tpu.memory_space<hbm>>
    %dma_wait3A_10 = tpu.memref_slice %arg2[%add3A_4] : memref<1600000xf32, #tpu.memory_space<hbm>> -> memref<10000xf32, #tpu.memory_space<hbm>>
    tpu.wait_dma2 semaphore(%arg15 : memref<!tpu.dma_semaphore, #tpu.memory_space<semaphore_mem>>) src(%dma_wait3A_10 : memref<10000xf32, #tpu.memory_space<hbm>>) dst(%arg7 : memref<10000xf32, #tpu.memory_space<vmem>>)
    %dma_wait3A_11 = tpu.memref_slice %arg3[%add3A_4] : memref<1600000xf32, #tpu.memory_space<hbm>> -> memref<10000xf32, #tpu.memory_space<hbm>>
    %dma_wait3A_12 = tpu.memref_slice %arg3[%add3A_4] : memref<1600000xf32, #tpu.memory_space<hbm>> -> memref<10000xf32, #tpu.memory_space<hbm>>
    tpu.wait_dma2 semaphore(%arg15 : memref<!tpu.dma_semaphore, #tpu.memory_space<semaphore_mem>>) src(%dma_wait3A_12 : memref<10000xf32, #tpu.memory_space<hbm>>) dst(%arg8 : memref<10000xf32, #tpu.memory_space<vmem>>)
    %dma_wait3A_13 = tpu.memref_slice %arg4[%add3A_4] : memref<1600000xi32, #tpu.memory_space<hbm>> -> memref<10000xi32, #tpu.memory_space<hbm>>
    %dma_wait3A_14 = tpu.memref_slice %arg4[%add3A_4] : memref<1600000xi32, #tpu.memory_space<hbm>> -> memref<10000xi32, #tpu.memory_space<hbm>>
    tpu.wait_dma2 semaphore(%arg15 : memref<!tpu.dma_semaphore, #tpu.memory_space<semaphore_mem>>) src(%dma_wait3A_14 : memref<10000xi32, #tpu.memory_space<hbm>>) dst(%arg9 : memref<10000xi32, #tpu.memory_space<vmem>>)
    %add3A_15 = arith.constant 10000 : i32
    %add3A_16 = arith.addi %mul3A_2, %add3A_15 : i32
    %dma_start3A_17 = tpu.memref_slice %arg2[%add3A_16] : memref<1600000xf32, #tpu.memory_space<hbm>> -> memref<10000xf32, #tpu.memory_space<hbm>>
    %dma_start3A_18 = tpu.memref_slice %arg2[%add3A_16] : memref<1600000xf32, #tpu.memory_space<hbm>> -> memref<10000xf32, #tpu.memory_space<hbm>>
    tpu.enqueue_dma source(%dma_start3A_18 : memref<10000xf32, #tpu.memory_space<hbm>>) target(%arg10 : memref<10000xf32, #tpu.memory_space<vmem>>) target_semaphore(%arg16 : memref<!tpu.dma_semaphore, #tpu.memory_space<semaphore_mem>>)
    %dma_start3A_19 = tpu.memref_slice %arg3[%add3A_16] : memref<1600000xf32, #tpu.memory_space<hbm>> -> memref<10000xf32, #tpu.memory_space<hbm>>
    %dma_start3A_20 = tpu.memref_slice %arg3[%add3A_16] : memref<1600000xf32, #tpu.memory_space<hbm>> -> memref<10000xf32, #tpu.memory_space<hbm>>
    tpu.enqueue_dma source(%dma_start3A_20 : memref<10000xf32, #tpu.memory_space<hbm>>) target(%arg11 : memref<10000xf32, #tpu.memory_space<vmem>>) target_semaphore(%arg16 : memref<!tpu.dma_semaphore, #tpu.memory_space<semaphore_mem>>)
    %dma_start3A_21 = tpu.memref_slice %arg4[%add3A_16] : memref<1600000xi32, #tpu.memory_space<hbm>> -> memref<10000xi32, #tpu.memory_space<hbm>>
    %dma_start3A_22 = tpu.memref_slice %arg4[%add3A_16] : memref<1600000xi32, #tpu.memory_space<hbm>> -> memref<10000xi32, #tpu.memory_space<hbm>>
    tpu.enqueue_dma source(%dma_start3A_22 : memref<10000xi32, #tpu.memory_space<hbm>>) target(%arg12 : memref<10000xi32, #tpu.memory_space<vmem>>) target_semaphore(%arg16 : memref<!tpu.dma_semaphore, #tpu.memory_space<semaphore_mem>>)
    %parallel_loop3A = arith.constant 0 : i32
    %parallel_loop3A_23 = arith.constant 625 : i32
    %parallel_loop3A_24 = arith.constant 1 : i32
    scf.for %parallel_loop3A_115 = %parallel_loop3A to %parallel_loop3A_23 step %parallel_loop3A_24  : i32 {
      %parallel_loop3A_116 = arith.constant 16 : i32
      %parallel_loop3A_117 = arith.muli %parallel_loop3A_115, %parallel_loop3A_116 : i32
      %parallel_loop3A_118 = arith.index_cast %parallel_loop3A_117 : i32 to index
      %parallel_loop3A_119 = tpu.vector_load %arg9[%parallel_loop3A_118] {strides = array<i32>} : memref<10000xi32, #tpu.memory_space<vmem>>, vector<16xi32>,
      %parallel_loop3A_120 = tpu.vector_load_idx %arg13[%parallel_loop3A_119] : memref<10240xf32, #tpu.memory_space<vmem>>[vector<16xi32>], vector<16xf32>,
      %parallel_loop3A_121 = arith.index_cast %parallel_loop3A_117 : i32 to index
      %parallel_loop3A_122 = tpu.vector_load %arg7[%parallel_loop3A_121] {strides = array<i32>} : memref<10000xf32, #tpu.memory_space<vmem>>, vector<16xf32>,
      %parallel_loop3A_123 = arith.index_cast %parallel_loop3A_117 : i32 to index
      %parallel_loop3A_124 = tpu.vector_load %arg8[%parallel_loop3A_123] {strides = array<i32>} : memref<10000xf32, #tpu.memory_space<vmem>>, vector<16xf32>,
      %parallel_loop3A_125 = math.exp %parallel_loop3A_124 : vector<16xf32>
      %parallel_loop3A_126 = arith.mulf %parallel_loop3A_125, %parallel_loop3A_120 : vector<16xf32>
      %parallel_loop3A_127 = arith.addf %parallel_loop3A_122, %parallel_loop3A_126 : vector<16xf32>
      %parallel_loop3A_128 = arith.index_cast %parallel_loop3A_117 : i32 to index
      %parallel_loop3A_129 = tpu.vector_load %arg7[%parallel_loop3A_128] {strides = array<i32>} : memref<10000xf32, #tpu.memory_space<vmem>>, vector<16xf32>,
      tpu.vector_store %arg7[%parallel_loop3A_128], %parallel_loop3A_127 {strides = array<i32>} : memref<10000xf32, #tpu.memory_space<vmem>>, vector<16xf32>,
    } {sc.loop_unroll_factor = 5 : i64, sc.parallel_access}
    %add3A_25 = arith.constant 0 : i32
    %add3A_26 = arith.addi %mul3A_2, %add3A_25 : i32
    %dma_start3A_27 = tpu.memref_slice %arg6[%add3A_26] : memref<1600000xf32, #tpu.memory_space<hbm>> -> memref<10000xf32, #tpu.memory_space<hbm>>
    %dma_start3A_28 = tpu.memref_slice %arg6[%add3A_26] : memref<1600000xf32, #tpu.memory_space<hbm>> -> memref<10000xf32, #tpu.memory_space<hbm>>
    tpu.enqueue_dma source(%arg7 : memref<10000xf32, #tpu.memory_space<vmem>>) target(%dma_start3A_28 : memref<10000xf32, #tpu.memory_space<hbm>>) target_semaphore(%arg15 : memref<!tpu.dma_semaphore, #tpu.memory_space<semaphore_mem>>)
    %dma_wait3A_29 = tpu.memref_slice %arg2[%add3A_16] : memref<1600000xf32, #tpu.memory_space<hbm>> -> memref<10000xf32, #tpu.memory_space<hbm>>
    %dma_wait3A_30 = tpu.memref_slice %arg2[%add3A_16] : memref<1600000xf32, #tpu.memory_space<hbm>> -> memref<10000xf32, #tpu.memory_space<hbm>>
    tpu.wait_dma2 semaphore(%arg16 : memref<!tpu.dma_semaphore, #tpu.memory_space<semaphore_mem>>) src(%dma_wait3A_30 : memref<10000xf32, #tpu.memory_space<hbm>>) dst(%arg10 : memref<10000xf32, #tpu.memory_space<vmem>>)
    %dma_wait3A_31 = tpu.memref_slice %arg3[%add3A_16] : memref<1600000xf32, #tpu.memory_space<hbm>> -> memref<10000xf32, #tpu.memory_space<hbm>>
    %dma_wait3A_32 = tpu.memref_slice %arg3[%add3A_16] : memref<1600000xf32, #tpu.memory_space<hbm>> -> memref<10000xf32, #tpu.memory_space<hbm>>
    tpu.wait_dma2 semaphore(%arg16 : memref<!tpu.dma_semaphore, #tpu.memory_space<semaphore_mem>>) src(%dma_wait3A_32 : memref<10000xf32, #tpu.memory_space<hbm>>) dst(%arg11 : memref<10000xf32, #tpu.memory_space<vmem>>)
    %dma_wait3A_33 = tpu.memref_slice %arg4[%add3A_16] : memref<1600000xi32, #tpu.memory_space<hbm>> -> memref<10000xi32, #tpu.memory_space<hbm>>
    %dma_wait3A_34 = tpu.memref_slice %arg4[%add3A_16] : memref<1600000xi32, #tpu.memory_space<hbm>> -> memref<10000xi32, #tpu.memory_space<hbm>>
    tpu.wait_dma2 semaphore(%arg16 : memref<!tpu.dma_semaphore, #tpu.memory_space<semaphore_mem>>) src(%dma_wait3A_34 : memref<10000xi32, #tpu.memory_space<hbm>>) dst(%arg12 : memref<10000xi32, #tpu.memory_space<vmem>>)
    %dma_wait3A_35 = tpu.memref_slice %arg6[%add3A_26] : memref<1600000xf32, #tpu.memory_space<hbm>> -> memref<10000xf32, #tpu.memory_space<hbm>>
    %dma_wait3A_36 = tpu.memref_slice %arg6[%add3A_26] : memref<1600000xf32, #tpu.memory_space<hbm>> -> memref<10000xf32, #tpu.memory_space<hbm>>
    tpu.wait_dma2 semaphore(%arg15 : memref<!tpu.dma_semaphore, #tpu.memory_space<semaphore_mem>>) src(%arg7 : memref<10000xf32, #tpu.memory_space<vmem>>) dst(%dma_wait3A_36 : memref<10000xf32, #tpu.memory_space<hbm>>)
    %add3A_37 = arith.constant 20000 : i32
    %add3A_38 = arith.addi %mul3A_2, %add3A_37 : i32
    %dma_start3A_39 = tpu.memref_slice %arg2[%add3A_38] : memref<1600000xf32, #tpu.memory_space<hbm>> -> memref<10000xf32, #tpu.memory_space<hbm>>
    %dma_start3A_40 = tpu.memref_slice %arg2[%add3A_38] : memref<1600000xf32, #tpu.memory_space<hbm>> -> memref<10000xf32, #tpu.memory_space<hbm>>
    tpu.enqueue_dma source(%dma_start3A_40 : memref<10000xf32, #tpu.memory_space<hbm>>) target(%arg7 : memref<10000xf32, #tpu.memory_space<vmem>>) target_semaphore(%arg15 : memref<!tpu.dma_semaphore, #tpu.memory_space<semaphore_mem>>)
    %dma_start3A_41 = tpu.memref_slice %arg3[%add3A_38] : memref<1600000xf32, #tpu.memory_space<hbm>> -> memref<10000xf32, #tpu.memory_space<hbm>>
    %dma_start3A_42 = tpu.memref_slice %arg3[%add3A_38] : memref<1600000xf32, #tpu.memory_space<hbm>> -> memref<10000xf32, #tpu.memory_space<hbm>>
    tpu.enqueue_dma source(%dma_start3A_42 : memref<10000xf32, #tpu.memory_space<hbm>>) target(%arg8 : memref<10000xf32, #tpu.memory_space<vmem>>) target_semaphore(%arg15 : memref<!tpu.dma_semaphore, #tpu.memory_space<semaphore_mem>>)
    %dma_start3A_43 = tpu.memref_slice %arg4[%add3A_38] : memref<1600000xi32, #tpu.memory_space<hbm>> -> memref<10000xi32, #tpu.memory_space<hbm>>
    %dma_start3A_44 = tpu.memref_slice %arg4[%add3A_38] : memref<1600000xi32, #tpu.memory_space<hbm>> -> memref<10000xi32, #tpu.memory_space<hbm>>
    tpu.enqueue_dma source(%dma_start3A_44 : memref<10000xi32, #tpu.memory_space<hbm>>) target(%arg9 : memref<10000xi32, #tpu.memory_space<vmem>>) target_semaphore(%arg15 : memref<!tpu.dma_semaphore, #tpu.memory_space<semaphore_mem>>)
    %parallel_loop3A_45 = arith.constant 0 : i32
    %parallel_loop3A_46 = arith.constant 625 : i32
    %parallel_loop3A_47 = arith.constant 1 : i32
    scf.for %parallel_loop3A_115 = %parallel_loop3A_45 to %parallel_loop3A_46 step %parallel_loop3A_47  : i32 {
      %parallel_loop3A_116 = arith.constant 16 : i32
      %parallel_loop3A_117 = arith.muli %parallel_loop3A_115, %parallel_loop3A_116 : i32
      %parallel_loop3A_118 = arith.index_cast %parallel_loop3A_117 : i32 to index
      %parallel_loop3A_119 = tpu.vector_load %arg12[%parallel_loop3A_118] {strides = array<i32>} : memref<10000xi32, #tpu.memory_space<vmem>>, vector<16xi32>,
      %parallel_loop3A_120 = tpu.vector_load_idx %arg13[%parallel_loop3A_119] : memref<10240xf32, #tpu.memory_space<vmem>>[vector<16xi32>], vector<16xf32>,
      %parallel_loop3A_121 = arith.index_cast %parallel_loop3A_117 : i32 to index
      %parallel_loop3A_122 = tpu.vector_load %arg10[%parallel_loop3A_121] {strides = array<i32>} : memref<10000xf32, #tpu.memory_space<vmem>>, vector<16xf32>,
      %parallel_loop3A_123 = arith.index_cast %parallel_loop3A_117 : i32 to index
      %parallel_loop3A_124 = tpu.vector_load %arg11[%parallel_loop3A_123] {strides = array<i32>} : memref<10000xf32, #tpu.memory_space<vmem>>, vector<16xf32>,
      %parallel_loop3A_125 = math.exp %parallel_loop3A_124 : vector<16xf32>
      %parallel_loop3A_126 = arith.mulf %parallel_loop3A_125, %parallel_loop3A_120 : vector<16xf32>
      %parallel_loop3A_127 = arith.addf %parallel_loop3A_122, %parallel_loop3A_126 : vector<16xf32>
      %parallel_loop3A_128 = arith.index_cast %parallel_loop3A_117 : i32 to index
      %parallel_loop3A_129 = tpu.vector_load %arg10[%parallel_loop3A_128] {strides = array<i32>} : memref<10000xf32, #tpu.memory_space<vmem>>, vector<16xf32>,
      tpu.vector_store %arg10[%parallel_loop3A_128], %parallel_loop3A_127 {strides = array<i32>} : memref<10000xf32, #tpu.memory_space<vmem>>, vector<16xf32>,
    } {sc.loop_unroll_factor = 5 : i64, sc.parallel_access}
    %add3A_48 = arith.constant 10000 : i32
    %add3A_49 = arith.addi %mul3A_2, %add3A_48 : i32
    %dma_start3A_50 = tpu.memref_slice %arg6[%add3A_49] : memref<1600000xf32, #tpu.memory_space<hbm>> -> memref<10000xf32, #tpu.memory_space<hbm>>
    %dma_start3A_51 = tpu.memref_slice %arg6[%add3A_49] : memref<1600000xf32, #tpu.memory_space<hbm>> -> memref<10000xf32, #tpu.memory_space<hbm>>
    tpu.enqueue_dma source(%arg10 : memref<10000xf32, #tpu.memory_space<vmem>>) target(%dma_start3A_51 : memref<10000xf32, #tpu.memory_space<hbm>>) target_semaphore(%arg16 : memref<!tpu.dma_semaphore, #tpu.memory_space<semaphore_mem>>)
    %dma_wait3A_52 = tpu.memref_slice %arg2[%add3A_38] : memref<1600000xf32, #tpu.memory_space<hbm>> -> memref<10000xf32, #tpu.memory_space<hbm>>
    %dma_wait3A_53 = tpu.memref_slice %arg2[%add3A_38] : memref<1600000xf32, #tpu.memory_space<hbm>> -> memref<10000xf32, #tpu.memory_space<hbm>>
    tpu.wait_dma2 semaphore(%arg15 : memref<!tpu.dma_semaphore, #tpu.memory_space<semaphore_mem>>) src(%dma_wait3A_53 : memref<10000xf32, #tpu.memory_space<hbm>>) dst(%arg7 : memref<10000xf32, #tpu.memory_space<vmem>>)
    %dma_wait3A_54 = tpu.memref_slice %arg3[%add3A_38] : memref<1600000xf32, #tpu.memory_space<hbm>> -> memref<10000xf32, #tpu.memory_space<hbm>>
    %dma_wait3A_55 = tpu.memref_slice %arg3[%add3A_38] : memref<1600000xf32, #tpu.memory_space<hbm>> -> memref<10000xf32, #tpu.memory_space<hbm>>
    tpu.wait_dma2 semaphore(%arg15 : memref<!tpu.dma_semaphore, #tpu.memory_space<semaphore_mem>>) src(%dma_wait3A_55 : memref<10000xf32, #tpu.memory_space<hbm>>) dst(%arg8 : memref<10000xf32, #tpu.memory_space<vmem>>)
    %dma_wait3A_56 = tpu.memref_slice %arg4[%add3A_38] : memref<1600000xi32, #tpu.memory_space<hbm>> -> memref<10000xi32, #tpu.memory_space<hbm>>
    %dma_wait3A_57 = tpu.memref_slice %arg4[%add3A_38] : memref<1600000xi32, #tpu.memory_space<hbm>> -> memref<10000xi32, #tpu.memory_space<hbm>>
    tpu.wait_dma2 semaphore(%arg15 : memref<!tpu.dma_semaphore, #tpu.memory_space<semaphore_mem>>) src(%dma_wait3A_57 : memref<10000xi32, #tpu.memory_space<hbm>>) dst(%arg9 : memref<10000xi32, #tpu.memory_space<vmem>>)
    %dma_wait3A_58 = tpu.memref_slice %arg6[%add3A_49] : memref<1600000xf32, #tpu.memory_space<hbm>> -> memref<10000xf32, #tpu.memory_space<hbm>>
    %dma_wait3A_59 = tpu.memref_slice %arg6[%add3A_49] : memref<1600000xf32, #tpu.memory_space<hbm>> -> memref<10000xf32, #tpu.memory_space<hbm>>
    tpu.wait_dma2 semaphore(%arg16 : memref<!tpu.dma_semaphore, #tpu.memory_space<semaphore_mem>>) src(%arg10 : memref<10000xf32, #tpu.memory_space<vmem>>) dst(%dma_wait3A_59 : memref<10000xf32, #tpu.memory_space<hbm>>)
    %add3A_60 = arith.constant 30000 : i32
    %add3A_61 = arith.addi %mul3A_2, %add3A_60 : i32
    %dma_start3A_62 = tpu.memref_slice %arg2[%add3A_61] : memref<1600000xf32, #tpu.memory_space<hbm>> -> memref<10000xf32, #tpu.memory_space<hbm>>
    %dma_start3A_63 = tpu.memref_slice %arg2[%add3A_61] : memref<1600000xf32, #tpu.memory_space<hbm>> -> memref<10000xf32, #tpu.memory_space<hbm>>
    tpu.enqueue_dma source(%dma_start3A_63 : memref<10000xf32, #tpu.memory_space<hbm>>) target(%arg10 : memref<10000xf32, #tpu.memory_space<vmem>>) target_semaphore(%arg16 : memref<!tpu.dma_semaphore, #tpu.memory_space<semaphore_mem>>)
    %dma_start3A_64 = tpu.memref_slice %arg3[%add3A_61] : memref<1600000xf32, #tpu.memory_space<hbm>> -> memref<10000xf32, #tpu.memory_space<hbm>>
    %dma_start3A_65 = tpu.memref_slice %arg3[%add3A_61] : memref<1600000xf32, #tpu.memory_space<hbm>> -> memref<10000xf32, #tpu.memory_space<hbm>>
    tpu.enqueue_dma source(%dma_start3A_65 : memref<10000xf32, #tpu.memory_space<hbm>>) target(%arg11 : memref<10000xf32, #tpu.memory_space<vmem>>) target_semaphore(%arg16 : memref<!tpu.dma_semaphore, #tpu.memory_space<semaphore_mem>>)
    %dma_start3A_66 = tpu.memref_slice %arg4[%add3A_61] : memref<1600000xi32, #tpu.memory_space<hbm>> -> memref<10000xi32, #tpu.memory_space<hbm>>
    %dma_start3A_67 = tpu.memref_slice %arg4[%add3A_61] : memref<1600000xi32, #tpu.memory_space<hbm>> -> memref<10000xi32, #tpu.memory_space<hbm>>
    tpu.enqueue_dma source(%dma_start3A_67 : memref<10000xi32, #tpu.memory_space<hbm>>) target(%arg12 : memref<10000xi32, #tpu.memory_space<vmem>>) target_semaphore(%arg16 : memref<!tpu.dma_semaphore, #tpu.memory_space<semaphore_mem>>)
    %parallel_loop3A_68 = arith.constant 0 : i32
    %parallel_loop3A_69 = arith.constant 625 : i32
    %parallel_loop3A_70 = arith.constant 1 : i32
    scf.for %parallel_loop3A_115 = %parallel_loop3A_68 to %parallel_loop3A_69 step %parallel_loop3A_70  : i32 {
      %parallel_loop3A_116 = arith.constant 16 : i32
      %parallel_loop3A_117 = arith.muli %parallel_loop3A_115, %parallel_loop3A_116 : i32
      %parallel_loop3A_118 = arith.index_cast %parallel_loop3A_117 : i32 to index
      %parallel_loop3A_119 = tpu.vector_load %arg9[%parallel_loop3A_118] {strides = array<i32>} : memref<10000xi32, #tpu.memory_space<vmem>>, vector<16xi32>,
      %parallel_loop3A_120 = tpu.vector_load_idx %arg13[%parallel_loop3A_119] : memref<10240xf32, #tpu.memory_space<vmem>>[vector<16xi32>], vector<16xf32>,
      %parallel_loop3A_121 = arith.index_cast %parallel_loop3A_117 : i32 to index
      %parallel_loop3A_122 = tpu.vector_load %arg7[%parallel_loop3A_121] {strides = array<i32>} : memref<10000xf32, #tpu.memory_space<vmem>>, vector<16xf32>,
      %parallel_loop3A_123 = arith.index_cast %parallel_loop3A_117 : i32 to index
      %parallel_loop3A_124 = tpu.vector_load %arg8[%parallel_loop3A_123] {strides = array<i32>} : memref<10000xf32, #tpu.memory_space<vmem>>, vector<16xf32>,
      %parallel_loop3A_125 = math.exp %parallel_loop3A_124 : vector<16xf32>
      %parallel_loop3A_126 = arith.mulf %parallel_loop3A_125, %parallel_loop3A_120 : vector<16xf32>
      %parallel_loop3A_127 = arith.addf %parallel_loop3A_122, %parallel_loop3A_126 : vector<16xf32>
      %parallel_loop3A_128 = arith.index_cast %parallel_loop3A_117 : i32 to index
      %parallel_loop3A_129 = tpu.vector_load %arg7[%parallel_loop3A_128] {strides = array<i32>} : memref<10000xf32, #tpu.memory_space<vmem>>, vector<16xf32>,
      tpu.vector_store %arg7[%parallel_loop3A_128], %parallel_loop3A_127 {strides = array<i32>} : memref<10000xf32, #tpu.memory_space<vmem>>, vector<16xf32>,
    } {sc.loop_unroll_factor = 5 : i64, sc.parallel_access}
    %add3A_71 = arith.constant 20000 : i32
    %add3A_72 = arith.addi %mul3A_2, %add3A_71 : i32
    %dma_start3A_73 = tpu.memref_slice %arg6[%add3A_72] : memref<1600000xf32, #tpu.memory_space<hbm>> -> memref<10000xf32, #tpu.memory_space<hbm>>
    %dma_start3A_74 = tpu.memref_slice %arg6[%add3A_72] : memref<1600000xf32, #tpu.memory_space<hbm>> -> memref<10000xf32, #tpu.memory_space<hbm>>
    tpu.enqueue_dma source(%arg7 : memref<10000xf32, #tpu.memory_space<vmem>>) target(%dma_start3A_74 : memref<10000xf32, #tpu.memory_space<hbm>>) target_semaphore(%arg15 : memref<!tpu.dma_semaphore, #tpu.memory_space<semaphore_mem>>)
    %dma_wait3A_75 = tpu.memref_slice %arg2[%add3A_61] : memref<1600000xf32, #tpu.memory_space<hbm>> -> memref<10000xf32, #tpu.memory_space<hbm>>
    %dma_wait3A_76 = tpu.memref_slice %arg2[%add3A_61] : memref<1600000xf32, #tpu.memory_space<hbm>> -> memref<10000xf32, #tpu.memory_space<hbm>>
    tpu.wait_dma2 semaphore(%arg16 : memref<!tpu.dma_semaphore, #tpu.memory_space<semaphore_mem>>) src(%dma_wait3A_76 : memref<10000xf32, #tpu.memory_space<hbm>>) dst(%arg10 : memref<10000xf32, #tpu.memory_space<vmem>>)
    %dma_wait3A_77 = tpu.memref_slice %arg3[%add3A_61] : memref<1600000xf32, #tpu.memory_space<hbm>> -> memref<10000xf32, #tpu.memory_space<hbm>>
    %dma_wait3A_78 = tpu.memref_slice %arg3[%add3A_61] : memref<1600000xf32, #tpu.memory_space<hbm>> -> memref<10000xf32, #tpu.memory_space<hbm>>
    tpu.wait_dma2 semaphore(%arg16 : memref<!tpu.dma_semaphore, #tpu.memory_space<semaphore_mem>>) src(%dma_wait3A_78 : memref<10000xf32, #tpu.memory_space<hbm>>) dst(%arg11 : memref<10000xf32, #tpu.memory_space<vmem>>)
    %dma_wait3A_79 = tpu.memref_slice %arg4[%add3A_61] : memref<1600000xi32, #tpu.memory_space<hbm>> -> memref<10000xi32, #tpu.memory_space<hbm>>
    %dma_wait3A_80 = tpu.memref_slice %arg4[%add3A_61] : memref<1600000xi32, #tpu.memory_space<hbm>> -> memref<10000xi32, #tpu.memory_space<hbm>>
    tpu.wait_dma2 semaphore(%arg16 : memref<!tpu.dma_semaphore, #tpu.memory_space<semaphore_mem>>) src(%dma_wait3A_80 : memref<10000xi32, #tpu.memory_space<hbm>>) dst(%arg12 : memref<10000xi32, #tpu.memory_space<vmem>>)
    %dma_wait3A_81 = tpu.memref_slice %arg6[%add3A_72] : memref<1600000xf32, #tpu.memory_space<hbm>> -> memref<10000xf32, #tpu.memory_space<hbm>>
    %dma_wait3A_82 = tpu.memref_slice %arg6[%add3A_72] : memref<1600000xf32, #tpu.memory_space<hbm>> -> memref<10000xf32, #tpu.memory_space<hbm>>
    tpu.wait_dma2 semaphore(%arg15 : memref<!tpu.dma_semaphore, #tpu.memory_space<semaphore_mem>>) src(%arg7 : memref<10000xf32, #tpu.memory_space<vmem>>) dst(%dma_wait3A_82 : memref<10000xf32, #tpu.memory_space<hbm>>)
    %add3A_83 = arith.constant 40000 : i32
    %add3A_84 = arith.addi %mul3A_2, %add3A_83 : i32
    %dma_start3A_85 = tpu.memref_slice %arg2[%add3A_84] : memref<1600000xf32, #tpu.memory_space<hbm>> -> memref<10000xf32, #tpu.memory_space<hbm>>
    %dma_start3A_86 = tpu.memref_slice %arg2[%add3A_84] : memref<1600000xf32, #tpu.memory_space<hbm>> -> memref<10000xf32, #tpu.memory_space<hbm>>
    tpu.enqueue_dma source(%dma_start3A_86 : memref<10000xf32, #tpu.memory_space<hbm>>) target(%arg7 : memref<10000xf32, #tpu.memory_space<vmem>>) target_semaphore(%arg15 : memref<!tpu.dma_semaphore, #tpu.memory_space<semaphore_mem>>)
    %dma_start3A_87 = tpu.memref_slice %arg3[%add3A_84] : memref<1600000xf32, #tpu.memory_space<hbm>> -> memref<10000xf32, #tpu.memory_space<hbm>>
    %dma_start3A_88 = tpu.memref_slice %arg3[%add3A_84] : memref<1600000xf32, #tpu.memory_space<hbm>> -> memref<10000xf32, #tpu.memory_space<hbm>>
    tpu.enqueue_dma source(%dma_start3A_88 : memref<10000xf32, #tpu.memory_space<hbm>>) target(%arg8 : memref<10000xf32, #tpu.memory_space<vmem>>) target_semaphore(%arg15 : memref<!tpu.dma_semaphore, #tpu.memory_space<semaphore_mem>>)
    %dma_start3A_89 = tpu.memref_slice %arg4[%add3A_84] : memref<1600000xi32, #tpu.memory_space<hbm>> -> memref<10000xi32, #tpu.memory_space<hbm>>
    %dma_start3A_90 = tpu.memref_slice %arg4[%add3A_84] : memref<1600000xi32, #tpu.memory_space<hbm>> -> memref<10000xi32, #tpu.memory_space<hbm>>
    tpu.enqueue_dma source(%dma_start3A_90 : memref<10000xi32, #tpu.memory_space<hbm>>) target(%arg9 : memref<10000xi32, #tpu.memory_space<vmem>>) target_semaphore(%arg15 : memref<!tpu.dma_semaphore, #tpu.memory_space<semaphore_mem>>)
    %parallel_loop3A_91 = arith.constant 0 : i32
    %parallel_loop3A_92 = arith.constant 625 : i32
    %parallel_loop3A_93 = arith.constant 1 : i32
    scf.for %parallel_loop3A_115 = %parallel_loop3A_91 to %parallel_loop3A_92 step %parallel_loop3A_93  : i32 {
      %parallel_loop3A_116 = arith.constant 16 : i32
      %parallel_loop3A_117 = arith.muli %parallel_loop3A_115, %parallel_loop3A_116 : i32
      %parallel_loop3A_118 = arith.index_cast %parallel_loop3A_117 : i32 to index
      %parallel_loop3A_119 = tpu.vector_load %arg12[%parallel_loop3A_118] {strides = array<i32>} : memref<10000xi32, #tpu.memory_space<vmem>>, vector<16xi32>,
      %parallel_loop3A_120 = tpu.vector_load_idx %arg13[%parallel_loop3A_119] : memref<10240xf32, #tpu.memory_space<vmem>>[vector<16xi32>], vector<16xf32>,
      %parallel_loop3A_121 = arith.index_cast %parallel_loop3A_117 : i32 to index
      %parallel_loop3A_122 = tpu.vector_load %arg10[%parallel_loop3A_121] {strides = array<i32>} : memref<10000xf32, #tpu.memory_space<vmem>>, vector<16xf32>,
      %parallel_loop3A_123 = arith.index_cast %parallel_loop3A_117 : i32 to index
      %parallel_loop3A_124 = tpu.vector_load %arg11[%parallel_loop3A_123] {strides = array<i32>} : memref<10000xf32, #tpu.memory_space<vmem>>, vector<16xf32>,
      %parallel_loop3A_125 = math.exp %parallel_loop3A_124 : vector<16xf32>
      %parallel_loop3A_126 = arith.mulf %parallel_loop3A_125, %parallel_loop3A_120 : vector<16xf32>
      %parallel_loop3A_127 = arith.addf %parallel_loop3A_122, %parallel_loop3A_126 : vector<16xf32>
      %parallel_loop3A_128 = arith.index_cast %parallel_loop3A_117 : i32 to index
      %parallel_loop3A_129 = tpu.vector_load %arg10[%parallel_loop3A_128] {strides = array<i32>} : memref<10000xf32, #tpu.memory_space<vmem>>, vector<16xf32>,
      tpu.vector_store %arg10[%parallel_loop3A_128], %parallel_loop3A_127 {strides = array<i32>} : memref<10000xf32, #tpu.memory_space<vmem>>, vector<16xf32>,
    } {sc.loop_unroll_factor = 5 : i64, sc.parallel_access}
    %add3A_94 = arith.constant 30000 : i32
    %add3A_95 = arith.addi %mul3A_2, %add3A_94 : i32
    %dma_start3A_96 = tpu.memref_slice %arg6[%add3A_95] : memref<1600000xf32, #tpu.memory_space<hbm>> -> memref<10000xf32, #tpu.memory_space<hbm>>
    %dma_start3A_97 = tpu.memref_slice %arg6[%add3A_95] : memref<1600000xf32, #tpu.memory_space<hbm>> -> memref<10000xf32, #tpu.memory_space<hbm>>
    tpu.enqueue_dma source(%arg10 : memref<10000xf32, #tpu.memory_space<vmem>>) target(%dma_start3A_97 : memref<10000xf32, #tpu.memory_space<hbm>>) target_semaphore(%arg16 : memref<!tpu.dma_semaphore, #tpu.memory_space<semaphore_mem>>)
    %dma_wait3A_98 = tpu.memref_slice %arg2[%add3A_84] : memref<1600000xf32, #tpu.memory_space<hbm>> -> memref<10000xf32, #tpu.memory_space<hbm>>
    %dma_wait3A_99 = tpu.memref_slice %arg2[%add3A_84] : memref<1600000xf32, #tpu.memory_space<hbm>> -> memref<10000xf32, #tpu.memory_space<hbm>>
    tpu.wait_dma2 semaphore(%arg15 : memref<!tpu.dma_semaphore, #tpu.memory_space<semaphore_mem>>) src(%dma_wait3A_99 : memref<10000xf32, #tpu.memory_space<hbm>>) dst(%arg7 : memref<10000xf32, #tpu.memory_space<vmem>>)
    %dma_wait3A_100 = tpu.memref_slice %arg3[%add3A_84] : memref<1600000xf32, #tpu.memory_space<hbm>> -> memref<10000xf32, #tpu.memory_space<hbm>>
    %dma_wait3A_101 = tpu.memref_slice %arg3[%add3A_84] : memref<1600000xf32, #tpu.memory_space<hbm>> -> memref<10000xf32, #tpu.memory_space<hbm>>
    tpu.wait_dma2 semaphore(%arg15 : memref<!tpu.dma_semaphore, #tpu.memory_space<semaphore_mem>>) src(%dma_wait3A_101 : memref<10000xf32, #tpu.memory_space<hbm>>) dst(%arg8 : memref<10000xf32, #tpu.memory_space<vmem>>)
    %dma_wait3A_102 = tpu.memref_slice %arg4[%add3A_84] : memref<1600000xi32, #tpu.memory_space<hbm>> -> memref<10000xi32, #tpu.memory_space<hbm>>
    %dma_wait3A_103 = tpu.memref_slice %arg4[%add3A_84] : memref<1600000xi32, #tpu.memory_space<hbm>> -> memref<10000xi32, #tpu.memory_space<hbm>>
    tpu.wait_dma2 semaphore(%arg15 : memref<!tpu.dma_semaphore, #tpu.memory_space<semaphore_mem>>) src(%dma_wait3A_103 : memref<10000xi32, #tpu.memory_space<hbm>>) dst(%arg9 : memref<10000xi32, #tpu.memory_space<vmem>>)
    %parallel_loop3A_104 = arith.constant 0 : i32
    %parallel_loop3A_105 = arith.constant 625 : i32
    %parallel_loop3A_106 = arith.constant 1 : i32
    scf.for %parallel_loop3A_115 = %parallel_loop3A_104 to %parallel_loop3A_105 step %parallel_loop3A_106  : i32 {
      %parallel_loop3A_116 = arith.constant 16 : i32
      %parallel_loop3A_117 = arith.muli %parallel_loop3A_115, %parallel_loop3A_116 : i32
      %parallel_loop3A_118 = arith.index_cast %parallel_loop3A_117 : i32 to index
      %parallel_loop3A_119 = tpu.vector_load %arg9[%parallel_loop3A_118] {strides = array<i32>} : memref<10000xi32, #tpu.memory_space<vmem>>, vector<16xi32>,
      %parallel_loop3A_120 = tpu.vector_load_idx %arg13[%parallel_loop3A_119] : memref<10240xf32, #tpu.memory_space<vmem>>[vector<16xi32>], vector<16xf32>,
      %parallel_loop3A_121 = arith.index_cast %parallel_loop3A_117 : i32 to index
      %parallel_loop3A_122 = tpu.vector_load %arg7[%parallel_loop3A_121] {strides = array<i32>} : memref<10000xf32, #tpu.memory_space<vmem>>, vector<16xf32>,
      %parallel_loop3A_123 = arith.index_cast %parallel_loop3A_117 : i32 to index
      %parallel_loop3A_124 = tpu.vector_load %arg8[%parallel_loop3A_123] {strides = array<i32>} : memref<10000xf32, #tpu.memory_space<vmem>>, vector<16xf32>,
      %parallel_loop3A_125 = math.exp %parallel_loop3A_124 : vector<16xf32>
      %parallel_loop3A_126 = arith.mulf %parallel_loop3A_125, %parallel_loop3A_120 : vector<16xf32>
      %parallel_loop3A_127 = arith.addf %parallel_loop3A_122, %parallel_loop3A_126 : vector<16xf32>
      %parallel_loop3A_128 = arith.index_cast %parallel_loop3A_117 : i32 to index
      %parallel_loop3A_129 = tpu.vector_load %arg7[%parallel_loop3A_128] {strides = array<i32>} : memref<10000xf32, #tpu.memory_space<vmem>>, vector<16xf32>,
      tpu.vector_store %arg7[%parallel_loop3A_128], %parallel_loop3A_127 {strides = array<i32>} : memref<10000xf32, #tpu.memory_space<vmem>>, vector<16xf32>,
    } {sc.loop_unroll_factor = 5 : i64, sc.parallel_access}
    %add3A_107 = arith.constant 40000 : i32
    %add3A_108 = arith.addi %mul3A_2, %add3A_107 : i32
    %dma_start3A_109 = tpu.memref_slice %arg6[%add3A_108] : memref<1600000xf32, #tpu.memory_space<hbm>> -> memref<10000xf32, #tpu.memory_space<hbm>>
    %dma_start3A_110 = tpu.memref_slice %arg6[%add3A_108] : memref<1600000xf32, #tpu.memory_space<hbm>> -> memref<10000xf32, #tpu.memory_space<hbm>>
    tpu.enqueue_dma source(%arg7 : memref<10000xf32, #tpu.memory_space<vmem>>) target(%dma_start3A_110 : memref<10000xf32, #tpu.memory_space<hbm>>) target_semaphore(%arg15 : memref<!tpu.dma_semaphore, #tpu.memory_space<semaphore_mem>>)
    %dma_wait3A_111 = tpu.memref_slice %arg6[%add3A_108] : memref<1600000xf32, #tpu.memory_space<hbm>> -> memref<10000xf32, #tpu.memory_space<hbm>>
    %dma_wait3A_112 = tpu.memref_slice %arg6[%add3A_108] : memref<1600000xf32, #tpu.memory_space<hbm>> -> memref<10000xf32, #tpu.memory_space<hbm>>
    tpu.wait_dma2 semaphore(%arg15 : memref<!tpu.dma_semaphore, #tpu.memory_space<semaphore_mem>>) src(%arg7 : memref<10000xf32, #tpu.memory_space<vmem>>) dst(%dma_wait3A_112 : memref<10000xf32, #tpu.memory_space<hbm>>)
    %dma_wait3A_113 = tpu.memref_slice %arg6[%add3A_95] : memref<1600000xf32, #tpu.memory_space<hbm>> -> memref<10000xf32, #tpu.memory_space<hbm>>
    %dma_wait3A_114 = tpu.memref_slice %arg6[%add3A_95] : memref<1600000xf32, #tpu.memory_space<hbm>> -> memref<10000xf32, #tpu.memory_space<hbm>>
    tpu.wait_dma2 semaphore(%arg16 : memref<!tpu.dma_semaphore, #tpu.memory_space<semaphore_mem>>) src(%arg10 : memref<10000xf32, #tpu.memory_space<vmem>>) dst(%dma_wait3A_114 : memref<10000xf32, #tpu.memory_space<hbm>>)
    return
  }
}

</mosaic_0001>

<sc_bundles>
// kernel: kernel.11.cloned.1.call-start
scs
__scs_entry_jumppad:
0x0: {  	(pc) =	sbr.rel $0x88, $3  }
0x1: {  	(tag) =	ssettag $0x0;
	lr =	simm.s32 $0x1  }
0x2: {  	[smem:$0x3F9D] =	sst lr;
	_ =	strace $0xD0000000  }
0x3: {  	_ = 	snop  }
0x4: {  	_ = 	snop  }
0x5: {  	_ = 	snop  }
0x6: {  	_ = 	snop  }
0x7: {  	_ = 	snop  }
__scs_overlays_trampoline_lowered:
0x8: {  	[smem:$0x3FAC] =	sst s0  }
0x9: {  	[smem:$0x3FAD] =	sst s1  }
0xa: {  	[smem:$0x3FAE] =	sst s2  }
0xb: {  	[smem:$0x3FAF] =	sst s3  }
0xc: {  	[smem:$0x3FB0] =	sst s4  }
0xd: {  	[smem:$0x3FB1] =	sst s5  }
0xe: {  	[smem:$0x3FB2] =	sst s6  }
0xf: {  	[smem:$0x3FB3] =	sst s7  }
0x10: {  	[smem:$0x3FB4] =	sst s8  }
0x11: {  	[smem:$0x3FB5] =	sst s9;
	s0 =	simm.s32 @!p0 $0x0  }
0x12: {  	s1 =	sld [smem:$0x3F9B];
	s0 =	simm.s32 @p0 $0x1  }
0x13: {  	[smem:$0x3FB6] =	sst s0;
	s0 =	simm.s32 @!p1 $0x0  }
0x14: {  	s2 =	sld [smem:$0x3F9A];
	s0 =	simm.s32 @p1 $0x1  }
0x15: {  	[smem:$0x3FB7] =	sst s0;
	s0 =	simm.s32 @!p2 $0x0  }
0x16: {  	s3 =	sld [smem:$0x3FDB];
	s0 =	simm.s32 @p2 $0x1  }
0x17: {  	s4 =	simm.s32 $0x1BF5;
	[smem:$0x3FB9] =	sst s0  }
0x18: {  	s0 =	sld [smem:$0x3F9C];
	_ =	swait.ge [sflag:s4], $0x0  }
0x19: {  	s7 =	sld [smem:$0x3F9D]  }
0x1a: {  	s8 =	sadd.s32 $0xFFFFE003, lr  }
0x1b: {  	s9 =	sadd.s32 $0xFFFFFEF7, lr;
	s5 =	simm.s32 $0xFFFFFFFF;
	p2 =	slt.u32 s8, $0xFFFFF086  }
0x1c: {  	p1 =	slt.u32 s9, $0xF7A;
	s5 =	simm.s32 @!p2 $0x0  }
0x1d: {  	s5 =	simm.s32 @p1 $0x1;
	p0 =	seq.s32 s7, s2  }
0x1e: {  	s7 =	smul.u32 @!p0 $0xF7A, s2;
	p2 =	seq.s32 @!p0 s5, $0x0  }
0x1f: {  	s9 =	smul.u32 $0xF7A, s1;
	s8 =	simm.s32 @!p0 $0x1BF5;
	p2 =	por !p2, p0  }
0x20: {  	[sflag:s8] =	ssyncset.s32 @!p0 $0xFFFFF086;
	s6 =	sadd.s32 @!p0 s3, s7;
	s7 =	simm.s32 @!p0 $0x108  }
0x21: {  	s3 =	sadd.s32 s3, s9;
	s6 =	sadd.s32 @!p0 $0x88, s6;
	s7 =	simm.s32 @p2 $0x1082  }
0x22: {  	[simem:s7], [sflag:s8] =	dma.local @!p0 [hbm:s6], $0xF7A  }
0x23: {  	s9 =	sor.u32 $0xD0000000, s2;
	s6 =	simm.s32 $0x108;
	_ =	swait.ge @!p0 [sflag:s8], $0x0  }
0x24: {  	s3 =	sadd.s32 $0x88, s3;
	s6 =	simm.s32 @!p1 $0x1082;
	[sflag:s4] =	ssyncset.s32 $0xFFFFF086  }
0x25: {  	[simem:s6], [sflag:s4] =	dma.local [hbm:s3], $0xF7A  }
0x26: {  	[smem:$0x3F9D] =	sst s1;
	(tag) =	ssettag s2;
	_ =	strace s9  }
0x27: {  	s1 =	sld [smem:$0x3FAD]  }
0x28: {  	s2 =	sld [smem:$0x3FAE]  }
0x29: {  	s4 =	sld [smem:$0x3FB0]  }
0x2a: {  	p0 =	seq.s32 s5, $0x0;
	s5 =	sld [smem:$0x3FB1]  }
0x2b: {  	s6 =	sld [smem:$0x3FB2]  }
0x2c: {  	s7 =	sld [smem:$0x3FB3]  }
0x2d: {  	s3 =	simm.s32 $0x108;
	s8 =	sld [smem:$0x3FB4]  }
0x2e: {  	s3 =	simm.s32 @!p0 $0x1082;
	s9 =	sld [smem:$0x3FB5]  }
0x2f: {  	lr =	sadd.s32 s0, s3;
	s0 =	sld [smem:$0x3FAC]  }
0x30: {  	s3 =	sld [smem:$0x3FAF]  }
0x31: {  	[smem:$0x3FB8] =	sst s10  }
0x32: {  	s10 =	sld [smem:$0x3FB6];
	_ =	sdelay $0x3  }
0x33: {  	p0 =	seq.s32 s10, $0x1;
	s10 =	sld [smem:$0x3FB8];
	_ =	sdelay $0x3  }
0x34: {  	[smem:$0x3FB8] =	sst s10  }
0x35: {  	s10 =	sld [smem:$0x3FB7];
	_ =	sdelay $0x3  }
0x36: {  	p1 =	seq.s32 s10, $0x1;
	s10 =	sld [smem:$0x3FB8];
	_ =	sdelay $0x3  }
0x37: {  	[smem:$0x3FB8] =	sst s10  }
0x38: {  	s10 =	sld [smem:$0x3FB9]  }
0x39: {  	_ = 	snop;
	(pc) =	sbr.ind lr, $3  }
0x3a: {  	_ = 	snop  }
0x3b: {  	_ = 	snop  }
0x3c: {  	p2 =	seq.s32 s10, $0x1;
	s10 =	sld [smem:$0x3FB8]  }
0x3d: {  	_ =	shalt  }
0x3e: {  	_ =	shalt  }
0x3f: {  	_ =	shalt  }
0x40: {  	_ =	shalt  }
0x41: {  	_ =	shalt  }
0x42: {  	_ =	shalt  }
0x43: {  	_ =	shalt  }
0x44: {  	_ =	shalt  }
0x45: {  	_ =	shalt  }
0x46: {  	_ =	shalt  }
0x47: {  	_ =	shalt  }
0x48: {  	_ =	shalt  }
0x49: {  	_ =	shalt  }
0x4a: {  	_ =	shalt  }
0x4b: {  	_ =	shalt  }
0x4c: {  	_ =	shalt  }
0x4d: {  	_ =	shalt  }
0x4e: {  	_ =	shalt  }
0x4f: {  	_ =	shalt  }
0x50: {  	_ =	shalt  }
0x51: {  	_ =	shalt  }
0x52: {  	_ =	shalt  }
0x53: {  	_ =	shalt  }
0x54: {  	_ =	shalt  }
0x55: {  	_ =	shalt  }
0x56: {  	_ =	shalt  }
0x57: {  	_ =	shalt  }
0x58: {  	_ =	shalt  }
0x59: {  	_ =	shalt  }
0x5a: {  	_ =	shalt  }
0x5b: {  	_ =	shalt  }
0x5c: {  	_ =	shalt  }
0x5d: {  	_ =	shalt  }
0x5e: {  	_ =	shalt  }
0x5f: {  	_ =	shalt  }
0x60: {  	_ =	shalt  }
0x61: {  	_ =	shalt  }
0x62: {  	_ =	shalt  }
0x63: {  	_ =	shalt  }
0x64: {  	_ =	shalt  }
0x65: {  	_ =	shalt  }
0x66: {  	_ =	shalt  }
0x67: {  	_ =	shalt  }
0x68: {  	_ =	shalt  }
0x69: {  	_ =	shalt  }
0x6a: {  	_ =	shalt  }
0x6b: {  	_ =	shalt  }
0x6c: {  	_ =	shalt  }
0x6d: {  	_ =	shalt  }
0x6e: {  	_ =	shalt  }
0x6f: {  	_ =	shalt  }
0x70: {  	_ =	shalt  }
0x71: {  	_ =	shalt  }
0x72: {  	_ =	shalt  }
0x73: {  	_ =	shalt  }
0x74: {  	_ =	shalt  }
0x75: {  	_ =	shalt  }
0x76: {  	_ =	shalt  }
0x77: {  	_ =	shalt  }
0x78: {  	_ =	shalt  }
0x79: {  	_ =	shalt  }
0x7a: {  	_ =	shalt  }
0x7b: {  	_ =	shalt  }
0x7c: {  	_ =	shalt  }
0x7d: {  	_ =	shalt  }
0x7e: {  	_ =	shalt  }
0x7f: {  	_ =	shalt  }
0x80: {  	_ =	shalt  }
0x81: {  	_ =	shalt  }
0x82: {  	_ =	shalt  }
0x83: {  	_ =	shalt  }
0x84: {  	_ =	shalt  }
0x85: {  	_ =	shalt  }
0x86: {  	_ =	shalt  }
0x87: {  	_ =	shalt  }
.Lfunc_end0:
.L_simem_size_0:
called_computation.2_lowered:
.L_overlay_start_0:
0x88: {  	s2 =	sld [smem:$0x3FD9]  }
0x89: {  	s3 =	sld [smem:$0x3FFE];
	_ =	sdelay $0x1  }
0x8a: {  	s1 =	srdreg.scid  }
0x8b: {  	s0 =	sand.u32 $0x1, s1  }
0x8c: {  	s17 =	sshll.u32 s0, $0xA;
	s2 =	sadd.s32 s3, s2  }
0x8d: {  	s2 =	sadd.s32 s2, s17  }
0x8e: {  	[smem:$0x3FC4] =	sst s2  }
0x8f: {  	_ = 	snop  }
0x90: {  	s2 =	sld [smem:$0x3FC9]  }
0x91: {  	s18 =	sld [smem:$0x3FC8]  }
0x92: {  	s4 =	sld [smem:$0x3FC7]  }
0x93: {  	s5 =	sld [smem:$0x3FD0];
	(tm) =	ssettm $0x1  }
0x94: {  	s6 =	sld [smem:$0x3FFB];
	_ =	sdelay $0x3  }
0x95: {  	_ =	strace s6  }
0x96: {  	s6 =	sld [smem:$0x3FFC];
	_ =	sdelay $0x3  }
0x97: {  	_ =	strace s6  }
0x98: {  	s6 =	sld [smem:$0x3FFD];
	_ =	sdelay $0x3  }
0x99: {  	_ =	strace s6  }
0x9a: {  	_ =	strace $0x8FFFFFFF  }
0x9b: {  	s19 =	sld [smem:$0x3FDB];
	_ =	sdelay $0x1  }
0x9c: {  	s7 =	simm.s32 $_scs_section_size  }
0x9d: {  	s8 =	simm.s32 $_size__tile_overlayer_lowered;
	s9 =	simm.s32 $_tile_overlayer_lowered  }
0x9e: {  	s22 =	simm.s32 $0x1BFF;
	s21 =	sshll.u32 s9, $0x1;
	s6 =	sadd.s32 s7, s19  }
0x9f: {  	s10 =	simm.s32 $0x0;
	s20 =	sshll.u32 s8, $0x1;
	s8 =	sadd.s32 s21, s6  }
0xa0: {  	[timem:s10], [sflag:s22] =	dma.local [hbm:s8], s20  }
0xa1: {  	_ =	swait.ge [sflag:s22], s20  }
0xa2: {  	s7 =	ssub.s32 $0x0, s20;
	[sflag:s22] =	ssyncset.done $0x0  }
0xa3: {  	[sflag:s22] =	ssyncadd.s32 s7;
	_ =	sdelay $0x1  }
0xa4: {  	s23 =	simm.s32 $0x1B8B  }
0xa5: {  	_ =	swait.ge [sflag:s23], $0x1  }
0xa6: {  	[sflag:s23] =	ssyncset.done $0x0  }
0xa7: {  	s25 =	simm.s32 $0x1B8E;
	s24 =	sld [smem:$0x3FFE];
	[sflag:s23] =	ssyncadd.s32 $0xFFFFFFFF  }
0xa8: {  	s26 =	simm.s32 $execute0_lowered;
	[smem:$0x3FD2] =	sst s25  }
0xa9: {  	s8 =	sshll.u32 s26, $0x1;
	_ =	strace $0x8000004C;
	[dreg:$0x1] =	wrdreg $0xFFFFFFFF  }
0xaa: {  	s28 =	simm.s32 $_size_execute0_lowered;
	s6 =	sadd.s32 s6, s8;
	[dreg:$0x0] =	wrdreg $0x0  }
0xab: {  	s8 =	sshll.u32 s28, $0x1;
	[dreg:$0x2] =	wrdreg s6  }
0xac: {  	[dreg:$0x3] =	wrdreg s8  }
0xad: {  	[dreg:$0x4] =	wrdreg $0xC0  }
0xae: {  	_ =	task [dreg:s10], $0x5FFFF  }
0xaf: {  	[dreg:$0x1] =	wrdreg $0xFFFFFFFF  }
0xb0: {  	[dreg:$0x0] =	wrdreg $0x60  }
0xb1: {  	[dreg:$0x2] =	wrdreg s2  }
0xb2: {  	[dreg:$0x3] =	wrdreg s18  }
0xb3: {  	[dreg:$0x4] =	wrdreg s4  }
0xb4: {  	[dreg:$0x5] =	wrdreg s24  }
0xb5: {  	[dreg:$0x6] =	wrdreg s5  }
0xb6: {  	[dreg:$0x7] =	wrdreg $0x9  }
0xb7: {  	_ =	task.clear_ibuf [dreg:s10], $0x8FFFF;
	_ =	strace $0x9000004C  }
0xb8: {  	s29 =	simm.s32 $0x9;
	_ =	strace $0x8000004E  }
0xb9: {  	_ =	swait.ge [sflag:s29], $0x1  }
0xba: {  	[sflag:s29] =	ssyncadd.s32 $0xFFFFFFFF  }
0xbb: {  	_ =	strace $0x9000004E  }
0xbc: {  	_ =	sfence  }
0xbd: {  	s30 =	sld [smem:$0x0];
	_ =	sdelay $0x2  }
0xbe: {  	s31 =	sshll.u32 s1, $0xD;
	s1 =	sshrl.u32 s1, $0x2  }
0xbf: {  	s3 =	sand.u32 $0x4000, s31;
	s1 =	sadd.s32 s1, s30  }
0xc0: {  	s0 =	sor.u32 s3, s0;
	s1 =	sshll.u32 s1, $0x11  }
0xc1: {  	s0 =	sor.u32 s1, s0  }
0xc2: {  	s0 =	sadd.s32 $0x8F2B, s0  }
0xc3: {  	[sflag:s0] =	ssyncadd.remote.s32 $0x1  }
0xc4: {  	_ =	sfence.sel $0xFFFF  }
0xc5: {  	[dreg:$0x0] =	wrdreg $0xFFFFFFFF;
	(pc) =	sbr.abs _section_cstart, $3  }
0xc6: {  	[dreg:$0x1] =	wrdreg $0xFFFFFFFF  }
0xc7: {  	_ =	task.clear_ibuf [dreg:s10], $0x2FFFF;
	_ =	strace $0x9FFFFFFF  }
0xc8: {  	(tm) =	ssettm $0x7FFFFFFF  }
0xc9: {  	_ =	shalt  }
tec
execute0_lowered:
.L_overlay_start_1:
0x0: {  	(tag) =	ssettag $0x1  }
0x1: {  	s0 =	rddreg [dreg:$0x0]  }
0x2: {  	s1 =	rddreg [dreg:$0x1]  }
0x3: {  	s3 =	rddreg [dreg:$0x2]  }
0x4: {  	s4 =	rddreg [dreg:$0x3];
	s2 =	srdreg.scid  }
0x5: {  	s7 =	stileid.u32;
	s5 =	rddreg [dreg:$0x4]  }
0x6: {  	s28 =	simm.s32 $0x4E20;
	s6 =	sand.u32 $0x1, s2;
	s7 =	sshll.u32 s7, $0x1  }
0x7: {  	s29 =	simm.s32 $0x1;
	s30 =	simm.s32 $0x2;
	s7 =	sor.u32 s6, s7  }
0x8: {  	s31 =	simm.s32 $0x7530;
	s2 =	simm.s32 $0x0;
	s7 =	smul.u32 $0xC350, s7  }
0x9: {  	s4 =	sadd.s32 $0x1400, s4;
	[smem:$0x7FF] =	sst s2;
	s6 =	ssub.s32 $0x2, s6  }
0xa: {  	_ =	strace $0x8000004D;
	s18 =	sshrl.u32 s6, $0x1;
	s7 =	sshrl.u32 s7, $0x3  }
0xb: {  	[dreg:$0x6] =	wrdreg s4;
	s4 =	ssub.s32 s6, s18;
	s19 =	sadd.s32 s0, s7  }
0xc: {  	s20 =	sadd.s32 $0x4E2, s7;
	s8 =	sadd.s32 s1, s7;
	s21 =	sadd.s32 s3, s7  }
0xd: {  	s25 =	sadd.s32 $0x9C4, s7;
	s10 =	sadd.s32 s5, s7;
	[dreg:$0x7] =	wrdreg s19  }
0xe: {  	s26 =	sadd.s32 $0xEA6, s7;
	s7 =	sadd.s32 $0x1388, s7;
	[dreg:$0x8] =	wrdreg s8  }
0xf: {  	[dreg:$0x9] =	wrdreg s21;
	s22 =	sadd.s32 s0, s20;
	s23 =	sadd.s32 s1, s20  }
0x10: {  	s24 =	sadd.s32 s3, s20;
	s11 =	sadd.s32 s0, s25;
	s12 =	sadd.s32 s1, s25  }
0x11: {  	s13 =	sadd.s32 s3, s25;
	s14 =	sadd.s32 s5, s20;
	s15 =	sadd.s32 s0, s26  }
0x12: {  	s16 =	sadd.s32 s1, s26;
	s17 =	sadd.s32 s3, s26;
	s18 =	sadd.s32 s5, s25  }
0x13: {  	s19 =	sadd.s32 s0, s7;
	s20 =	sadd.s32 s1, s7;
	s21 =	sadd.s32 s3, s7  }
0x14: {  	s25 =	simm.s32 $0xEA60;
	s1 =	simm.s32 $0x9C40;
	[dreg:$0xa] =	wrdreg s22  }
0x15: {  	s0 =	simm.s32 $0xC350;
	s3 =	simm.s32 $0x3;
	[dreg:$0xb] =	wrdreg s23  }
0x16: {  	[dreg:$0xc] =	wrdreg s24;
	s22 =	sadd.s32 s5, s26;
	s23 =	sadd.s32 s5, s7  }
0x17: {  	s24 =	smax.u32 s4, $0x1;
	s26 =	simm.s32 $0x2710;
	s4 =	simm.s32 $0x0  }
.LBB2_1:
0x18: {  	s5 =	rddreg [dreg:$0x6]  }
0x19: {  	[tilespmem:s25], [sflag:$0x1] =	stream.linear.gather [hbm4b:s5+s2], $0x2800, $0x38;
	[tilespmem:$0x11260] =	vst v63  }
0x1a: {  	s7 =	rddreg [dreg:$0x7]  }
0x1b: {  	[tilespmem:s2], [sflag:$0x2] =	stream.linear.gather [hbm4b:s7+s2], $0x2710, $0x38;
	[tilespmem:$0x11260] =	vst v63  }
0x1c: {  	s8 =	rddreg [dreg:$0x8]  }
0x1d: {  	[tilespmem:s26], [sflag:$0x2] =	stream.linear.gather [hbm4b:s8+s2], $0x2710, $0x38;
	[tilespmem:$0x11260] =	vst v63  }
0x1e: {  	s9 =	rddreg [dreg:$0x9]  }
0x1f: {  	[tilespmem:s28], [sflag:$0x2] =	stream.linear.gather [hbm4b:s9+s2], $0x2710, $0x38;
	[tilespmem:$0x11260] =	vst v63  }
0x20: {  	_ =	swait.ge [sflag:s29], $0x2800  }
0x21: {  	[sflag:s29] =	ssyncset.done $0x0  }
0x22: {  	[sflag:s29] =	ssyncadd.s32 $0xFFFFD800  }
0x23: {  	_ =	swait.ge [sflag:s30], $0x2710  }
0x24: {  	[sflag:s30] =	ssyncset.done $0x0  }
0x25: {  	[sflag:s30] =	ssyncadd.s32 $0xFFFFD8F0  }
0x26: {  	_ =	swait.ge [sflag:s30], $0x2710  }
0x27: {  	[sflag:s30] =	ssyncset.done $0x0  }
0x28: {  	[sflag:s30] =	ssyncadd.s32 $0xFFFFD8F0  }
0x29: {  	_ =	swait.ge [sflag:s30], $0x2710  }
0x2a: {  	[sflag:s30] =	ssyncset.done $0x0  }
0x2b: {  	s6 =	rddreg [dreg:$0xa];
	[sflag:s30] =	ssyncadd.s32 $0xFFFFD8F0  }
0x2c: {  	[tilespmem:s31], [sflag:$0x3] =	stream.linear.gather [hbm4b:s6+s2], $0x2710, $0x38;
	[tilespmem:$0x11260] =	vst v63  }
0x2d: {  	s7 =	rddreg [dreg:$0xb]  }
0x2e: {  	[tilespmem:s1], [sflag:$0x3] =	stream.linear.gather [hbm4b:s7+s2], $0x2710, $0x38;
	[tilespmem:$0x11260] =	vst v63  }
0x2f: {  	s9 =	simm.s32 $0x2730;
	s8 =	rddreg [dreg:$0xc]  }
0x30: {  	[tilespmem:s0], [sflag:$0x3] =	stream.linear.gather [hbm4b:s8+s2], $0x2710, $0x38;
	[tilespmem:$0x11260] =	vst v63  }
0x31: {  	v0 =	vld [tilespmem:s9+$0x20]  }
0x32: {  	s6 =	simm.s32 $0x4E40;
	v1 =	vld [tilespmem:s9+$0xFFFFFFE0]  }
0x33: {  	v2 =	vld [tilespmem:s6+$0x20]  }
0x34: {  	v3 =	vld [tilespmem:s9+$0xFFFFFFF0]  }
0x35: {  	v4 =	vld [tilespmem:s6+$0xFFFFFFF0]  }
0x36: {  	v5 =	vld [tilespmem:s6+$0x0]  }
0x37: {  	v6 =	vld [tilespmem:s6+$0xFFFFFFE0]  }
0x38: {  	v8 =	vld [tilespmem:s9+$0x0]  }
0x39: {  	s7 =	simm.s32 $0x2780;
	v9 =	vld [tilespmem:s9+$0x10];
	v0 =	vmul.f32 $1.442695020e+00, v0  }
0x3a: {  	v12 =	vld [tilespmem:s7+$0x20]  }
0x3b: {  	v1 =	vmul.f32 $1.442695020e+00, v1;
	(erf) = vpow2.f32 v0;
	v0 =	vld [tilespmem:s7+$0xFFFFFFF0]  }
0x3c: {  	v13 =	vld [tilespmem:s7+$0xFFFFFFE0];
	v3 =	vmul.f32 $1.442695020e+00, v3  }
0x3d: {  	s5 =	simm.s32 $0x20;
	v7 =	vld [tilespmem:s6+$0x10];
	(erf) = vpow2.f32 v1;
	v1 =	vmul.f32 $1.442695020e+00, v8  }
0x3e: {  	v10 =	vld [tilespmem:s5+$0x20];
	(erf) = vpow2.f32 v3  }
0x3f: {  	v11 =	vld [tilespmem:s5+$0xFFFFFFE0];
	v3 =	vmul.f32 $1.442695020e+00, v9;
	(erf) = vpow2.f32 v1  }
0x40: {  	v2 =	vld.idx.msk [tilespmem:v2+s25+$0x0], $0xffff;
	v1 =	vmul.f32 $1.442695020e+00, v12;
	v0 =	vmul.f32 $1.442695020e+00, v0  }
0x41: {  	s6 =	simm.s32 $0x4E90;
	v14 =	vld [tilespmem:s7+$0x10];
	v58 =	vmul.f32 $1.442695020e+00, v13;
	(erf) = vpow2.f32 v3  }
0x42: {  	v59 =	vld [tilespmem:s6+$0x0];
	(erf) = vpow2.f32 v1  }
0x43: {  	v15 =	vld [tilespmem:s6+$0x10];
	(erf) = vpow2.f32 v58  }
0x44: {  	v5 =	vld.idx.msk [tilespmem:v5+s25+$0x0], $0xffff;
	(erf) = vpow2.f32 v0;
	v0 =	vpop (erf)  }
0x45: {  	v8 =	vld [tilespmem:s6+$0x20];
	v0 =	vmul.f32 v0, v2  }
0x46: {  	v9 =	vld [tilespmem:s7+$0x0]  }
0x47: {  	v16 =	vpop (erf);
	v2 =	vld [tilespmem:s5+$0x0]  }
0x48: {  	v4 =	vld.idx.msk [tilespmem:v4+s25+$0x0], $0xffff;
	v17 =	vpop (erf)  }
0x49: {  	v6 =	vld.idx.msk [tilespmem:v6+s25+$0x0], $0xffff;
	v10 =	vadd.f32 v0, v10;
	v0 =	vpop (erf)  }
0x4a: {  	v3 =	vld [tilespmem:s6+$0xFFFFFFF0];
	v5 =	vmul.f32 v0, v5  }
0x4b: {  	v60 =	vld [tilespmem:s6+$0xFFFFFFE0];
	v9 =	vmul.f32 $1.442695020e+00, v9  }
0x4c: {  	v1 =	vld [tilespmem:s5+$0xFFFFFFF0];
	v63 =	vadd.f32 v5, v2;
	v5 =	vmul.f32 $1.442695020e+00, v14  }
0x4d: {  	v7 =	vld.idx.msk [tilespmem:v7+s25+$0x0], $0xffff;
	(erf) = vpow2.f32 v9  }
0x4e: {  	v8 =	vld.idx.msk [tilespmem:v8+s25+$0x0], $0xffff;
	(erf) = vpow2.f32 v5  }
0x4f: {  	v61 =	vld [tilespmem:s5+$0x10];
	s7 =	simm.s32 $0x70;
	v6 =	vmul.f32 v16, v6;
	v4 =	vmul.f32 v17, v4  }
0x50: {  	v62 =	vld [tilespmem:s7+$0x20]  }
0x51: {  	v6 =	vadd.f32 v6, v11;
	[tilespmem:s5+$0x20] =	vst v10;
	v10 =	vadd.f32 v4, v1;
	v1 =	vld.idx.msk [tilespmem:v59+s25+$0x0], $0xffff;
	v11 =	vpop (erf)  }
0x52: {  	v0 =	vld.idx.msk [tilespmem:v3+s25+$0x0], $0xffff;
	v7 =	vmul.f32 v11, v7;
	v3 =	vpop (erf)  }
0x53: {  	[tilespmem:s5+$0xFFFFFFE0] =	vst v6;
	v11 =	vmul.f32 v3, v8;
	v3 =	vld.idx.msk [tilespmem:v60+s25+$0x0], $0xffff  }
0x54: {  	[tilespmem:s5+$0xFFFFFFF0] =	vst v10;
	v4 =	vpop (erf);
	v2 =	vld.idx.msk [tilespmem:v15+s25+$0x0], $0xffff;
	v8 =	vadd.f32 v7, v61  }
0x55: {  	s8 =	simm.s32 $0x5;
	s9 =	simm.s32 $0x27D0;
	v6 =	vpop (erf);
	v5 =	vld [tilespmem:s7+$0xFFFFFFE0];
	v7 =	vadd.f32 v11, v62;
	[tilespmem:s5+$0x0] =	vst v63  }
.LBB2_2:
0x56: {  	v9 =	vld [tilespmem:s9+$0x20];
	s8 =	sadd.s32 $0x5, s8;
	v10 =	vpop (erf);
	[tilespmem:s5+$0x10] =	vst v8;
	s5 =	smov.u32 s7  }
0x57: {  	v6 =	vmul.f32 v6, v0;
	v8 =	vld [tilespmem:s9+$0xFFFFFFE0];
	p0 =	slt.u32 s8, $0x26C;
	[tilespmem:s7+$0x20] =	vst v7;
	v0 =	vpop (erf)  }
0x58: {  	s6 =	sadd.s32 $0x50, s6;
	v10 =	vmul.f32 v10, v1;
	v7 =	vld [tilespmem:s9+$0xFFFFFFF0]  }
0x59: {  	v3 =	vmul.f32 v4, v3;
	v1 =	vld [tilespmem:s6+$0x20]  }
0x5a: {  	v11 =	vmul.f32 v0, v2;
	v4 =	vld [tilespmem:s9+$0x0]  }
0x5b: {  	v3 =	vadd.f32 v3, v5;
	v0 =	vld [tilespmem:s9+$0x10];
	v2 =	vmul.f32 $1.442695020e+00, v9  }
0x5c: {  	v5 =	vmul.f32 $1.442695020e+00, v8;
	v8 =	vld [tilespmem:s6+$0xFFFFFFF0]  }
0x5d: {  	v7 =	vmul.f32 $1.442695020e+00, v7;
	v9 =	vld [tilespmem:s6+$0x0];
	(erf) = vpow2.f32 v2;
	[tilespmem:s7+$0xFFFFFFE0] =	vst v3  }
0x5e: {  	v2 =	vld [tilespmem:s6+$0x10];
	(erf) = vpow2.f32 v5  }
0x5f: {  	v3 =	vld [tilespmem:s6+$0xFFFFFFE0];
	v4 =	vmul.f32 $1.442695020e+00, v4;
	(erf) = vpow2.f32 v7  }
0x60: {  	v0 =	vmul.f32 $1.442695020e+00, v0;
	v5 =	vld [tilespmem:s7+$0xFFFFFFF0]  }
0x61: {  	v7 =	vld.idx.msk [tilespmem:v1+s25+$0x0], $0xffff;
	(erf) = vpow2.f32 v4  }
0x62: {  	(erf) = vpow2.f32 v0;
	v12 =	vld [tilespmem:s7+$0x0]  }
0x63: {  	s7 =	sadd.s32 $0x50, s7;
	v13 =	vld [tilespmem:s5+$0x10]  }
0x64: {  	v14 =	vld [tilespmem:s7+$0x20]  }
.Ltmp0:
0x65: {  	v0 =	vld.idx.msk [tilespmem:v8+s25+$0x0], $0xffff;
	v5 =	vadd.f32 v6, v5;
	(pc) =	sbr.rel @p0 .LBB2_2-.Ltmp0, $4  }
0x66: {  	v1 =	vld.idx.msk [tilespmem:v9+s25+$0x0], $0xffff;
	v4 =	vpop (erf)  }
0x67: {  	v3 =	vld.idx.msk [tilespmem:v3+s25+$0x0], $0xffff;
	v7 =	vmul.f32 v4, v7;
	v4 =	vpop (erf);
	[tilespmem:s5+$0xFFFFFFF0] =	vst v5;
	v9 =	vadd.f32 v10, v12  }
0x68: {  	v2 =	vld.idx.msk [tilespmem:v2+s25+$0x0], $0xffff;
	v6 =	vpop (erf);
	v8 =	vadd.f32 v11, v13  }
0x69: {  	s9 =	sadd.s32 $0x50, s9;
	v5 =	vld [tilespmem:s7+$0xFFFFFFE0];
	v7 =	vadd.f32 v7, v14;
	[tilespmem:s5+$0x0] =	vst v9  }
0x6a: {  	v9 =	vld [tilespmem:s7+$0xFFFFFFF0]  }
0x6b: {  	v10 =	vld [tilespmem:s7+$0x0]  }
0x6c: {  	v3 =	vmul.f32 v4, v3;
	v4 =	vld [tilespmem:s7+$0x10]  }
0x6d: {  	v11 =	vpop (erf);
	v0 =	vmul.f32 v6, v0  }
0x6e: {  	[tilespmem:s5+$0x10] =	vst v8;
	v6 =	vpop (erf);
	v1 =	vmul.f32 v11, v1;
	v3 =	vadd.f32 v3, v5  }
0x6f: {  	[tilespmem:s7+$0x20] =	vst v7;
	v2 =	vmul.f32 v6, v2;
	v0 =	vadd.f32 v0, v9  }
0x70: {  	v1 =	vadd.f32 v1, v10;
	[tilespmem:s7+$0xFFFFFFE0] =	vst v3  }
0x71: {  	[tilespmem:s7+$0xFFFFFFF0] =	vst v0;
	v0 =	vadd.f32 v2, v4  }
0x72: {  	[tilespmem:s7+$0x0] =	vst v1  }
0x73: {  	[tilespmem:s7+$0x10] =	vst v0  }
0x74: {  	[hbm4b:s10+s2] =	stream.linear.scatter [tilespmem:s2], [sflag:$0x2], $0x2710, $0x38;
	[tilespmem:$0x11260] =	vst v63  }
0x75: {  	_ =	swait.ge [sflag:s3], $0x2710  }
0x76: {  	[sflag:s3] =	ssyncset.done $0x0  }
0x77: {  	[sflag:s3] =	ssyncadd.s32 $0xFFFFD8F0  }
0x78: {  	_ =	swait.ge [sflag:s3], $0x2710  }
0x79: {  	[sflag:s3] =	ssyncset.done $0x0  }
0x7a: {  	[sflag:s3] =	ssyncadd.s32 $0xFFFFD8F0  }
0x7b: {  	_ =	swait.ge [sflag:s3], $0x2710  }
0x7c: {  	[sflag:s3] =	ssyncset.done $0x0  }
0x7d: {  	[sflag:s3] =	ssyncadd.s32 $0xFFFFD8F0  }
0x7e: {  	_ =	swait.ge [sflag:s30], $0x2710  }
0x7f: {  	[sflag:s30] =	ssyncset.done $0x0  }
0x80: {  	[sflag:s30] =	ssyncadd.s32 $0xFFFFD8F0  }
0x81: {  	[tilespmem:s2], [sflag:$0x2] =	stream.linear.gather [hbm4b:s11+s2], $0x2710, $0x38;
	[tilespmem:$0x11260] =	vst v63  }
0x82: {  	_ = 	snop  }
0x83: {  	[tilespmem:s26], [sflag:$0x2] =	stream.linear.gather [hbm4b:s12+s2], $0x2710, $0x38;
	[tilespmem:$0x11260] =	vst v63  }
0x84: {  	s8 =	simm.s32 $0x9C60  }
0x85: {  	[tilespmem:s28], [sflag:$0x2] =	stream.linear.gather [hbm4b:s13+s2], $0x2710, $0x38;
	[tilespmem:$0x11260] =	vst v63  }
0x86: {  	v0 =	vld [tilespmem:s8+$0x20]  }
0x87: {  	s6 =	simm.s32 $0xC370;
	v1 =	vld [tilespmem:s8+$0xFFFFFFE0]  }
0x88: {  	v2 =	vld [tilespmem:s6+$0x20]  }
0x89: {  	v3 =	vld [tilespmem:s8+$0xFFFFFFF0]  }
0x8a: {  	v4 =	vld [tilespmem:s6+$0xFFFFFFF0]  }
0x8b: {  	v5 =	vld [tilespmem:s6+$0x0]  }
0x8c: {  	v6 =	vld [tilespmem:s6+$0xFFFFFFE0]  }
0x8d: {  	v8 =	vld [tilespmem:s8+$0x0]  }
0x8e: {  	s9 =	simm.s32 $0x9CB0;
	v9 =	vld [tilespmem:s8+$0x10];
	v0 =	vmul.f32 $1.442695020e+00, v0  }
0x8f: {  	v12 =	vld [tilespmem:s9+$0x20]  }
0x90: {  	v1 =	vmul.f32 $1.442695020e+00, v1;
	(erf) = vpow2.f32 v0;
	v0 =	vld [tilespmem:s9+$0xFFFFFFF0]  }
0x91: {  	v13 =	vld [tilespmem:s9+$0xFFFFFFE0];
	v3 =	vmul.f32 $1.442695020e+00, v3  }
0x92: {  	s5 =	simm.s32 $0x7550;
	v7 =	vld [tilespmem:s6+$0x10];
	(erf) = vpow2.f32 v1;
	v1 =	vmul.f32 $1.442695020e+00, v8  }
0x93: {  	v10 =	vld [tilespmem:s5+$0x20];
	(erf) = vpow2.f32 v3  }
0x94: {  	v11 =	vld [tilespmem:s5+$0xFFFFFFE0];
	v3 =	vmul.f32 $1.442695020e+00, v9;
	(erf) = vpow2.f32 v1  }
0x95: {  	v2 =	vld.idx.msk [tilespmem:v2+s25+$0x0], $0xffff;
	v1 =	vmul.f32 $1.442695020e+00, v12;
	v0 =	vmul.f32 $1.442695020e+00, v0  }
0x96: {  	s6 =	simm.s32 $0xC3C0;
	v14 =	vld [tilespmem:s9+$0x10];
	v58 =	vmul.f32 $1.442695020e+00, v13;
	(erf) = vpow2.f32 v3  }
0x97: {  	v59 =	vld [tilespmem:s6+$0x0];
	(erf) = vpow2.f32 v1  }
0x98: {  	v15 =	vld [tilespmem:s6+$0x10];
	(erf) = vpow2.f32 v58  }
0x99: {  	v5 =	vld.idx.msk [tilespmem:v5+s25+$0x0], $0xffff;
	(erf) = vpow2.f32 v0;
	v0 =	vpop (erf)  }
0x9a: {  	v8 =	vld [tilespmem:s6+$0x20];
	v0 =	vmul.f32 v0, v2  }
0x9b: {  	v9 =	vld [tilespmem:s9+$0x0]  }
0x9c: {  	v16 =	vpop (erf);
	v2 =	vld [tilespmem:s5+$0x0]  }
0x9d: {  	v4 =	vld.idx.msk [tilespmem:v4+s25+$0x0], $0xffff;
	v17 =	vpop (erf)  }
0x9e: {  	v6 =	vld.idx.msk [tilespmem:v6+s25+$0x0], $0xffff;
	v10 =	vadd.f32 v0, v10;
	v0 =	vpop (erf)  }
0x9f: {  	v3 =	vld [tilespmem:s6+$0xFFFFFFF0];
	v5 =	vmul.f32 v0, v5  }
0xa0: {  	v60 =	vld [tilespmem:s6+$0xFFFFFFE0];
	v9 =	vmul.f32 $1.442695020e+00, v9  }
0xa1: {  	v1 =	vld [tilespmem:s5+$0xFFFFFFF0];
	v63 =	vadd.f32 v5, v2;
	v5 =	vmul.f32 $1.442695020e+00, v14  }
0xa2: {  	v7 =	vld.idx.msk [tilespmem:v7+s25+$0x0], $0xffff;
	(erf) = vpow2.f32 v9  }
0xa3: {  	v8 =	vld.idx.msk [tilespmem:v8+s25+$0x0], $0xffff;
	(erf) = vpow2.f32 v5  }
0xa4: {  	s7 =	simm.s32 $0x75A0;
	v61 =	vld [tilespmem:s5+$0x10];
	v6 =	vmul.f32 v16, v6;
	v4 =	vmul.f32 v17, v4  }
0xa5: {  	v62 =	vld [tilespmem:s7+$0x20]  }
0xa6: {  	v6 =	vadd.f32 v6, v11;
	[tilespmem:s5+$0x20] =	vst v10;
	v10 =	vadd.f32 v4, v1;
	v1 =	vld.idx.msk [tilespmem:v59+s25+$0x0], $0xffff;
	v11 =	vpop (erf)  }
0xa7: {  	v0 =	vld.idx.msk [tilespmem:v3+s25+$0x0], $0xffff;
	v7 =	vmul.f32 v11, v7;
	v3 =	vpop (erf)  }
0xa8: {  	[tilespmem:s5+$0xFFFFFFE0] =	vst v6;
	v11 =	vmul.f32 v3, v8;
	v3 =	vld.idx.msk [tilespmem:v60+s25+$0x0], $0xffff  }
0xa9: {  	[tilespmem:s5+$0xFFFFFFF0] =	vst v10;
	v4 =	vpop (erf);
	v2 =	vld.idx.msk [tilespmem:v15+s25+$0x0], $0xffff;
	v8 =	vadd.f32 v7, v61  }
0xaa: {  	s8 =	simm.s32 $0x5;
	s9 =	simm.s32 $0x9D00;
	v6 =	vpop (erf);
	v5 =	vld [tilespmem:s7+$0xFFFFFFE0];
	v7 =	vadd.f32 v11, v62;
	[tilespmem:s5+$0x0] =	vst v63  }
.LBB2_4:
0xab: {  	v9 =	vld [tilespmem:s9+$0x20];
	s8 =	sadd.s32 $0x5, s8;
	v10 =	vpop (erf);
	[tilespmem:s5+$0x10] =	vst v8;
	s5 =	smov.u32 s7  }
0xac: {  	v6 =	vmul.f32 v6, v0;
	v8 =	vld [tilespmem:s9+$0xFFFFFFE0];
	p0 =	slt.u32 s8, $0x26C;
	[tilespmem:s7+$0x20] =	vst v7;
	v0 =	vpop (erf)  }
0xad: {  	s6 =	sadd.s32 $0x50, s6;
	v10 =	vmul.f32 v10, v1;
	v7 =	vld [tilespmem:s9+$0xFFFFFFF0]  }
0xae: {  	v3 =	vmul.f32 v4, v3;
	v1 =	vld [tilespmem:s6+$0x20]  }
0xaf: {  	v11 =	vmul.f32 v0, v2;
	v4 =	vld [tilespmem:s9+$0x0]  }
0xb0: {  	v3 =	vadd.f32 v3, v5;
	v0 =	vld [tilespmem:s9+$0x10];
	v2 =	vmul.f32 $1.442695020e+00, v9  }
0xb1: {  	v5 =	vmul.f32 $1.442695020e+00, v8;
	v8 =	vld [tilespmem:s6+$0xFFFFFFF0]  }
0xb2: {  	v7 =	vmul.f32 $1.442695020e+00, v7;
	v9 =	vld [tilespmem:s6+$0x0];
	(erf) = vpow2.f32 v2;
	[tilespmem:s7+$0xFFFFFFE0] =	vst v3  }
0xb3: {  	v2 =	vld [tilespmem:s6+$0x10];
	(erf) = vpow2.f32 v5  }
0xb4: {  	v3 =	vld [tilespmem:s6+$0xFFFFFFE0];
	v4 =	vmul.f32 $1.442695020e+00, v4;
	(erf) = vpow2.f32 v7  }
0xb5: {  	v0 =	vmul.f32 $1.442695020e+00, v0;
	v5 =	vld [tilespmem:s7+$0xFFFFFFF0]  }
0xb6: {  	v7 =	vld.idx.msk [tilespmem:v1+s25+$0x0], $0xffff;
	(erf) = vpow2.f32 v4  }
0xb7: {  	(erf) = vpow2.f32 v0;
	v12 =	vld [tilespmem:s7+$0x0]  }
0xb8: {  	s7 =	sadd.s32 $0x50, s7;
	v13 =	vld [tilespmem:s5+$0x10]  }
0xb9: {  	v14 =	vld [tilespmem:s7+$0x20]  }
.Ltmp1:
0xba: {  	v0 =	vld.idx.msk [tilespmem:v8+s25+$0x0], $0xffff;
	v5 =	vadd.f32 v6, v5;
	(pc) =	sbr.rel @p0 .LBB2_4-.Ltmp1, $4  }
0xbb: {  	v1 =	vld.idx.msk [tilespmem:v9+s25+$0x0], $0xffff;
	v4 =	vpop (erf)  }
0xbc: {  	v3 =	vld.idx.msk [tilespmem:v3+s25+$0x0], $0xffff;
	v7 =	vmul.f32 v4, v7;
	v4 =	vpop (erf);
	[tilespmem:s5+$0xFFFFFFF0] =	vst v5;
	v9 =	vadd.f32 v10, v12  }
0xbd: {  	v2 =	vld.idx.msk [tilespmem:v2+s25+$0x0], $0xffff;
	v6 =	vpop (erf);
	v8 =	vadd.f32 v11, v13  }
0xbe: {  	s9 =	sadd.s32 $0x50, s9;
	v5 =	vld [tilespmem:s7+$0xFFFFFFE0];
	v7 =	vadd.f32 v7, v14;
	[tilespmem:s5+$0x0] =	vst v9  }
0xbf: {  	v9 =	vld [tilespmem:s7+$0xFFFFFFF0]  }
0xc0: {  	v10 =	vld [tilespmem:s7+$0x0]  }
0xc1: {  	v3 =	vmul.f32 v4, v3;
	v4 =	vld [tilespmem:s7+$0x10]  }
0xc2: {  	v11 =	vpop (erf);
	v0 =	vmul.f32 v6, v0  }
0xc3: {  	[tilespmem:s5+$0x10] =	vst v8;
	v6 =	vpop (erf);
	v1 =	vmul.f32 v11, v1;
	v3 =	vadd.f32 v3, v5  }
0xc4: {  	[tilespmem:s7+$0x20] =	vst v7;
	v2 =	vmul.f32 v6, v2;
	v0 =	vadd.f32 v0, v9  }
0xc5: {  	v1 =	vadd.f32 v1, v10;
	[tilespmem:s7+$0xFFFFFFE0] =	vst v3  }
0xc6: {  	[tilespmem:s7+$0xFFFFFFF0] =	vst v0;
	v0 =	vadd.f32 v2, v4  }
0xc7: {  	[tilespmem:s7+$0x0] =	vst v1  }
0xc8: {  	[tilespmem:s7+$0x10] =	vst v0  }
0xc9: {  	[hbm4b:s14+s2] =	stream.linear.scatter [tilespmem:s31], [sflag:$0x3], $0x2710, $0x38;
	[tilespmem:$0x11260] =	vst v63  }
0xca: {  	_ =	swait.ge [sflag:s30], $0x2710  }
0xcb: {  	[sflag:s30] =	ssyncset.done $0x0  }
0xcc: {  	[sflag:s30] =	ssyncadd.s32 $0xFFFFD8F0  }
0xcd: {  	_ =	swait.ge [sflag:s30], $0x2710  }
0xce: {  	[sflag:s30] =	ssyncset.done $0x0  }
0xcf: {  	[sflag:s30] =	ssyncadd.s32 $0xFFFFD8F0  }
0xd0: {  	_ =	swait.ge [sflag:s30], $0x2710  }
0xd1: {  	[sflag:s30] =	ssyncset.done $0x0  }
0xd2: {  	[sflag:s30] =	ssyncadd.s32 $0xFFFFD8F0  }
0xd3: {  	_ =	swait.ge [sflag:s3], $0x2710  }
0xd4: {  	[sflag:s3] =	ssyncset.done $0x0  }
0xd5: {  	[sflag:s3] =	ssyncadd.s32 $0xFFFFD8F0  }
0xd6: {  	[tilespmem:s31], [sflag:$0x3] =	stream.linear.gather [hbm4b:s15+s2], $0x2710, $0x38;
	[tilespmem:$0x11260] =	vst v63  }
0xd7: {  	_ = 	snop  }
0xd8: {  	[tilespmem:s1], [sflag:$0x3] =	stream.linear.gather [hbm4b:s16+s2], $0x2710, $0x38;
	[tilespmem:$0x11260] =	vst v63  }
0xd9: {  	s8 =	simm.s32 $0x2730  }
0xda: {  	[tilespmem:s0], [sflag:$0x3] =	stream.linear.gather [hbm4b:s17+s2], $0x2710, $0x38;
	[tilespmem:$0x11260] =	vst v63  }
0xdb: {  	v0 =	vld [tilespmem:s8+$0x20]  }
0xdc: {  	s6 =	simm.s32 $0x4E40;
	v1 =	vld [tilespmem:s8+$0xFFFFFFE0]  }
0xdd: {  	v2 =	vld [tilespmem:s6+$0x20]  }
0xde: {  	v3 =	vld [tilespmem:s8+$0xFFFFFFF0]  }
0xdf: {  	v4 =	vld [tilespmem:s6+$0xFFFFFFF0]  }
0xe0: {  	v5 =	vld [tilespmem:s6+$0x0]  }
0xe1: {  	v6 =	vld [tilespmem:s6+$0xFFFFFFE0]  }
0xe2: {  	v8 =	vld [tilespmem:s8+$0x0]  }
0xe3: {  	s9 =	simm.s32 $0x2780;
	v9 =	vld [tilespmem:s8+$0x10];
	v0 =	vmul.f32 $1.442695020e+00, v0  }
0xe4: {  	v12 =	vld [tilespmem:s9+$0x20]  }
0xe5: {  	v1 =	vmul.f32 $1.442695020e+00, v1;
	(erf) = vpow2.f32 v0;
	v0 =	vld [tilespmem:s9+$0xFFFFFFF0]  }
0xe6: {  	v13 =	vld [tilespmem:s9+$0xFFFFFFE0];
	v3 =	vmul.f32 $1.442695020e+00, v3  }
0xe7: {  	s5 =	simm.s32 $0x20;
	v7 =	vld [tilespmem:s6+$0x10];
	(erf) = vpow2.f32 v1;
	v1 =	vmul.f32 $1.442695020e+00, v8  }
0xe8: {  	v10 =	vld [tilespmem:s5+$0x20];
	(erf) = vpow2.f32 v3  }
0xe9: {  	v11 =	vld [tilespmem:s5+$0xFFFFFFE0];
	v3 =	vmul.f32 $1.442695020e+00, v9;
	(erf) = vpow2.f32 v1  }
0xea: {  	v2 =	vld.idx.msk [tilespmem:v2+s25+$0x0], $0xffff;
	v1 =	vmul.f32 $1.442695020e+00, v12;
	v0 =	vmul.f32 $1.442695020e+00, v0  }
0xeb: {  	s6 =	simm.s32 $0x4E90;
	v14 =	vld [tilespmem:s9+$0x10];
	v58 =	vmul.f32 $1.442695020e+00, v13;
	(erf) = vpow2.f32 v3  }
0xec: {  	v59 =	vld [tilespmem:s6+$0x0];
	(erf) = vpow2.f32 v1  }
0xed: {  	v15 =	vld [tilespmem:s6+$0x10];
	(erf) = vpow2.f32 v58  }
0xee: {  	v5 =	vld.idx.msk [tilespmem:v5+s25+$0x0], $0xffff;
	(erf) = vpow2.f32 v0;
	v0 =	vpop (erf)  }
0xef: {  	v8 =	vld [tilespmem:s6+$0x20];
	v0 =	vmul.f32 v0, v2  }
0xf0: {  	v9 =	vld [tilespmem:s9+$0x0]  }
0xf1: {  	v16 =	vpop (erf);
	v2 =	vld [tilespmem:s5+$0x0]  }
0xf2: {  	v4 =	vld.idx.msk [tilespmem:v4+s25+$0x0], $0xffff;
	v17 =	vpop (erf)  }
0xf3: {  	v6 =	vld.idx.msk [tilespmem:v6+s25+$0x0], $0xffff;
	v10 =	vadd.f32 v0, v10;
	v0 =	vpop (erf)  }
0xf4: {  	v3 =	vld [tilespmem:s6+$0xFFFFFFF0];
	v5 =	vmul.f32 v0, v5  }
0xf5: {  	v60 =	vld [tilespmem:s6+$0xFFFFFFE0];
	v9 =	vmul.f32 $1.442695020e+00, v9  }
0xf6: {  	v1 =	vld [tilespmem:s5+$0xFFFFFFF0];
	v63 =	vadd.f32 v5, v2;
	v5 =	vmul.f32 $1.442695020e+00, v14  }
0xf7: {  	v7 =	vld.idx.msk [tilespmem:v7+s25+$0x0], $0xffff;
	(erf) = vpow2.f32 v9  }
0xf8: {  	v8 =	vld.idx.msk [tilespmem:v8+s25+$0x0], $0xffff;
	(erf) = vpow2.f32 v5  }
0xf9: {  	s7 =	simm.s32 $0x70;
	v61 =	vld [tilespmem:s5+$0x10];
	v6 =	vmul.f32 v16, v6;
	v4 =	vmul.f32 v17, v4  }
0xfa: {  	v62 =	vld [tilespmem:s7+$0x20]  }
0xfb: {  	v6 =	vadd.f32 v6, v11;
	[tilespmem:s5+$0x20] =	vst v10;
	v10 =	vadd.f32 v4, v1;
	v1 =	vld.idx.msk [tilespmem:v59+s25+$0x0], $0xffff;
	v11 =	vpop (erf)  }
0xfc: {  	v0 =	vld.idx.msk [tilespmem:v3+s25+$0x0], $0xffff;
	v7 =	vmul.f32 v11, v7;
	v3 =	vpop (erf)  }
0xfd: {  	[tilespmem:s5+$0xFFFFFFE0] =	vst v6;
	v11 =	vmul.f32 v3, v8;
	v3 =	vld.idx.msk [tilespmem:v60+s25+$0x0], $0xffff  }
0xfe: {  	[tilespmem:s5+$0xFFFFFFF0] =	vst v10;
	v4 =	vpop (erf);
	v2 =	vld.idx.msk [tilespmem:v15+s25+$0x0], $0xffff;
	v8 =	vadd.f32 v7, v61  }
0xff: {  	s8 =	simm.s32 $0x5;
	s9 =	simm.s32 $0x27D0;
	v6 =	vpop (erf);
	v5 =	vld [tilespmem:s7+$0xFFFFFFE0];
	v7 =	vadd.f32 v11, v62;
	[tilespmem:s5+$0x0] =	vst v63  }
.LBB2_6:
0x100: {  	v9 =	vld [tilespmem:s9+$0x20];
	s8 =	sadd.s32 $0x5, s8;
	v10 =	vpop (erf);
	[tilespmem:s5+$0x10] =	vst v8;
	s5 =	smov.u32 s7  }
0x101: {  	v6 =	vmul.f32 v6, v0;
	v8 =	vld [tilespmem:s9+$0xFFFFFFE0];
	p0 =	slt.u32 s8, $0x26C;
	[tilespmem:s7+$0x20] =	vst v7;
	v0 =	vpop (erf)  }
0x102: {  	s6 =	sadd.s32 $0x50, s6;
	v10 =	vmul.f32 v10, v1;
	v7 =	vld [tilespmem:s9+$0xFFFFFFF0]  }
0x103: {  	v3 =	vmul.f32 v4, v3;
	v1 =	vld [tilespmem:s6+$0x20]  }
0x104: {  	v11 =	vmul.f32 v0, v2;
	v4 =	vld [tilespmem:s9+$0x0]  }
0x105: {  	v3 =	vadd.f32 v3, v5;
	v0 =	vld [tilespmem:s9+$0x10];
	v2 =	vmul.f32 $1.442695020e+00, v9  }
0x106: {  	v5 =	vmul.f32 $1.442695020e+00, v8;
	v8 =	vld [tilespmem:s6+$0xFFFFFFF0]  }
0x107: {  	v7 =	vmul.f32 $1.442695020e+00, v7;
	v9 =	vld [tilespmem:s6+$0x0];
	(erf) = vpow2.f32 v2;
	[tilespmem:s7+$0xFFFFFFE0] =	vst v3  }
0x108: {  	v2 =	vld [tilespmem:s6+$0x10];
	(erf) = vpow2.f32 v5  }
0x109: {  	v3 =	vld [tilespmem:s6+$0xFFFFFFE0];
	v4 =	vmul.f32 $1.442695020e+00, v4;
	(erf) = vpow2.f32 v7  }
0x10a: {  	v0 =	vmul.f32 $1.442695020e+00, v0;
	v5 =	vld [tilespmem:s7+$0xFFFFFFF0]  }
0x10b: {  	v7 =	vld.idx.msk [tilespmem:v1+s25+$0x0], $0xffff;
	(erf) = vpow2.f32 v4  }
0x10c: {  	(erf) = vpow2.f32 v0;
	v12 =	vld [tilespmem:s7+$0x0]  }
0x10d: {  	s7 =	sadd.s32 $0x50, s7;
	v13 =	vld [tilespmem:s5+$0x10]  }
0x10e: {  	v14 =	vld [tilespmem:s7+$0x20]  }
.Ltmp2:
0x10f: {  	v0 =	vld.idx.msk [tilespmem:v8+s25+$0x0], $0xffff;
	v5 =	vadd.f32 v6, v5;
	(pc) =	sbr.rel @p0 .LBB2_6-.Ltmp2, $4  }
0x110: {  	v1 =	vld.idx.msk [tilespmem:v9+s25+$0x0], $0xffff;
	v4 =	vpop (erf)  }
0x111: {  	v3 =	vld.idx.msk [tilespmem:v3+s25+$0x0], $0xffff;
	v7 =	vmul.f32 v4, v7;
	v4 =	vpop (erf);
	[tilespmem:s5+$0xFFFFFFF0] =	vst v5;
	v9 =	vadd.f32 v10, v12  }
0x112: {  	v2 =	vld.idx.msk [tilespmem:v2+s25+$0x0], $0xffff;
	v6 =	vpop (erf);
	v8 =	vadd.f32 v11, v13  }
0x113: {  	s9 =	sadd.s32 $0x50, s9;
	v5 =	vld [tilespmem:s7+$0xFFFFFFE0];
	v7 =	vadd.f32 v7, v14;
	[tilespmem:s5+$0x0] =	vst v9  }
0x114: {  	v9 =	vld [tilespmem:s7+$0xFFFFFFF0]  }
0x115: {  	v10 =	vld [tilespmem:s7+$0x0]  }
0x116: {  	v3 =	vmul.f32 v4, v3;
	v4 =	vld [tilespmem:s7+$0x10]  }
0x117: {  	v11 =	vpop (erf);
	v0 =	vmul.f32 v6, v0  }
0x118: {  	[tilespmem:s5+$0x10] =	vst v8;
	v6 =	vpop (erf);
	v1 =	vmul.f32 v11, v1;
	v3 =	vadd.f32 v3, v5  }
0x119: {  	[tilespmem:s7+$0x20] =	vst v7;
	v2 =	vmul.f32 v6, v2;
	v0 =	vadd.f32 v0, v9  }
0x11a: {  	v1 =	vadd.f32 v1, v10;
	[tilespmem:s7+$0xFFFFFFE0] =	vst v3  }
0x11b: {  	[tilespmem:s7+$0xFFFFFFF0] =	vst v0;
	v0 =	vadd.f32 v2, v4  }
0x11c: {  	[tilespmem:s7+$0x0] =	vst v1  }
0x11d: {  	[tilespmem:s7+$0x10] =	vst v0  }
0x11e: {  	[hbm4b:s18+s2] =	stream.linear.scatter [tilespmem:s2], [sflag:$0x2], $0x2710, $0x38;
	[tilespmem:$0x11260] =	vst v63  }
0x11f: {  	_ =	swait.ge [sflag:s3], $0x2710  }
0x120: {  	[sflag:s3] =	ssyncset.done $0x0  }
0x121: {  	[sflag:s3] =	ssyncadd.s32 $0xFFFFD8F0  }
0x122: {  	_ =	swait.ge [sflag:s3], $0x2710  }
0x123: {  	[sflag:s3] =	ssyncset.done $0x0  }
0x124: {  	[sflag:s3] =	ssyncadd.s32 $0xFFFFD8F0  }
0x125: {  	_ =	swait.ge [sflag:s3], $0x2710  }
0x126: {  	[sflag:s3] =	ssyncset.done $0x0  }
0x127: {  	[sflag:s3] =	ssyncadd.s32 $0xFFFFD8F0  }
0x128: {  	_ =	swait.ge [sflag:s30], $0x2710  }
0x129: {  	[sflag:s30] =	ssyncset.done $0x0  }
0x12a: {  	[sflag:s30] =	ssyncadd.s32 $0xFFFFD8F0  }
0x12b: {  	[tilespmem:s2], [sflag:$0x2] =	stream.linear.gather [hbm4b:s19+s2], $0x2710, $0x38;
	[tilespmem:$0x11260] =	vst v63  }
0x12c: {  	_ = 	snop  }
0x12d: {  	[tilespmem:s26], [sflag:$0x2] =	stream.linear.gather [hbm4b:s20+s2], $0x2710, $0x38;
	[tilespmem:$0x11260] =	vst v63  }
0x12e: {  	s8 =	simm.s32 $0x9C60  }
0x12f: {  	[tilespmem:s28], [sflag:$0x2] =	stream.linear.gather [hbm4b:s21+s2], $0x2710, $0x38;
	[tilespmem:$0x11260] =	vst v63  }
0x130: {  	v0 =	vld [tilespmem:s8+$0x20]  }
0x131: {  	s6 =	simm.s32 $0xC370;
	v1 =	vld [tilespmem:s8+$0xFFFFFFE0]  }
0x132: {  	v2 =	vld [tilespmem:s6+$0x20]  }
0x133: {  	v3 =	vld [tilespmem:s8+$0xFFFFFFF0]  }
0x134: {  	v4 =	vld [tilespmem:s6+$0xFFFFFFF0]  }
0x135: {  	v5 =	vld [tilespmem:s6+$0x0]  }
0x136: {  	v6 =	vld [tilespmem:s6+$0xFFFFFFE0]  }
0x137: {  	v8 =	vld [tilespmem:s8+$0x0]  }
0x138: {  	s9 =	simm.s32 $0x9CB0;
	v9 =	vld [tilespmem:s8+$0x10];
	v0 =	vmul.f32 $1.442695020e+00, v0  }
0x139: {  	v12 =	vld [tilespmem:s9+$0x20]  }
0x13a: {  	v1 =	vmul.f32 $1.442695020e+00, v1;
	(erf) = vpow2.f32 v0;
	v0 =	vld [tilespmem:s9+$0xFFFFFFF0]  }
0x13b: {  	v13 =	vld [tilespmem:s9+$0xFFFFFFE0];
	v3 =	vmul.f32 $1.442695020e+00, v3  }
0x13c: {  	s5 =	simm.s32 $0x7550;
	v7 =	vld [tilespmem:s6+$0x10];
	(erf) = vpow2.f32 v1;
	v1 =	vmul.f32 $1.442695020e+00, v8  }
0x13d: {  	v10 =	vld [tilespmem:s5+$0x20];
	(erf) = vpow2.f32 v3  }
0x13e: {  	v11 =	vld [tilespmem:s5+$0xFFFFFFE0];
	v3 =	vmul.f32 $1.442695020e+00, v9;
	(erf) = vpow2.f32 v1  }
0x13f: {  	v2 =	vld.idx.msk [tilespmem:v2+s25+$0x0], $0xffff;
	v1 =	vmul.f32 $1.442695020e+00, v12;
	v0 =	vmul.f32 $1.442695020e+00, v0  }
0x140: {  	s6 =	simm.s32 $0xC3C0;
	v14 =	vld [tilespmem:s9+$0x10];
	v58 =	vmul.f32 $1.442695020e+00, v13;
	(erf) = vpow2.f32 v3  }
0x141: {  	v59 =	vld [tilespmem:s6+$0x0];
	(erf) = vpow2.f32 v1  }
0x142: {  	v15 =	vld [tilespmem:s6+$0x10];
	(erf) = vpow2.f32 v58  }
0x143: {  	v5 =	vld.idx.msk [tilespmem:v5+s25+$0x0], $0xffff;
	(erf) = vpow2.f32 v0;
	v0 =	vpop (erf)  }
0x144: {  	v8 =	vld [tilespmem:s6+$0x20];
	v0 =	vmul.f32 v0, v2  }
0x145: {  	v9 =	vld [tilespmem:s9+$0x0]  }
0x146: {  	v16 =	vpop (erf);
	v2 =	vld [tilespmem:s5+$0x0]  }
0x147: {  	v4 =	vld.idx.msk [tilespmem:v4+s25+$0x0], $0xffff;
	v17 =	vpop (erf)  }
0x148: {  	v6 =	vld.idx.msk [tilespmem:v6+s25+$0x0], $0xffff;
	v10 =	vadd.f32 v0, v10;
	v0 =	vpop (erf)  }
0x149: {  	v3 =	vld [tilespmem:s6+$0xFFFFFFF0];
	v5 =	vmul.f32 v0, v5  }
0x14a: {  	v60 =	vld [tilespmem:s6+$0xFFFFFFE0];
	v9 =	vmul.f32 $1.442695020e+00, v9  }
0x14b: {  	v1 =	vld [tilespmem:s5+$0xFFFFFFF0];
	v63 =	vadd.f32 v5, v2;
	v5 =	vmul.f32 $1.442695020e+00, v14  }
0x14c: {  	v7 =	vld.idx.msk [tilespmem:v7+s25+$0x0], $0xffff;
	(erf) = vpow2.f32 v9  }
0x14d: {  	v8 =	vld.idx.msk [tilespmem:v8+s25+$0x0], $0xffff;
	(erf) = vpow2.f32 v5  }
0x14e: {  	s7 =	simm.s32 $0x75A0;
	v61 =	vld [tilespmem:s5+$0x10];
	v6 =	vmul.f32 v16, v6;
	v4 =	vmul.f32 v17, v4  }
0x14f: {  	v62 =	vld [tilespmem:s7+$0x20]  }
0x150: {  	v6 =	vadd.f32 v6, v11;
	[tilespmem:s5+$0x20] =	vst v10;
	v10 =	vadd.f32 v4, v1;
	v1 =	vld.idx.msk [tilespmem:v59+s25+$0x0], $0xffff;
	v11 =	vpop (erf)  }
0x151: {  	v0 =	vld.idx.msk [tilespmem:v3+s25+$0x0], $0xffff;
	v7 =	vmul.f32 v11, v7;
	v3 =	vpop (erf)  }
0x152: {  	[tilespmem:s5+$0xFFFFFFE0] =	vst v6;
	v11 =	vmul.f32 v3, v8;
	v3 =	vld.idx.msk [tilespmem:v60+s25+$0x0], $0xffff  }
0x153: {  	[tilespmem:s5+$0xFFFFFFF0] =	vst v10;
	v4 =	vpop (erf);
	v2 =	vld.idx.msk [tilespmem:v15+s25+$0x0], $0xffff;
	v8 =	vadd.f32 v7, v61  }
0x154: {  	s8 =	simm.s32 $0x5;
	s9 =	simm.s32 $0x9D00;
	v6 =	vpop (erf);
	v5 =	vld [tilespmem:s7+$0xFFFFFFE0];
	v7 =	vadd.f32 v11, v62;
	[tilespmem:s5+$0x0] =	vst v63  }
.LBB2_8:
0x155: {  	v9 =	vld [tilespmem:s9+$0x20];
	s8 =	sadd.s32 $0x5, s8;
	v10 =	vpop (erf);
	[tilespmem:s5+$0x10] =	vst v8;
	s5 =	smov.u32 s7  }
0x156: {  	v6 =	vmul.f32 v6, v0;
	v8 =	vld [tilespmem:s9+$0xFFFFFFE0];
	p0 =	slt.u32 s8, $0x26C;
	[tilespmem:s7+$0x20] =	vst v7;
	v0 =	vpop (erf)  }
0x157: {  	s6 =	sadd.s32 $0x50, s6;
	v10 =	vmul.f32 v10, v1;
	v7 =	vld [tilespmem:s9+$0xFFFFFFF0]  }
0x158: {  	v3 =	vmul.f32 v4, v3;
	v1 =	vld [tilespmem:s6+$0x20]  }
0x159: {  	v11 =	vmul.f32 v0, v2;
	v4 =	vld [tilespmem:s9+$0x0]  }
0x15a: {  	v3 =	vadd.f32 v3, v5;
	v0 =	vld [tilespmem:s9+$0x10];
	v2 =	vmul.f32 $1.442695020e+00, v9  }
0x15b: {  	v5 =	vmul.f32 $1.442695020e+00, v8;
	v8 =	vld [tilespmem:s6+$0xFFFFFFF0]  }
0x15c: {  	v7 =	vmul.f32 $1.442695020e+00, v7;
	v9 =	vld [tilespmem:s6+$0x0];
	(erf) = vpow2.f32 v2;
	[tilespmem:s7+$0xFFFFFFE0] =	vst v3  }
0x15d: {  	v2 =	vld [tilespmem:s6+$0x10];
	(erf) = vpow2.f32 v5  }
0x15e: {  	v3 =	vld [tilespmem:s6+$0xFFFFFFE0];
	v4 =	vmul.f32 $1.442695020e+00, v4;
	(erf) = vpow2.f32 v7  }
0x15f: {  	v0 =	vmul.f32 $1.442695020e+00, v0;
	v5 =	vld [tilespmem:s7+$0xFFFFFFF0]  }
0x160: {  	v7 =	vld.idx.msk [tilespmem:v1+s25+$0x0], $0xffff;
	(erf) = vpow2.f32 v4  }
0x161: {  	(erf) = vpow2.f32 v0;
	v12 =	vld [tilespmem:s7+$0x0]  }
0x162: {  	s7 =	sadd.s32 $0x50, s7;
	v13 =	vld [tilespmem:s5+$0x10]  }
0x163: {  	v14 =	vld [tilespmem:s7+$0x20]  }
.Ltmp3:
0x164: {  	v0 =	vld.idx.msk [tilespmem:v8+s25+$0x0], $0xffff;
	v5 =	vadd.f32 v6, v5;
	(pc) =	sbr.rel @p0 .LBB2_8-.Ltmp3, $4  }
0x165: {  	v1 =	vld.idx.msk [tilespmem:v9+s25+$0x0], $0xffff;
	v4 =	vpop (erf)  }
0x166: {  	v3 =	vld.idx.msk [tilespmem:v3+s25+$0x0], $0xffff;
	v7 =	vmul.f32 v4, v7;
	v4 =	vpop (erf);
	[tilespmem:s5+$0xFFFFFFF0] =	vst v5;
	v9 =	vadd.f32 v10, v12  }
0x167: {  	v2 =	vld.idx.msk [tilespmem:v2+s25+$0x0], $0xffff;
	v6 =	vpop (erf);
	v8 =	vadd.f32 v11, v13  }
0x168: {  	s9 =	sadd.s32 $0x50, s9;
	v5 =	vld [tilespmem:s7+$0xFFFFFFE0];
	v7 =	vadd.f32 v7, v14;
	[tilespmem:s5+$0x0] =	vst v9  }
0x169: {  	v9 =	vld [tilespmem:s7+$0xFFFFFFF0]  }
0x16a: {  	v10 =	vld [tilespmem:s7+$0x0]  }
0x16b: {  	v3 =	vmul.f32 v4, v3;
	v4 =	vld [tilespmem:s7+$0x10]  }
0x16c: {  	v11 =	vpop (erf);
	v0 =	vmul.f32 v6, v0  }
0x16d: {  	[tilespmem:s5+$0x10] =	vst v8;
	v6 =	vpop (erf);
	v1 =	vmul.f32 v11, v1;
	v3 =	vadd.f32 v3, v5  }
0x16e: {  	[tilespmem:s7+$0x20] =	vst v7;
	v2 =	vmul.f32 v6, v2;
	v0 =	vadd.f32 v0, v9  }
0x16f: {  	v1 =	vadd.f32 v1, v10;
	[tilespmem:s7+$0xFFFFFFE0] =	vst v3  }
0x170: {  	[tilespmem:s7+$0xFFFFFFF0] =	vst v0;
	v0 =	vadd.f32 v2, v4  }
0x171: {  	[tilespmem:s7+$0x0] =	vst v1  }
0x172: {  	[tilespmem:s7+$0x10] =	vst v0  }
0x173: {  	[hbm4b:s22+s2] =	stream.linear.scatter [tilespmem:s31], [sflag:$0x3], $0x2710, $0x38;
	[tilespmem:$0x11260] =	vst v63  }
0x174: {  	_ =	swait.ge [sflag:s30], $0x2710  }
0x175: {  	[sflag:s30] =	ssyncset.done $0x0  }
0x176: {  	[sflag:s30] =	ssyncadd.s32 $0xFFFFD8F0  }
0x177: {  	_ =	swait.ge [sflag:s30], $0x2710  }
0x178: {  	[sflag:s30] =	ssyncset.done $0x0  }
0x179: {  	[sflag:s30] =	ssyncadd.s32 $0xFFFFD8F0  }
0x17a: {  	_ =	swait.ge [sflag:s30], $0x2710  }
0x17b: {  	[sflag:s30] =	ssyncset.done $0x0  }
0x17c: {  	s8 =	simm.s32 $0x2730;
	[sflag:s30] =	ssyncadd.s32 $0xFFFFD8F0  }
0x17d: {  	v0 =	vld [tilespmem:s8+$0x20]  }
0x17e: {  	s6 =	simm.s32 $0x4E40;
	v1 =	vld [tilespmem:s8+$0xFFFFFFE0]  }
0x17f: {  	v2 =	vld [tilespmem:s6+$0x20]  }
0x180: {  	v3 =	vld [tilespmem:s8+$0xFFFFFFF0]  }
0x181: {  	v4 =	vld [tilespmem:s6+$0xFFFFFFF0]  }
0x182: {  	v5 =	vld [tilespmem:s6+$0x0]  }
0x183: {  	v6 =	vld [tilespmem:s6+$0xFFFFFFE0]  }
0x184: {  	v8 =	vld [tilespmem:s8+$0x0]  }
0x185: {  	s9 =	simm.s32 $0x2780;
	v9 =	vld [tilespmem:s8+$0x10];
	v0 =	vmul.f32 $1.442695020e+00, v0  }
0x186: {  	v12 =	vld [tilespmem:s9+$0x20]  }
0x187: {  	v1 =	vmul.f32 $1.442695020e+00, v1;
	(erf) = vpow2.f32 v0;
	v0 =	vld [tilespmem:s9+$0xFFFFFFF0]  }
0x188: {  	v13 =	vld [tilespmem:s9+$0xFFFFFFE0];
	v3 =	vmul.f32 $1.442695020e+00, v3  }
0x189: {  	s5 =	simm.s32 $0x20;
	v7 =	vld [tilespmem:s6+$0x10];
	(erf) = vpow2.f32 v1;
	v1 =	vmul.f32 $1.442695020e+00, v8  }
0x18a: {  	v10 =	vld [tilespmem:s5+$0x20];
	(erf) = vpow2.f32 v3  }
0x18b: {  	v11 =	vld [tilespmem:s5+$0xFFFFFFE0];
	v3 =	vmul.f32 $1.442695020e+00, v9;
	(erf) = vpow2.f32 v1  }
0x18c: {  	v2 =	vld.idx.msk [tilespmem:v2+s25+$0x0], $0xffff;
	v1 =	vmul.f32 $1.442695020e+00, v12;
	v0 =	vmul.f32 $1.442695020e+00, v0  }
0x18d: {  	s6 =	simm.s32 $0x4E90;
	v14 =	vld [tilespmem:s9+$0x10];
	v58 =	vmul.f32 $1.442695020e+00, v13;
	(erf) = vpow2.f32 v3  }
0x18e: {  	v59 =	vld [tilespmem:s6+$0x0];
	(erf) = vpow2.f32 v1  }
0x18f: {  	v15 =	vld [tilespmem:s6+$0x10];
	(erf) = vpow2.f32 v58  }
0x190: {  	v5 =	vld.idx.msk [tilespmem:v5+s25+$0x0], $0xffff;
	(erf) = vpow2.f32 v0;
	v0 =	vpop (erf)  }
0x191: {  	v8 =	vld [tilespmem:s6+$0x20];
	v0 =	vmul.f32 v0, v2  }
0x192: {  	v9 =	vld [tilespmem:s9+$0x0]  }
0x193: {  	v16 =	vpop (erf);
	v2 =	vld [tilespmem:s5+$0x0]  }
0x194: {  	v4 =	vld.idx.msk [tilespmem:v4+s25+$0x0], $0xffff;
	v17 =	vpop (erf)  }
0x195: {  	v6 =	vld.idx.msk [tilespmem:v6+s25+$0x0], $0xffff;
	v10 =	vadd.f32 v0, v10;
	v0 =	vpop (erf)  }
0x196: {  	v3 =	vld [tilespmem:s6+$0xFFFFFFF0];
	v5 =	vmul.f32 v0, v5  }
0x197: {  	v60 =	vld [tilespmem:s6+$0xFFFFFFE0];
	v9 =	vmul.f32 $1.442695020e+00, v9  }
0x198: {  	v1 =	vld [tilespmem:s5+$0xFFFFFFF0];
	v63 =	vadd.f32 v5, v2;
	v5 =	vmul.f32 $1.442695020e+00, v14  }
0x199: {  	v7 =	vld.idx.msk [tilespmem:v7+s25+$0x0], $0xffff;
	(erf) = vpow2.f32 v9  }
0x19a: {  	v8 =	vld.idx.msk [tilespmem:v8+s25+$0x0], $0xffff;
	(erf) = vpow2.f32 v5  }
0x19b: {  	s7 =	simm.s32 $0x70;
	v61 =	vld [tilespmem:s5+$0x10];
	v6 =	vmul.f32 v16, v6;
	v4 =	vmul.f32 v17, v4  }
0x19c: {  	v62 =	vld [tilespmem:s7+$0x20]  }
0x19d: {  	v6 =	vadd.f32 v6, v11;
	[tilespmem:s5+$0x20] =	vst v10;
	v10 =	vadd.f32 v4, v1;
	v1 =	vld.idx.msk [tilespmem:v59+s25+$0x0], $0xffff;
	v11 =	vpop (erf)  }
0x19e: {  	v0 =	vld.idx.msk [tilespmem:v3+s25+$0x0], $0xffff;
	v7 =	vmul.f32 v11, v7;
	v3 =	vpop (erf)  }
0x19f: {  	[tilespmem:s5+$0xFFFFFFE0] =	vst v6;
	v11 =	vmul.f32 v3, v8;
	v3 =	vld.idx.msk [tilespmem:v60+s25+$0x0], $0xffff  }
0x1a0: {  	[tilespmem:s5+$0xFFFFFFF0] =	vst v10;
	v4 =	vpop (erf);
	v2 =	vld.idx.msk [tilespmem:v15+s25+$0x0], $0xffff;
	v8 =	vadd.f32 v7, v61  }
0x1a1: {  	s8 =	simm.s32 $0x5;
	s9 =	simm.s32 $0x27D0;
	v6 =	vpop (erf);
	v5 =	vld [tilespmem:s7+$0xFFFFFFE0];
	v7 =	vadd.f32 v11, v62;
	[tilespmem:s5+$0x0] =	vst v63  }
.LBB2_10:
0x1a2: {  	v9 =	vld [tilespmem:s9+$0x20];
	s8 =	sadd.s32 $0x5, s8;
	v10 =	vpop (erf);
	[tilespmem:s5+$0x10] =	vst v8;
	s5 =	smov.u32 s7  }
0x1a3: {  	v6 =	vmul.f32 v6, v0;
	v8 =	vld [tilespmem:s9+$0xFFFFFFE0];
	p0 =	slt.u32 s8, $0x26C;
	[tilespmem:s7+$0x20] =	vst v7;
	v0 =	vpop (erf)  }
0x1a4: {  	s6 =	sadd.s32 $0x50, s6;
	v10 =	vmul.f32 v10, v1;
	v7 =	vld [tilespmem:s9+$0xFFFFFFF0]  }
0x1a5: {  	v3 =	vmul.f32 v4, v3;
	v1 =	vld [tilespmem:s6+$0x20]  }
0x1a6: {  	v11 =	vmul.f32 v0, v2;
	v4 =	vld [tilespmem:s9+$0x0]  }
0x1a7: {  	v3 =	vadd.f32 v3, v5;
	v0 =	vld [tilespmem:s9+$0x10];
	v2 =	vmul.f32 $1.442695020e+00, v9  }
0x1a8: {  	v5 =	vmul.f32 $1.442695020e+00, v8;
	v8 =	vld [tilespmem:s6+$0xFFFFFFF0]  }
0x1a9: {  	v7 =	vmul.f32 $1.442695020e+00, v7;
	v9 =	vld [tilespmem:s6+$0x0];
	(erf) = vpow2.f32 v2;
	[tilespmem:s7+$0xFFFFFFE0] =	vst v3  }
0x1aa: {  	v2 =	vld [tilespmem:s6+$0x10];
	(erf) = vpow2.f32 v5  }
0x1ab: {  	v3 =	vld [tilespmem:s6+$0xFFFFFFE0];
	v4 =	vmul.f32 $1.442695020e+00, v4;
	(erf) = vpow2.f32 v7  }
0x1ac: {  	v0 =	vmul.f32 $1.442695020e+00, v0;
	v5 =	vld [tilespmem:s7+$0xFFFFFFF0]  }
0x1ad: {  	v7 =	vld.idx.msk [tilespmem:v1+s25+$0x0], $0xffff;
	(erf) = vpow2.f32 v4  }
0x1ae: {  	(erf) = vpow2.f32 v0;
	v12 =	vld [tilespmem:s7+$0x0]  }
0x1af: {  	s7 =	sadd.s32 $0x50, s7;
	v13 =	vld [tilespmem:s5+$0x10]  }
0x1b0: {  	v14 =	vld [tilespmem:s7+$0x20]  }
.Ltmp4:
0x1b1: {  	v0 =	vld.idx.msk [tilespmem:v8+s25+$0x0], $0xffff;
	v5 =	vadd.f32 v6, v5;
	(pc) =	sbr.rel @p0 .LBB2_10-.Ltmp4, $4  }
0x1b2: {  	v1 =	vld.idx.msk [tilespmem:v9+s25+$0x0], $0xffff;
	v4 =	vpop (erf)  }
0x1b3: {  	v3 =	vld.idx.msk [tilespmem:v3+s25+$0x0], $0xffff;
	v7 =	vmul.f32 v4, v7;
	v4 =	vpop (erf);
	[tilespmem:s5+$0xFFFFFFF0] =	vst v5;
	v9 =	vadd.f32 v10, v12  }
0x1b4: {  	v2 =	vld.idx.msk [tilespmem:v2+s25+$0x0], $0xffff;
	v6 =	vpop (erf);
	v8 =	vadd.f32 v11, v13  }
0x1b5: {  	s9 =	sadd.s32 $0x50, s9;
	v5 =	vld [tilespmem:s7+$0xFFFFFFE0];
	v7 =	vadd.f32 v7, v14;
	[tilespmem:s5+$0x0] =	vst v9  }
0x1b6: {  	v9 =	vld [tilespmem:s7+$0xFFFFFFF0]  }
0x1b7: {  	v10 =	vld [tilespmem:s7+$0x0]  }
0x1b8: {  	v60 =	vld [tilespmem:s7+$0x10];
	v3 =	vmul.f32 v4, v3  }
0x1b9: {  	v0 =	vmul.f32 v6, v0;
	v61 =	vpop (erf)  }
0x1ba: {  	[tilespmem:s5+$0x10] =	vst v8;
	v1 =	vmul.f32 v61, v1;
	v62 =	vpop (erf);
	v3 =	vadd.f32 v3, v5  }
0x1bb: {  	[tilespmem:s7+$0x20] =	vst v7;
	v2 =	vmul.f32 v62, v2;
	v0 =	vadd.f32 v0, v9  }
0x1bc: {  	v1 =	vadd.f32 v1, v10;
	[tilespmem:s7+$0xFFFFFFE0] =	vst v3  }
0x1bd: {  	v63 =	vadd.f32 v2, v60;
	[tilespmem:s7+$0xFFFFFFF0] =	vst v0  }
0x1be: {  	[tilespmem:s7+$0x0] =	vst v1  }
0x1bf: {  	s4 =	sadd.s32 $0x1, s4;
	[tilespmem:s7+$0x10] =	vst v63  }
0x1c0: {  	[hbm4b:s23+s2] =	stream.linear.scatter [tilespmem:s2], [sflag:$0x2], $0x2710, $0x38;
	[tilespmem:$0x11260] =	vst v63  }
0x1c1: {  	p0 =	sne.s32 s4, s24;
	_ =	swait.ge [sflag:s30], $0x2710  }
.Ltmp5:
0x1c2: {  	[sflag:s30] =	ssyncset.done $0x0;
	(pc) =	sbr.rel @p0 .LBB2_1-.Ltmp5, $4  }
0x1c3: {  	[sflag:s30] =	ssyncadd.s32 $0xFFFFD8F0  }
0x1c4: {  	_ =	swait.ge [sflag:s3], $0x2710  }
0x1c5: {  	[sflag:s3] =	ssyncset.done $0x0  }
0x1c6: {  	[sflag:s3] =	ssyncadd.s32 $0xFFFFD8F0  }
0x1c7: {  	_ =	sfence.sel $0x180000  }
0x1c8: {  	[bflag:$0x0] =	sbarrier.arrive $0xFFFF  }
0x1c9: {  	_ =	strace $0x9000004D  }
0x1ca: {  	s0 =	stileid.u32;
	[bflag:$0x2] =	sbarrier.arrive $0xFFFF  }
0x1cb: {  	p0 =	sne.s32 s0, $0x0;
	s0 =	rddreg [dreg:$0x5]  }
0x1cc: {  	s0 =	sadd.s32 @!p0 $0x100000, s0  }
0x1cd: {  	[sflag:s0] =	ssyncadd.tile.s32 @!p0 $0x1;
	_ =	shalt  }
.Lfunc_end2:
_tile_overlayer_lowered:
.L_overlay_start_2:
0x1ce: {  	(tag) =	ssettag $0x2  }
0x1cf: {  	s0 =	rddreg [dreg:$0x0];
	s2 =	stileid.u32  }
0x1d0: {  	s1 =	rddreg [dreg:$0x1];
	p0 =	sne.s32 s2, $0x0  }
0x1d1: {  	s3 =	rddreg [dreg:$0x2];
	[bflag:$0x3] =	sbarrier.arrive $0xFFFF;
	s2 =	simm.s32 @!p0 $0x1C04  }
0x1d2: {  	[timem:s3], [sflag:s2] =	dma.local @!p0 [hbm:s0], s1  }
0x1d3: {  	s0 =	simm.s32 @!p0 $0x4  }
0x1d4: {  	_ =	swait.ge @!p0 [sflag:s0], s1  }
0x1d5: {  	s1 =	ssub.s32 @!p0 $0x0, s1;
	[sflag:s0] =	ssyncset.done @!p0 $0x0  }
0x1d6: {  	[sflag:s0] =	ssyncadd.s32 @!p0 s1  }
0x1d7: {  	[bflag:$0x3] =	sbarrier.arrive $0xFFFF  }
0x1d8: {  	_ =	shalt  }

// kernel: kernel.5.cloned.1.call-start
scs
__scs_entry_jumppad:
0x0: {  	(pc) =	sbr.rel $0x88, $3  }
0x1: {  	(tag) =	ssettag $0x0;
	lr =	simm.s32 $0x1  }
0x2: {  	[smem:$0x3F9D] =	sst lr;
	_ =	strace $0xD0000000  }
0x3: {  	_ = 	snop  }
0x4: {  	_ = 	snop  }
0x5: {  	_ = 	snop  }
0x6: {  	_ = 	snop  }
0x7: {  	_ = 	snop  }
__scs_overlays_trampoline_lowered:
0x8: {  	[smem:$0x3FAC] =	sst s0  }
0x9: {  	[smem:$0x3FAD] =	sst s1  }
0xa: {  	[smem:$0x3FAE] =	sst s2  }
0xb: {  	[smem:$0x3FAF] =	sst s3  }
0xc: {  	[smem:$0x3FB0] =	sst s4  }
0xd: {  	[smem:$0x3FB1] =	sst s5  }
0xe: {  	[smem:$0x3FB2] =	sst s6  }
0xf: {  	[smem:$0x3FB3] =	sst s7  }
0x10: {  	[smem:$0x3FB4] =	sst s8  }
0x11: {  	[smem:$0x3FB5] =	sst s9;
	s0 =	simm.s32 @!p0 $0x0  }
0x12: {  	s1 =	sld [smem:$0x3F9B];
	s0 =	simm.s32 @p0 $0x1  }
0x13: {  	[smem:$0x3FB6] =	sst s0;
	s0 =	simm.s32 @!p1 $0x0  }
0x14: {  	s2 =	sld [smem:$0x3F9A];
	s0 =	simm.s32 @p1 $0x1  }
0x15: {  	[smem:$0x3FB7] =	sst s0;
	s0 =	simm.s32 @!p2 $0x0  }
0x16: {  	s3 =	sld [smem:$0x3FDB];
	s0 =	simm.s32 @p2 $0x1  }
0x17: {  	s4 =	simm.s32 $0x1BF5;
	[smem:$0x3FB9] =	sst s0  }
0x18: {  	s0 =	sld [smem:$0x3F9C];
	_ =	swait.ge [sflag:s4], $0x0  }
0x19: {  	s7 =	sld [smem:$0x3F9D]  }
0x1a: {  	s8 =	sadd.s32 $0xFFFFE003, lr  }
0x1b: {  	s9 =	sadd.s32 $0xFFFFFEF7, lr;
	s5 =	simm.s32 $0xFFFFFFFF;
	p2 =	slt.u32 s8, $0xFFFFF086  }
0x1c: {  	p1 =	slt.u32 s9, $0xF7A;
	s5 =	simm.s32 @!p2 $0x0  }
0x1d: {  	s5 =	simm.s32 @p1 $0x1;
	p0 =	seq.s32 s7, s2  }
0x1e: {  	s7 =	smul.u32 @!p0 $0xF7A, s2;
	p2 =	seq.s32 @!p0 s5, $0x0  }
0x1f: {  	s9 =	smul.u32 $0xF7A, s1;
	s8 =	simm.s32 @!p0 $0x1BF5;
	p2 =	por !p2, p0  }
0x20: {  	[sflag:s8] =	ssyncset.s32 @!p0 $0xFFFFF086;
	s6 =	sadd.s32 @!p0 s3, s7;
	s7 =	simm.s32 @!p0 $0x108  }
0x21: {  	s3 =	sadd.s32 s3, s9;
	s6 =	sadd.s32 @!p0 $0x88, s6;
	s7 =	simm.s32 @p2 $0x1082  }
0x22: {  	[simem:s7], [sflag:s8] =	dma.local @!p0 [hbm:s6], $0xF7A  }
0x23: {  	s9 =	sor.u32 $0xD0000000, s2;
	s6 =	simm.s32 $0x108;
	_ =	swait.ge @!p0 [sflag:s8], $0x0  }
0x24: {  	s3 =	sadd.s32 $0x88, s3;
	s6 =	simm.s32 @!p1 $0x1082;
	[sflag:s4] =	ssyncset.s32 $0xFFFFF086  }
0x25: {  	[simem:s6], [sflag:s4] =	dma.local [hbm:s3], $0xF7A  }
0x26: {  	[smem:$0x3F9D] =	sst s1;
	(tag) =	ssettag s2;
	_ =	strace s9  }
0x27: {  	s1 =	sld [smem:$0x3FAD]  }
0x28: {  	s2 =	sld [smem:$0x3FAE]  }
0x29: {  	s4 =	sld [smem:$0x3FB0]  }
0x2a: {  	p0 =	seq.s32 s5, $0x0;
	s5 =	sld [smem:$0x3FB1]  }
0x2b: {  	s6 =	sld [smem:$0x3FB2]  }
0x2c: {  	s7 =	sld [smem:$0x3FB3]  }
0x2d: {  	s3 =	simm.s32 $0x108;
	s8 =	sld [smem:$0x3FB4]  }
0x2e: {  	s3 =	simm.s32 @!p0 $0x1082;
	s9 =	sld [smem:$0x3FB5]  }
0x2f: {  	lr =	sadd.s32 s0, s3;
	s0 =	sld [smem:$0x3FAC]  }
0x30: {  	s3 =	sld [smem:$0x3FAF]  }
0x31: {  	[smem:$0x3FB8] =	sst s10  }
0x32: {  	s10 =	sld [smem:$0x3FB6];
	_ =	sdelay $0x3  }
0x33: {  	p0 =	seq.s32 s10, $0x1;
	s10 =	sld [smem:$0x3FB8];
	_ =	sdelay $0x3  }
0x34: {  	[smem:$0x3FB8] =	sst s10  }
0x35: {  	s10 =	sld [smem:$0x3FB7];
	_ =	sdelay $0x3  }
0x36: {  	p1 =	seq.s32 s10, $0x1;
	s10 =	sld [smem:$0x3FB8];
	_ =	sdelay $0x3  }
0x37: {  	[smem:$0x3FB8] =	sst s10  }
0x38: {  	s10 =	sld [smem:$0x3FB9]  }
0x39: {  	_ = 	snop;
	(pc) =	sbr.ind lr, $3  }
0x3a: {  	_ = 	snop  }
0x3b: {  	_ = 	snop  }
0x3c: {  	p2 =	seq.s32 s10, $0x1;
	s10 =	sld [smem:$0x3FB8]  }
0x3d: {  	_ =	shalt  }
0x3e: {  	_ =	shalt  }
0x3f: {  	_ =	shalt  }
0x40: {  	_ =	shalt  }
0x41: {  	_ =	shalt  }
0x42: {  	_ =	shalt  }
0x43: {  	_ =	shalt  }
0x44: {  	_ =	shalt  }
0x45: {  	_ =	shalt  }
0x46: {  	_ =	shalt  }
0x47: {  	_ =	shalt  }
0x48: {  	_ =	shalt  }
0x49: {  	_ =	shalt  }
0x4a: {  	_ =	shalt  }
0x4b: {  	_ =	shalt  }
0x4c: {  	_ =	shalt  }
0x4d: {  	_ =	shalt  }
0x4e: {  	_ =	shalt  }
0x4f: {  	_ =	shalt  }
0x50: {  	_ =	shalt  }
0x51: {  	_ =	shalt  }
0x52: {  	_ =	shalt  }
0x53: {  	_ =	shalt  }
0x54: {  	_ =	shalt  }
0x55: {  	_ =	shalt  }
0x56: {  	_ =	shalt  }
0x57: {  	_ =	shalt  }
0x58: {  	_ =	shalt  }
0x59: {  	_ =	shalt  }
0x5a: {  	_ =	shalt  }
0x5b: {  	_ =	shalt  }
0x5c: {  	_ =	shalt  }
0x5d: {  	_ =	shalt  }
0x5e: {  	_ =	shalt  }
0x5f: {  	_ =	shalt  }
0x60: {  	_ =	shalt  }
0x61: {  	_ =	shalt  }
0x62: {  	_ =	shalt  }
0x63: {  	_ =	shalt  }
0x64: {  	_ =	shalt  }
0x65: {  	_ =	shalt  }
0x66: {  	_ =	shalt  }
0x67: {  	_ =	shalt  }
0x68: {  	_ =	shalt  }
0x69: {  	_ =	shalt  }
0x6a: {  	_ =	shalt  }
0x6b: {  	_ =	shalt  }
0x6c: {  	_ =	shalt  }
0x6d: {  	_ =	shalt  }
0x6e: {  	_ =	shalt  }
0x6f: {  	_ =	shalt  }
0x70: {  	_ =	shalt  }
0x71: {  	_ =	shalt  }
0x72: {  	_ =	shalt  }
0x73: {  	_ =	shalt  }
0x74: {  	_ =	shalt  }
0x75: {  	_ =	shalt  }
0x76: {  	_ =	shalt  }
0x77: {  	_ =	shalt  }
0x78: {  	_ =	shalt  }
0x79: {  	_ =	shalt  }
0x7a: {  	_ =	shalt  }
0x7b: {  	_ =	shalt  }
0x7c: {  	_ =	shalt  }
0x7d: {  	_ =	shalt  }
0x7e: {  	_ =	shalt  }
0x7f: {  	_ =	shalt  }
0x80: {  	_ =	shalt  }
0x81: {  	_ =	shalt  }
0x82: {  	_ =	shalt  }
0x83: {  	_ =	shalt  }
0x84: {  	_ =	shalt  }
0x85: {  	_ =	shalt  }
0x86: {  	_ =	shalt  }
0x87: {  	_ =	shalt  }
.Lfunc_end0:
.L_simem_size_0:
called_computation_lowered:
.L_overlay_start_0:
0x88: {  	s2 =	sld [smem:$0x3FD9]  }
0x89: {  	s3 =	sld [smem:$0x3FFE];
	_ =	sdelay $0x1  }
0x8a: {  	s1 =	srdreg.scid  }
0x8b: {  	s0 =	sand.u32 $0x1, s1  }
0x8c: {  	s18 =	sshll.u32 s0, $0xA;
	s2 =	sadd.s32 s3, s2  }
0x8d: {  	s2 =	sadd.s32 s2, s18  }
0x8e: {  	[smem:$0x3FC4] =	sst s2  }
0x8f: {  	_ = 	snop  }
0x90: {  	s2 =	sld [smem:$0x3FC9]  }
0x91: {  	s19 =	sld [smem:$0x3FC8]  }
0x92: {  	s4 =	sld [smem:$0x3FC7]  }
0x93: {  	s5 =	sld [smem:$0x3FD0];
	(tm) =	ssettm $0x1  }
0x94: {  	s6 =	sld [smem:$0x3FFB];
	_ =	sdelay $0x3  }
0x95: {  	_ =	strace s6  }
0x96: {  	s6 =	sld [smem:$0x3FFC];
	_ =	sdelay $0x3  }
0x97: {  	_ =	strace s6  }
0x98: {  	s6 =	sld [smem:$0x3FFD];
	_ =	sdelay $0x3  }
0x99: {  	_ =	strace s6  }
0x9a: {  	_ =	strace $0x8FFFFFFF  }
0x9b: {  	s20 =	sld [smem:$0x3FDB];
	_ =	sdelay $0x1  }
0x9c: {  	s7 =	simm.s32 $_scs_section_size  }
0x9d: {  	s8 =	simm.s32 $_size__tile_overlayer_lowered;
	s9 =	simm.s32 $_tile_overlayer_lowered  }
0x9e: {  	s23 =	simm.s32 $0x1BFF;
	s22 =	sshll.u32 s9, $0x1;
	s6 =	sadd.s32 s7, s20  }
0x9f: {  	s10 =	simm.s32 $0x0;
	s21 =	sshll.u32 s8, $0x1;
	s8 =	sadd.s32 s22, s6  }
0xa0: {  	[timem:s10], [sflag:s23] =	dma.local [hbm:s8], s21  }
0xa1: {  	_ =	swait.ge [sflag:s23], s21  }
0xa2: {  	s7 =	ssub.s32 $0x0, s21;
	[sflag:s23] =	ssyncset.done $0x0  }
0xa3: {  	[sflag:s23] =	ssyncadd.s32 s7;
	_ =	sdelay $0x1  }
0xa4: {  	s24 =	simm.s32 $0x1B8B  }
0xa5: {  	_ =	swait.ge [sflag:s24], $0x1  }
0xa6: {  	[sflag:s24] =	ssyncset.done $0x0  }
0xa7: {  	s25 =	simm.s32 $0x1B8E;
	[sflag:s24] =	ssyncadd.s32 $0xFFFFFFFF  }
0xa8: {  	s26 =	simm.s32 $execute0_lowered;
	[smem:$0x3FD2] =	sst s25  }
0xa9: {  	s7 =	sshll.u32 s26, $0x1;
	_ =	strace $0x80000046;
	[dreg:$0x1] =	wrdreg $0xFFFFFFFF  }
0xaa: {  	s28 =	simm.s32 $_size_execute0_lowered;
	s6 =	sadd.s32 s6, s7;
	[dreg:$0x0] =	wrdreg $0x0  }
0xab: {  	s7 =	sshll.u32 s28, $0x1;
	[dreg:$0x2] =	wrdreg s6  }
0xac: {  	[dreg:$0x3] =	wrdreg s7  }
0xad: {  	[dreg:$0x4] =	wrdreg $0xC0  }
0xae: {  	_ =	task [dreg:s10], $0x5FFFF  }
0xaf: {  	[dreg:$0x1] =	wrdreg $0xFFFFFFFF  }
0xb0: {  	[dreg:$0x0] =	wrdreg $0x60  }
0xb1: {  	[dreg:$0x2] =	wrdreg s2  }
0xb2: {  	[dreg:$0x3] =	wrdreg s19  }
0xb3: {  	[dreg:$0x4] =	wrdreg s4  }
0xb4: {  	[dreg:$0x5] =	wrdreg s5  }
0xb5: {  	[dreg:$0x6] =	wrdreg $0x9  }
0xb6: {  	_ =	task.clear_ibuf [dreg:s10], $0x7FFFF;
	_ =	strace $0x90000046  }
0xb7: {  	s29 =	simm.s32 $0x9;
	_ =	strace $0x80000048  }
0xb8: {  	_ =	swait.ge [sflag:s29], $0x1  }
0xb9: {  	[sflag:s29] =	ssyncadd.s32 $0xFFFFFFFF  }
0xba: {  	_ =	strace $0x90000048  }
0xbb: {  	_ =	sfence  }
0xbc: {  	s30 =	sld [smem:$0x0];
	_ =	sdelay $0x2  }
0xbd: {  	s31 =	sshll.u32 s1, $0xD;
	s1 =	sshrl.u32 s1, $0x2  }
0xbe: {  	s3 =	sand.u32 $0x4000, s31;
	s1 =	sadd.s32 s1, s30  }
0xbf: {  	s0 =	sor.u32 s3, s0;
	s1 =	sshll.u32 s1, $0x11  }
0xc0: {  	s0 =	sor.u32 s1, s0  }
0xc1: {  	s0 =	sadd.s32 $0x8F2B, s0  }
0xc2: {  	[sflag:s0] =	ssyncadd.remote.s32 $0x1  }
0xc3: {  	_ =	sfence.sel $0xFFFF  }
0xc4: {  	[dreg:$0x0] =	wrdreg $0xFFFFFFFF;
	(pc) =	sbr.abs _section_cstart, $3  }
0xc5: {  	[dreg:$0x1] =	wrdreg $0xFFFFFFFF  }
0xc6: {  	_ =	task.clear_ibuf [dreg:s10], $0x2FFFF;
	_ =	strace $0x9FFFFFFF  }
0xc7: {  	(tm) =	ssettm $0x7FFFFFFF  }
tec
execute0_lowered:
.L_overlay_start_1:
0x0: {  	(tag) =	ssettag $0x1  }
0x1: {  	s0 =	rddreg [dreg:$0x0]  }
0x2: {  	s1 =	rddreg [dreg:$0x1]  }
0x3: {  	s3 =	rddreg [dreg:$0x2];
	s2 =	srdreg.scid  }
0x4: {  	s5 =	stileid.u32;
	s19 =	rddreg [dreg:$0x3];
	s28 =	simm.s32 $0xEA60  }
0x5: {  	s29 =	simm.s32 $0x11260;
	s4 =	sand.u32 $0x1, s2;
	s22 =	sshll.u32 s5, $0x1  }
0x6: {  	s30 =	simm.s32 $0x2;
	s31 =	simm.s32 $0x0;
	s15 =	sor.u32 s4, s22  }
0x7: {  	s2 =	simm.s32 $0x0;
	s4 =	ssub.s32 $0x2, s4;
	s23 =	smul.u32 $0xC350, s15  }
0x8: {  	[smem:$0x7FF] =	sst s2;
	s22 =	simm.s32 $0x4E20;
	s17 =	smul.u32 $0x5000, s15  }
0x9: {  	s6 =	sshrl.u32 s4, $0x1;
	_ =	strace $0x80000047;
	s21 =	smul.u32 $0xA00, s15  }
0xa: {  	s20 =	ssub.s32 s4, s6;
	s16 =	sshrl.u32 s23, $0x3;
	s26 =	sshrl.u32 s17, $0x3  }
0xb: {  	s20 =	smax.u32 s20, $0x1;
	s23 =	simm.s32 $0x1;
	s24 =	sadd.s32 s0, s16  }
0xc: {  	s25 =	sadd.s32 s1, s16;
	s8 =	sadd.s32 $0x4E2, s16;
	s5 =	sadd.s32 s3, s16  }
0xd: {  	s11 =	sadd.s32 $0x9C4, s16;
	s14 =	sadd.s32 $0xEA6, s16;
	[dreg:$0x5] =	wrdreg s24  }
0xe: {  	s18 =	sadd.s32 $0x1388, s16;
	[dreg:$0x6] =	wrdreg s25;
	s6 =	sadd.s32 s0, s8  }
0xf: {  	s7 =	sadd.s32 s1, s8;
	s8 =	sadd.s32 s3, s8;
	s9 =	sadd.s32 s0, s11  }
0x10: {  	s10 =	sadd.s32 s1, s11;
	s11 =	sadd.s32 s3, s11;
	s12 =	sadd.s32 s0, s14  }
0x11: {  	s13 =	sadd.s32 s1, s14;
	s14 =	sadd.s32 s3, s14;
	s15 =	sadd.s32 s0, s18  }
0x12: {  	v1 =	vlaneseq.u32;
	s16 =	sadd.s32 s1, s18;
	s17 =	sadd.s32 s3, s18;
	s18 =	sadd.s32 s19, s21  }
0x13: {  	v1 =	vmul.u32 $0x271, v1;
	s0 =	sadd.s32 s19, s26;
	s21 =	simm.s32 $0x2710;
	s24 =	simm.s32 $0x7530  }
0x14: {  	v0 =	vimm.f32 $0.0e+00;
	s25 =	simm.s32 $0x9C40;
	s26 =	simm.s32 $0xC350;
	s19 =	sadd.s32 $0x500, s0  }
.LBB2_1:
0x15: {  	s0 =	rddreg [dreg:$0x5]  }
0x16: {  	[tilespmem:s2], [sflag:$0x1] =	stream.linear.gather [hbm4b:s0+s2], $0x2710, $0x38;
	[tilespmem:$0x13A60] =	vst v63  }
0x17: {  	s4 =	rddreg [dreg:$0x6]  }
0x18: {  	[tilespmem:s21], [sflag:$0x1] =	stream.linear.gather [hbm4b:s4+s2], $0x2710, $0x38;
	[tilespmem:$0x13A60] =	vst v63  }
0x19: {  	s1 =	simm.s32 $0xEAA0  }
0x1a: {  	[tilespmem:s22], [sflag:$0x1] =	stream.linear.gather [hbm4b:s5+s2], $0x2710, $0x38;
	[tilespmem:$0x13A60] =	vst v63  }
0x1b: {  	[tilespmem:s1+$0x30] =	vst v0  }
0x1c: {  	[tilespmem:s1+$0xFFFFFFF0] =	vst v0  }
0x1d: {  	[tilespmem:s1+$0xFFFFFFC0] =	vst v0  }
0x1e: {  	[tilespmem:s1+$0xFFFFFFE0] =	vst v0  }
0x1f: {  	[tilespmem:s1+$0x10] =	vst v0  }
0x20: {  	[tilespmem:s1+$0x20] =	vst v0  }
0x21: {  	[tilespmem:s1+$0x0] =	vst v0  }
0x22: {  	s0 =	simm.s32 $0x112A0;
	[tilespmem:s1+$0xFFFFFFD0] =	vst v0  }
0x23: {  	[tilespmem:s0+$0xFFFFFFC0] =	vst v0  }
0x24: {  	[tilespmem:s0+$0x30] =	vst v0  }
0x25: {  	[tilespmem:s0+$0x20] =	vst v0  }
0x26: {  	[tilespmem:s0+$0x10] =	vst v0  }
0x27: {  	[tilespmem:s0+$0xFFFFFFE0] =	vst v0  }
0x28: {  	[tilespmem:s0+$0x0] =	vst v0  }
0x29: {  	s3 =	simm.s32 $0x0;
	[tilespmem:s0+$0xFFFFFFF0] =	vst v0  }
.LBB2_2:
0x2a: {  	s3 =	sadd.s32 $0x8, s3;
	[tilespmem:s0+$0xFFFFFFD0] =	vst v0;
	s1 =	sadd.s32 $0x80, s1;
	s0 =	sadd.s32 $0x80, s0  }
0x2b: {  	[tilespmem:s1+$0x30] =	vst v0;
	p0 =	slt.u32 s3, $0x278  }
0x2c: {  	[tilespmem:s1+$0xFFFFFFF0] =	vst v0  }
0x2d: {  	[tilespmem:s1+$0xFFFFFFC0] =	vst v0  }
0x2e: {  	[tilespmem:s0+$0xFFFFFFC0] =	vst v0  }
0x2f: {  	[tilespmem:s0+$0x30] =	vst v0  }
0x30: {  	[tilespmem:s1+$0xFFFFFFE0] =	vst v0  }
0x31: {  	[tilespmem:s1+$0x10] =	vst v0  }
0x32: {  	[tilespmem:s1+$0x20] =	vst v0  }
0x33: {  	[tilespmem:s0+$0x20] =	vst v0  }
0x34: {  	[tilespmem:s0+$0x10] =	vst v0  }
.Ltmp0:
0x35: {  	[tilespmem:s0+$0xFFFFFFE0] =	vst v0;
	(pc) =	sbr.rel @p0 .LBB2_2-.Ltmp0, $4  }
0x36: {  	[tilespmem:s1+$0x0] =	vst v0  }
0x37: {  	[tilespmem:s0+$0x0] =	vst v0  }
0x38: {  	[tilespmem:s0+$0xFFFFFFF0] =	vst v0  }
0x39: {  	[tilespmem:s1+$0xFFFFFFD0] =	vst v0  }
0x3a: {  	[tilespmem:s0+$0xFFFFFFD0] =	vst v0  }
0x3b: {  	_ =	swait.ge [sflag:s23], $0x2710  }
0x3c: {  	[sflag:s23] =	ssyncset.done $0x0  }
0x3d: {  	[sflag:s23] =	ssyncadd.s32 $0xFFFFD8F0  }
0x3e: {  	_ =	swait.ge [sflag:s23], $0x2710  }
0x3f: {  	[sflag:s23] =	ssyncset.done $0x0  }
0x40: {  	[sflag:s23] =	ssyncadd.s32 $0xFFFFD8F0  }
0x41: {  	_ =	swait.ge [sflag:s23], $0x2710  }
0x42: {  	[sflag:s23] =	ssyncset.done $0x0  }
0x43: {  	s4 =	simm.s32 $0x0;
	s1 =	simm.s32 $0x2;
	[sflag:s23] =	ssyncadd.s32 $0xFFFFD8F0  }
0x44: {  	v12 =	vadd.s32 s4, v1;
	[tilespmem:s24], [sflag:$0x2] =	stream.linear.gather [hbm4b:s6+s4], $0x2710, $0x38;
	[tilespmem:$0x13A60] =	vst v63  }
0x45: {  	s3 =	simm.s32 $0x3;
	v17 =	vadd.s32 s1, v1  }
0x46: {  	v13 =	vadd.s32 s3, v1;
	[tilespmem:s25], [sflag:$0x2] =	stream.linear.gather [hbm4b:s7+s4], $0x2710, $0x38;
	[tilespmem:$0x13A60] =	vst v63  }
0x47: {  	s3 =	simm.s32 $0x1  }
0x48: {  	v14 =	vadd.s32 s3, v1;
	[tilespmem:s26], [sflag:$0x2] =	stream.linear.gather [hbm4b:s8+s4], $0x2710, $0x38;
	[tilespmem:$0x13A60] =	vst v63  }
0x49: {  	v2 =	vld.idx.msk [tilespmem:v12+s22+$0x0], $0xffff  }
0x4a: {  	s4 =	simm.s32 $0x4;
	v8 =	vld.idx.msk [tilespmem:v17+s2+$0x0], $0xffff  }
0x4b: {  	v15 =	vadd.s32 s4, v1;
	v7 =	vld.idx.msk [tilespmem:v13+s2+$0x0], $0xffff  }
0x4c: {  	v6 =	vld.idx.msk [tilespmem:v13+s22+$0x0], $0xffff  }
0x4d: {  	v9 =	vld.idx.msk [tilespmem:v14+s2+$0x0], $0xffff  }
0x4e: {  	v3 =	vld.idx.msk [tilespmem:v17+s22+$0x0], $0xffff  }
0x4f: {  	v4 =	vld.idx.msk [tilespmem:v14+s22+$0x0], $0xffff  }
0x50: {  	v5 =	vld.idx.msk [tilespmem:v15+s22+$0x0], $0xffff  }
0x51: {  	v10 =	vld.idx.msk [tilespmem:v12+s2+$0x0], $0xffff  }
0x52: {  	v11 =	vld.idx.msk [tilespmem:v15+s2+$0x0], $0xffff  }
0x53: {  	v16 =	vld.idx.msk [tilespmem:v15+s21+$0x0], $0xffff  }
0x54: {  	v15 =	vld.idx.msk [tilespmem:v14+s21+$0x0], $0xffff  }
0x55: {  	v14 =	vld.idx.msk [tilespmem:v13+s21+$0x0], $0xffff  }
0x56: {  	v13 =	vld.idx.msk [tilespmem:v12+s21+$0x0], $0xffff  }
0x57: {  	s1 =	simm.s32 $0x5;
	v12 =	vld.idx.msk [tilespmem:v17+s21+$0x0], $0xffff  }
.LBB2_4:
0x58: {  	v17 =	vadd.s32 s1, v1;
	s0 =	sadd.s32 $0x1, s1;
	s3 =	sadd.s32 $0x2, s1;
	s4 =	sadd.s32 $0x3, s1;
	v16 =	vmul.f32 $1.442695020e+00, v16;
	[tilespmem:v5+s28+$0x0] =	vst.idx.add.f32.msk $0xffff, v11  }
0x59: {  	p0 =	slt.u32 s1, $0x26C;
	v18 =	vadd.s32 s0, v1;
	v19 =	vadd.s32 s3, v1;
	v20 =	vadd.s32 s4, v1;
	s0 =	sadd.s32 $0x4, s1;
	s1 =	sadd.s32 $0x5, s1;
	[tilespmem:v4+s28+$0x0] =	vst.idx.add.f32.msk $0xffff, v9  }
0x5a: {  	v9 =	vmul.f32 $1.442695020e+00, v15;
	v21 =	vadd.s32 s0, v1;
	[tilespmem:v3+s28+$0x0] =	vst.idx.add.f32.msk $0xffff, v8  }
0x5b: {  	v8 =	vmul.f32 $1.442695020e+00, v14;
	[tilespmem:v6+s28+$0x0] =	vst.idx.add.f32.msk $0xffff, v7;
	(erf) = vpow2.f32 v16  }
0x5c: {  	v7 =	vmul.f32 $1.442695020e+00, v13;
	[tilespmem:v2+s28+$0x0] =	vst.idx.add.f32.msk $0xffff, v10;
	(erf) = vpow2.f32 v9  }
0x5d: {  	v9 =	vmul.f32 $1.442695020e+00, v12;
	v13 =	vld.idx.msk [tilespmem:v17+s22+$0x0], $0xffff;
	(erf) = vpow2.f32 v8  }
0x5e: {  	v8 =	vld.idx.msk [tilespmem:v19+s2+$0x0], $0xffff;
	(erf) = vpow2.f32 v7  }
0x5f: {  	v7 =	vld.idx.msk [tilespmem:v20+s2+$0x0], $0xffff;
	(erf) = vpow2.f32 v9  }
0x60: {  	v12 =	vld.idx.msk [tilespmem:v20+s22+$0x0], $0xffff  }
0x61: {  	v9 =	vld.idx.msk [tilespmem:v18+s2+$0x0], $0xffff  }
0x62: {  	v11 =	vld.idx.msk [tilespmem:v21+s2+$0x0], $0xffff  }
0x63: {  	v14 =	vld.idx.msk [tilespmem:v19+s22+$0x0], $0xffff  }
0x64: {  	v15 =	vld.idx.msk [tilespmem:v21+s22+$0x0], $0xffff;
	v16 =	vpop (erf)  }
0x65: {  	v22 =	vld.idx.msk [tilespmem:v18+s22+$0x0], $0xffff;
	v23 =	vpop (erf)  }
0x66: {  	v10 =	vld.idx.msk [tilespmem:v17+s2+$0x0], $0xffff;
	v24 =	vpop (erf)  }
0x67: {  	[tilespmem:v6+s29+$0x0] =	vst.idx.add.f32.msk $0xffff, v24;
	v24 =	vpop (erf);
	v6 =	vmov v12  }
0x68: {  	[tilespmem:v2+s29+$0x0] =	vst.idx.add.f32.msk $0xffff, v24;
	v12 =	vpop (erf);
	v2 =	vmov v13  }
0x69: {  	[tilespmem:v5+s29+$0x0] =	vst.idx.add.f32.msk $0xffff, v16;
	v5 =	vmov v15  }
0x6a: {  	[tilespmem:v4+s29+$0x0] =	vst.idx.add.f32.msk $0xffff, v23;
	v4 =	vmov v22  }
0x6b: {  	v16 =	vld.idx.msk [tilespmem:v21+s21+$0x0], $0xffff  }
.Ltmp1:
0x6c: {  	[tilespmem:v3+s29+$0x0] =	vst.idx.add.f32.msk $0xffff, v12;
	v3 =	vmov v14;
	(pc) =	sbr.rel @p0 .LBB2_4-.Ltmp1, $4  }
0x6d: {  	v15 =	vld.idx.msk [tilespmem:v18+s21+$0x0], $0xffff  }
0x6e: {  	v14 =	vld.idx.msk [tilespmem:v20+s21+$0x0], $0xffff  }
0x6f: {  	v13 =	vld.idx.msk [tilespmem:v17+s21+$0x0], $0xffff  }
0x70: {  	v12 =	vld.idx.msk [tilespmem:v19+s21+$0x0], $0xffff  }
0x71: {  	v16 =	vmul.f32 $1.442695020e+00, v16  }
0x72: {  	v15 =	vmul.f32 $1.442695020e+00, v15  }
0x73: {  	v14 =	vmul.f32 $1.442695020e+00, v14;
	(erf) = vpow2.f32 v16  }
0x74: {  	v13 =	vmul.f32 $1.442695020e+00, v13;
	(erf) = vpow2.f32 v15  }
0x75: {  	(erf) = vpow2.f32 v14;
	v12 =	vmul.f32 $1.442695020e+00, v12  }
0x76: {  	(erf) = vpow2.f32 v13  }
0x77: {  	(erf) = vpow2.f32 v12  }
0x78: {  	[tilespmem:v5+s28+$0x0] =	vst.idx.add.f32.msk $0xffff, v11  }
0x79: {  	[tilespmem:v4+s28+$0x0] =	vst.idx.add.f32.msk $0xffff, v9  }
0x7a: {  	[tilespmem:v3+s28+$0x0] =	vst.idx.add.f32.msk $0xffff, v8  }
0x7b: {  	[tilespmem:v6+s28+$0x0] =	vst.idx.add.f32.msk $0xffff, v7  }
0x7c: {  	[tilespmem:v2+s28+$0x0] =	vst.idx.add.f32.msk $0xffff, v10;
	v8 =	vpop (erf)  }
0x7d: {  	v7 =	vpop (erf);
	[tilespmem:v5+s29+$0x0] =	vst.idx.add.f32.msk $0xffff, v8  }
0x7e: {  	v9 =	vpop (erf);
	[tilespmem:v4+s29+$0x0] =	vst.idx.add.f32.msk $0xffff, v7  }
0x7f: {  	[tilespmem:v6+s29+$0x0] =	vst.idx.add.f32.msk $0xffff, v9;
	v6 =	vpop (erf)  }
0x80: {  	[tilespmem:v2+s29+$0x0] =	vst.idx.add.f32.msk $0xffff, v6;
	v2 =	vpop (erf)  }
0x81: {  	[tilespmem:v3+s29+$0x0] =	vst.idx.add.f32.msk $0xffff, v2  }
0x82: {  	_ =	swait.ge [sflag:s30], $0x2710  }
0x83: {  	[sflag:s30] =	ssyncset.done $0x0  }
0x84: {  	[sflag:s30] =	ssyncadd.s32 $0xFFFFD8F0  }
0x85: {  	_ =	swait.ge [sflag:s30], $0x2710  }
0x86: {  	[sflag:s30] =	ssyncset.done $0x0  }
0x87: {  	[sflag:s30] =	ssyncadd.s32 $0xFFFFD8F0  }
0x88: {  	_ =	swait.ge [sflag:s30], $0x2710  }
0x89: {  	[sflag:s30] =	ssyncset.done $0x0  }
0x8a: {  	s0 =	simm.s32 $0x0;
	s1 =	simm.s32 $0x2;
	[sflag:s30] =	ssyncadd.s32 $0xFFFFD8F0  }
0x8b: {  	v12 =	vadd.s32 s0, v1;
	[tilespmem:s0], [sflag:$0x1] =	stream.linear.gather [hbm4b:s9+s0], $0x2710, $0x38;
	[tilespmem:$0x13A60] =	vst v63  }
0x8c: {  	s3 =	simm.s32 $0x3;
	v17 =	vadd.s32 s1, v1  }
0x8d: {  	v13 =	vadd.s32 s3, v1;
	[tilespmem:s21], [sflag:$0x1] =	stream.linear.gather [hbm4b:s10+s0], $0x2710, $0x38;
	[tilespmem:$0x13A60] =	vst v63  }
0x8e: {  	s4 =	simm.s32 $0x4;
	s3 =	simm.s32 $0x1  }
0x8f: {  	v14 =	vadd.s32 s3, v1;
	[tilespmem:s22], [sflag:$0x1] =	stream.linear.gather [hbm4b:s11+s0], $0x2710, $0x38;
	[tilespmem:$0x13A60] =	vst v63  }
0x90: {  	v15 =	vadd.s32 s4, v1;
	v2 =	vld.idx.msk [tilespmem:v12+s26+$0x0], $0xffff  }
0x91: {  	v8 =	vld.idx.msk [tilespmem:v17+s24+$0x0], $0xffff  }
0x92: {  	v7 =	vld.idx.msk [tilespmem:v13+s24+$0x0], $0xffff  }
0x93: {  	v6 =	vld.idx.msk [tilespmem:v13+s26+$0x0], $0xffff  }
0x94: {  	v9 =	vld.idx.msk [tilespmem:v14+s24+$0x0], $0xffff  }
0x95: {  	v11 =	vld.idx.msk [tilespmem:v15+s24+$0x0], $0xffff  }
0x96: {  	v3 =	vld.idx.msk [tilespmem:v17+s26+$0x0], $0xffff  }
0x97: {  	v5 =	vld.idx.msk [tilespmem:v15+s26+$0x0], $0xffff  }
0x98: {  	v4 =	vld.idx.msk [tilespmem:v14+s26+$0x0], $0xffff  }
0x99: {  	v10 =	vld.idx.msk [tilespmem:v12+s24+$0x0], $0xffff  }
0x9a: {  	v16 =	vld.idx.msk [tilespmem:v15+s25+$0x0], $0xffff  }
0x9b: {  	v15 =	vld.idx.msk [tilespmem:v14+s25+$0x0], $0xffff  }
0x9c: {  	v14 =	vld.idx.msk [tilespmem:v13+s25+$0x0], $0xffff  }
0x9d: {  	v13 =	vld.idx.msk [tilespmem:v12+s25+$0x0], $0xffff  }
0x9e: {  	s1 =	simm.s32 $0x5;
	v12 =	vld.idx.msk [tilespmem:v17+s25+$0x0], $0xffff  }
.LBB2_6:
0x9f: {  	v17 =	vadd.s32 s1, v1;
	s0 =	sadd.s32 $0x1, s1;
	s3 =	sadd.s32 $0x2, s1;
	s4 =	sadd.s32 $0x3, s1;
	v16 =	vmul.f32 $1.442695020e+00, v16;
	[tilespmem:v5+s28+$0x0] =	vst.idx.add.f32.msk $0xffff, v11  }
0xa0: {  	p0 =	slt.u32 s1, $0x26C;
	v18 =	vadd.s32 s0, v1;
	v19 =	vadd.s32 s3, v1;
	v20 =	vadd.s32 s4, v1;
	s0 =	sadd.s32 $0x4, s1;
	s1 =	sadd.s32 $0x5, s1;
	[tilespmem:v4+s28+$0x0] =	vst.idx.add.f32.msk $0xffff, v9  }
0xa1: {  	v9 =	vmul.f32 $1.442695020e+00, v15;
	v21 =	vadd.s32 s0, v1;
	[tilespmem:v3+s28+$0x0] =	vst.idx.add.f32.msk $0xffff, v8  }
0xa2: {  	v8 =	vmul.f32 $1.442695020e+00, v14;
	[tilespmem:v6+s28+$0x0] =	vst.idx.add.f32.msk $0xffff, v7;
	(erf) = vpow2.f32 v16  }
0xa3: {  	v7 =	vmul.f32 $1.442695020e+00, v13;
	[tilespmem:v2+s28+$0x0] =	vst.idx.add.f32.msk $0xffff, v10;
	(erf) = vpow2.f32 v9  }
0xa4: {  	v9 =	vmul.f32 $1.442695020e+00, v12;
	v13 =	vld.idx.msk [tilespmem:v17+s26+$0x0], $0xffff;
	(erf) = vpow2.f32 v8  }
0xa5: {  	v8 =	vld.idx.msk [tilespmem:v19+s24+$0x0], $0xffff;
	(erf) = vpow2.f32 v7  }
0xa6: {  	v7 =	vld.idx.msk [tilespmem:v20+s24+$0x0], $0xffff;
	(erf) = vpow2.f32 v9  }
0xa7: {  	v12 =	vld.idx.msk [tilespmem:v20+s26+$0x0], $0xffff  }
0xa8: {  	v9 =	vld.idx.msk [tilespmem:v18+s24+$0x0], $0xffff  }
0xa9: {  	v11 =	vld.idx.msk [tilespmem:v21+s24+$0x0], $0xffff  }
0xaa: {  	v14 =	vld.idx.msk [tilespmem:v19+s26+$0x0], $0xffff  }
0xab: {  	v15 =	vld.idx.msk [tilespmem:v21+s26+$0x0], $0xffff;
	v16 =	vpop (erf)  }
0xac: {  	v22 =	vld.idx.msk [tilespmem:v18+s26+$0x0], $0xffff;
	v23 =	vpop (erf)  }
0xad: {  	v10 =	vld.idx.msk [tilespmem:v17+s24+$0x0], $0xffff;
	v24 =	vpop (erf)  }
0xae: {  	[tilespmem:v6+s29+$0x0] =	vst.idx.add.f32.msk $0xffff, v24;
	v24 =	vpop (erf);
	v6 =	vmov v12  }
0xaf: {  	[tilespmem:v2+s29+$0x0] =	vst.idx.add.f32.msk $0xffff, v24;
	v12 =	vpop (erf);
	v2 =	vmov v13  }
0xb0: {  	[tilespmem:v5+s29+$0x0] =	vst.idx.add.f32.msk $0xffff, v16;
	v5 =	vmov v15  }
0xb1: {  	[tilespmem:v4+s29+$0x0] =	vst.idx.add.f32.msk $0xffff, v23;
	v4 =	vmov v22  }
0xb2: {  	v16 =	vld.idx.msk [tilespmem:v21+s25+$0x0], $0xffff  }
.Ltmp2:
0xb3: {  	[tilespmem:v3+s29+$0x0] =	vst.idx.add.f32.msk $0xffff, v12;
	v3 =	vmov v14;
	(pc) =	sbr.rel @p0 .LBB2_6-.Ltmp2, $4  }
0xb4: {  	v15 =	vld.idx.msk [tilespmem:v18+s25+$0x0], $0xffff  }
0xb5: {  	v14 =	vld.idx.msk [tilespmem:v20+s25+$0x0], $0xffff  }
0xb6: {  	v13 =	vld.idx.msk [tilespmem:v17+s25+$0x0], $0xffff  }
0xb7: {  	v12 =	vld.idx.msk [tilespmem:v19+s25+$0x0], $0xffff  }
0xb8: {  	v16 =	vmul.f32 $1.442695020e+00, v16  }
0xb9: {  	v15 =	vmul.f32 $1.442695020e+00, v15  }
0xba: {  	v14 =	vmul.f32 $1.442695020e+00, v14;
	(erf) = vpow2.f32 v16  }
0xbb: {  	v13 =	vmul.f32 $1.442695020e+00, v13;
	(erf) = vpow2.f32 v15  }
0xbc: {  	(erf) = vpow2.f32 v14;
	v12 =	vmul.f32 $1.442695020e+00, v12  }
0xbd: {  	(erf) = vpow2.f32 v13  }
0xbe: {  	(erf) = vpow2.f32 v12  }
0xbf: {  	[tilespmem:v5+s28+$0x0] =	vst.idx.add.f32.msk $0xffff, v11  }
0xc0: {  	[tilespmem:v4+s28+$0x0] =	vst.idx.add.f32.msk $0xffff, v9  }
0xc1: {  	[tilespmem:v3+s28+$0x0] =	vst.idx.add.f32.msk $0xffff, v8  }
0xc2: {  	[tilespmem:v6+s28+$0x0] =	vst.idx.add.f32.msk $0xffff, v7  }
0xc3: {  	[tilespmem:v2+s28+$0x0] =	vst.idx.add.f32.msk $0xffff, v10;
	v8 =	vpop (erf)  }
0xc4: {  	v7 =	vpop (erf);
	[tilespmem:v5+s29+$0x0] =	vst.idx.add.f32.msk $0xffff, v8  }
0xc5: {  	v9 =	vpop (erf);
	[tilespmem:v4+s29+$0x0] =	vst.idx.add.f32.msk $0xffff, v7  }
0xc6: {  	[tilespmem:v6+s29+$0x0] =	vst.idx.add.f32.msk $0xffff, v9;
	v6 =	vpop (erf)  }
0xc7: {  	[tilespmem:v2+s29+$0x0] =	vst.idx.add.f32.msk $0xffff, v6;
	v2 =	vpop (erf)  }
0xc8: {  	[tilespmem:v3+s29+$0x0] =	vst.idx.add.f32.msk $0xffff, v2  }
0xc9: {  	_ =	swait.ge [sflag:s23], $0x2710  }
0xca: {  	[sflag:s23] =	ssyncset.done $0x0  }
0xcb: {  	[sflag:s23] =	ssyncadd.s32 $0xFFFFD8F0  }
0xcc: {  	_ =	swait.ge [sflag:s23], $0x2710  }
0xcd: {  	[sflag:s23] =	ssyncset.done $0x0  }
0xce: {  	[sflag:s23] =	ssyncadd.s32 $0xFFFFD8F0  }
0xcf: {  	_ =	swait.ge [sflag:s23], $0x2710  }
0xd0: {  	[sflag:s23] =	ssyncset.done $0x0  }
0xd1: {  	s0 =	simm.s32 $0x0;
	s1 =	simm.s32 $0x2;
	[sflag:s23] =	ssyncadd.s32 $0xFFFFD8F0  }
0xd2: {  	v12 =	vadd.s32 s0, v1;
	[tilespmem:s24], [sflag:$0x2] =	stream.linear.gather [hbm4b:s12+s0], $0x2710, $0x38;
	[tilespmem:$0x13A60] =	vst v63  }
0xd3: {  	s3 =	simm.s32 $0x3;
	v17 =	vadd.s32 s1, v1  }
0xd4: {  	v13 =	vadd.s32 s3, v1;
	[tilespmem:s25], [sflag:$0x2] =	stream.linear.gather [hbm4b:s13+s0], $0x2710, $0x38;
	[tilespmem:$0x13A60] =	vst v63  }
0xd5: {  	s4 =	simm.s32 $0x4;
	s3 =	simm.s32 $0x1  }
0xd6: {  	v14 =	vadd.s32 s3, v1;
	[tilespmem:s26], [sflag:$0x2] =	stream.linear.gather [hbm4b:s14+s0], $0x2710, $0x38;
	[tilespmem:$0x13A60] =	vst v63  }
0xd7: {  	v15 =	vadd.s32 s4, v1;
	v2 =	vld.idx.msk [tilespmem:v12+s22+$0x0], $0xffff  }
0xd8: {  	v8 =	vld.idx.msk [tilespmem:v17+s2+$0x0], $0xffff  }
0xd9: {  	v7 =	vld.idx.msk [tilespmem:v13+s2+$0x0], $0xffff  }
0xda: {  	v6 =	vld.idx.msk [tilespmem:v13+s22+$0x0], $0xffff  }
0xdb: {  	v9 =	vld.idx.msk [tilespmem:v14+s2+$0x0], $0xffff  }
0xdc: {  	v11 =	vld.idx.msk [tilespmem:v15+s2+$0x0], $0xffff  }
0xdd: {  	v3 =	vld.idx.msk [tilespmem:v17+s22+$0x0], $0xffff  }
0xde: {  	v5 =	vld.idx.msk [tilespmem:v15+s22+$0x0], $0xffff  }
0xdf: {  	v4 =	vld.idx.msk [tilespmem:v14+s22+$0x0], $0xffff  }
0xe0: {  	v10 =	vld.idx.msk [tilespmem:v12+s2+$0x0], $0xffff  }
0xe1: {  	v16 =	vld.idx.msk [tilespmem:v15+s21+$0x0], $0xffff  }
0xe2: {  	v15 =	vld.idx.msk [tilespmem:v14+s21+$0x0], $0xffff  }
0xe3: {  	v14 =	vld.idx.msk [tilespmem:v13+s21+$0x0], $0xffff  }
0xe4: {  	v13 =	vld.idx.msk [tilespmem:v12+s21+$0x0], $0xffff  }
0xe5: {  	s1 =	simm.s32 $0x5;
	v12 =	vld.idx.msk [tilespmem:v17+s21+$0x0], $0xffff  }
.LBB2_8:
0xe6: {  	v17 =	vadd.s32 s1, v1;
	s0 =	sadd.s32 $0x1, s1;
	s3 =	sadd.s32 $0x2, s1;
	s4 =	sadd.s32 $0x3, s1;
	v16 =	vmul.f32 $1.442695020e+00, v16;
	[tilespmem:v5+s28+$0x0] =	vst.idx.add.f32.msk $0xffff, v11  }
0xe7: {  	p0 =	slt.u32 s1, $0x26C;
	v18 =	vadd.s32 s0, v1;
	v19 =	vadd.s32 s3, v1;
	v20 =	vadd.s32 s4, v1;
	s0 =	sadd.s32 $0x4, s1;
	s1 =	sadd.s32 $0x5, s1;
	[tilespmem:v4+s28+$0x0] =	vst.idx.add.f32.msk $0xffff, v9  }
0xe8: {  	v9 =	vmul.f32 $1.442695020e+00, v15;
	v21 =	vadd.s32 s0, v1;
	[tilespmem:v3+s28+$0x0] =	vst.idx.add.f32.msk $0xffff, v8  }
0xe9: {  	v8 =	vmul.f32 $1.442695020e+00, v14;
	[tilespmem:v6+s28+$0x0] =	vst.idx.add.f32.msk $0xffff, v7;
	(erf) = vpow2.f32 v16  }
0xea: {  	v7 =	vmul.f32 $1.442695020e+00, v13;
	[tilespmem:v2+s28+$0x0] =	vst.idx.add.f32.msk $0xffff, v10;
	(erf) = vpow2.f32 v9  }
0xeb: {  	v9 =	vmul.f32 $1.442695020e+00, v12;
	v13 =	vld.idx.msk [tilespmem:v17+s22+$0x0], $0xffff;
	(erf) = vpow2.f32 v8  }
0xec: {  	v8 =	vld.idx.msk [tilespmem:v19+s2+$0x0], $0xffff;
	(erf) = vpow2.f32 v7  }
0xed: {  	v7 =	vld.idx.msk [tilespmem:v20+s2+$0x0], $0xffff;
	(erf) = vpow2.f32 v9  }
0xee: {  	v12 =	vld.idx.msk [tilespmem:v20+s22+$0x0], $0xffff  }
0xef: {  	v9 =	vld.idx.msk [tilespmem:v18+s2+$0x0], $0xffff  }
0xf0: {  	v11 =	vld.idx.msk [tilespmem:v21+s2+$0x0], $0xffff  }
0xf1: {  	v14 =	vld.idx.msk [tilespmem:v19+s22+$0x0], $0xffff  }
0xf2: {  	v15 =	vld.idx.msk [tilespmem:v21+s22+$0x0], $0xffff;
	v16 =	vpop (erf)  }
0xf3: {  	v22 =	vld.idx.msk [tilespmem:v18+s22+$0x0], $0xffff;
	v23 =	vpop (erf)  }
0xf4: {  	v10 =	vld.idx.msk [tilespmem:v17+s2+$0x0], $0xffff;
	v24 =	vpop (erf)  }
0xf5: {  	[tilespmem:v6+s29+$0x0] =	vst.idx.add.f32.msk $0xffff, v24;
	v24 =	vpop (erf);
	v6 =	vmov v12  }
0xf6: {  	[tilespmem:v2+s29+$0x0] =	vst.idx.add.f32.msk $0xffff, v24;
	v12 =	vpop (erf);
	v2 =	vmov v13  }
0xf7: {  	[tilespmem:v5+s29+$0x0] =	vst.idx.add.f32.msk $0xffff, v16;
	v5 =	vmov v15  }
0xf8: {  	[tilespmem:v4+s29+$0x0] =	vst.idx.add.f32.msk $0xffff, v23;
	v4 =	vmov v22  }
0xf9: {  	v16 =	vld.idx.msk [tilespmem:v21+s21+$0x0], $0xffff  }
.Ltmp3:
0xfa: {  	[tilespmem:v3+s29+$0x0] =	vst.idx.add.f32.msk $0xffff, v12;
	v3 =	vmov v14;
	(pc) =	sbr.rel @p0 .LBB2_8-.Ltmp3, $4  }
0xfb: {  	v15 =	vld.idx.msk [tilespmem:v18+s21+$0x0], $0xffff  }
0xfc: {  	v14 =	vld.idx.msk [tilespmem:v20+s21+$0x0], $0xffff  }
0xfd: {  	v13 =	vld.idx.msk [tilespmem:v17+s21+$0x0], $0xffff  }
0xfe: {  	v12 =	vld.idx.msk [tilespmem:v19+s21+$0x0], $0xffff  }
0xff: {  	v16 =	vmul.f32 $1.442695020e+00, v16  }
0x100: {  	v15 =	vmul.f32 $1.442695020e+00, v15  }
0x101: {  	v14 =	vmul.f32 $1.442695020e+00, v14;
	(erf) = vpow2.f32 v16  }
0x102: {  	v13 =	vmul.f32 $1.442695020e+00, v13;
	(erf) = vpow2.f32 v15  }
0x103: {  	(erf) = vpow2.f32 v14;
	v12 =	vmul.f32 $1.442695020e+00, v12  }
0x104: {  	(erf) = vpow2.f32 v13  }
0x105: {  	(erf) = vpow2.f32 v12  }
0x106: {  	[tilespmem:v5+s28+$0x0] =	vst.idx.add.f32.msk $0xffff, v11  }
0x107: {  	[tilespmem:v4+s28+$0x0] =	vst.idx.add.f32.msk $0xffff, v9  }
0x108: {  	[tilespmem:v3+s28+$0x0] =	vst.idx.add.f32.msk $0xffff, v8  }
0x109: {  	[tilespmem:v6+s28+$0x0] =	vst.idx.add.f32.msk $0xffff, v7  }
0x10a: {  	[tilespmem:v2+s28+$0x0] =	vst.idx.add.f32.msk $0xffff, v10;
	v8 =	vpop (erf)  }
0x10b: {  	v7 =	vpop (erf);
	[tilespmem:v5+s29+$0x0] =	vst.idx.add.f32.msk $0xffff, v8  }
0x10c: {  	v9 =	vpop (erf);
	[tilespmem:v4+s29+$0x0] =	vst.idx.add.f32.msk $0xffff, v7  }
0x10d: {  	[tilespmem:v6+s29+$0x0] =	vst.idx.add.f32.msk $0xffff, v9;
	v6 =	vpop (erf)  }
0x10e: {  	[tilespmem:v2+s29+$0x0] =	vst.idx.add.f32.msk $0xffff, v6;
	v2 =	vpop (erf)  }
0x10f: {  	[tilespmem:v3+s29+$0x0] =	vst.idx.add.f32.msk $0xffff, v2  }
0x110: {  	_ =	swait.ge [sflag:s30], $0x2710  }
0x111: {  	[sflag:s30] =	ssyncset.done $0x0  }
0x112: {  	[sflag:s30] =	ssyncadd.s32 $0xFFFFD8F0  }
0x113: {  	_ =	swait.ge [sflag:s30], $0x2710  }
0x114: {  	[sflag:s30] =	ssyncset.done $0x0  }
0x115: {  	[sflag:s30] =	ssyncadd.s32 $0xFFFFD8F0  }
0x116: {  	_ =	swait.ge [sflag:s30], $0x2710  }
0x117: {  	[sflag:s30] =	ssyncset.done $0x0  }
0x118: {  	s0 =	simm.s32 $0x0;
	s1 =	simm.s32 $0x2;
	[sflag:s30] =	ssyncadd.s32 $0xFFFFD8F0  }
0x119: {  	v12 =	vadd.s32 s0, v1;
	[tilespmem:s0], [sflag:$0x1] =	stream.linear.gather [hbm4b:s15+s0], $0x2710, $0x38;
	[tilespmem:$0x13A60] =	vst v63  }
0x11a: {  	s3 =	simm.s32 $0x3;
	v17 =	vadd.s32 s1, v1  }
0x11b: {  	v13 =	vadd.s32 s3, v1;
	[tilespmem:s21], [sflag:$0x1] =	stream.linear.gather [hbm4b:s16+s0], $0x2710, $0x38;
	[tilespmem:$0x13A60] =	vst v63  }
0x11c: {  	s4 =	simm.s32 $0x4;
	s3 =	simm.s32 $0x1  }
0x11d: {  	v14 =	vadd.s32 s3, v1;
	[tilespmem:s22], [sflag:$0x1] =	stream.linear.gather [hbm4b:s17+s0], $0x2710, $0x38;
	[tilespmem:$0x13A60] =	vst v63  }
0x11e: {  	v15 =	vadd.s32 s4, v1;
	v2 =	vld.idx.msk [tilespmem:v12+s26+$0x0], $0xffff  }
0x11f: {  	v8 =	vld.idx.msk [tilespmem:v17+s24+$0x0], $0xffff  }
0x120: {  	v7 =	vld.idx.msk [tilespmem:v13+s24+$0x0], $0xffff  }
0x121: {  	v6 =	vld.idx.msk [tilespmem:v13+s26+$0x0], $0xffff  }
0x122: {  	v9 =	vld.idx.msk [tilespmem:v14+s24+$0x0], $0xffff  }
0x123: {  	v11 =	vld.idx.msk [tilespmem:v15+s24+$0x0], $0xffff  }
0x124: {  	v3 =	vld.idx.msk [tilespmem:v17+s26+$0x0], $0xffff  }
0x125: {  	v5 =	vld.idx.msk [tilespmem:v15+s26+$0x0], $0xffff  }
0x126: {  	v4 =	vld.idx.msk [tilespmem:v14+s26+$0x0], $0xffff  }
0x127: {  	v10 =	vld.idx.msk [tilespmem:v12+s24+$0x0], $0xffff  }
0x128: {  	v16 =	vld.idx.msk [tilespmem:v15+s25+$0x0], $0xffff  }
0x129: {  	v15 =	vld.idx.msk [tilespmem:v14+s25+$0x0], $0xffff  }
0x12a: {  	v14 =	vld.idx.msk [tilespmem:v13+s25+$0x0], $0xffff  }
0x12b: {  	v13 =	vld.idx.msk [tilespmem:v12+s25+$0x0], $0xffff  }
0x12c: {  	s1 =	simm.s32 $0x5;
	v12 =	vld.idx.msk [tilespmem:v17+s25+$0x0], $0xffff  }
.LBB2_10:
0x12d: {  	v17 =	vadd.s32 s1, v1;
	s0 =	sadd.s32 $0x1, s1;
	s3 =	sadd.s32 $0x2, s1;
	s4 =	sadd.s32 $0x3, s1;
	v16 =	vmul.f32 $1.442695020e+00, v16;
	[tilespmem:v5+s28+$0x0] =	vst.idx.add.f32.msk $0xffff, v11  }
0x12e: {  	p0 =	slt.u32 s1, $0x26C;
	v18 =	vadd.s32 s0, v1;
	v19 =	vadd.s32 s3, v1;
	v20 =	vadd.s32 s4, v1;
	s0 =	sadd.s32 $0x4, s1;
	s1 =	sadd.s32 $0x5, s1;
	[tilespmem:v4+s28+$0x0] =	vst.idx.add.f32.msk $0xffff, v9  }
0x12f: {  	v9 =	vmul.f32 $1.442695020e+00, v15;
	v21 =	vadd.s32 s0, v1;
	[tilespmem:v3+s28+$0x0] =	vst.idx.add.f32.msk $0xffff, v8  }
0x130: {  	v8 =	vmul.f32 $1.442695020e+00, v14;
	[tilespmem:v6+s28+$0x0] =	vst.idx.add.f32.msk $0xffff, v7;
	(erf) = vpow2.f32 v16  }
0x131: {  	v7 =	vmul.f32 $1.442695020e+00, v13;
	[tilespmem:v2+s28+$0x0] =	vst.idx.add.f32.msk $0xffff, v10;
	(erf) = vpow2.f32 v9  }
0x132: {  	v9 =	vmul.f32 $1.442695020e+00, v12;
	v13 =	vld.idx.msk [tilespmem:v17+s26+$0x0], $0xffff;
	(erf) = vpow2.f32 v8  }
0x133: {  	v8 =	vld.idx.msk [tilespmem:v19+s24+$0x0], $0xffff;
	(erf) = vpow2.f32 v7  }
0x134: {  	v7 =	vld.idx.msk [tilespmem:v20+s24+$0x0], $0xffff;
	(erf) = vpow2.f32 v9  }
0x135: {  	v12 =	vld.idx.msk [tilespmem:v20+s26+$0x0], $0xffff  }
0x136: {  	v9 =	vld.idx.msk [tilespmem:v18+s24+$0x0], $0xffff  }
0x137: {  	v11 =	vld.idx.msk [tilespmem:v21+s24+$0x0], $0xffff  }
0x138: {  	v14 =	vld.idx.msk [tilespmem:v19+s26+$0x0], $0xffff  }
0x139: {  	v15 =	vld.idx.msk [tilespmem:v21+s26+$0x0], $0xffff;
	v16 =	vpop (erf)  }
0x13a: {  	v22 =	vld.idx.msk [tilespmem:v18+s26+$0x0], $0xffff;
	v23 =	vpop (erf)  }
0x13b: {  	v10 =	vld.idx.msk [tilespmem:v17+s24+$0x0], $0xffff;
	v24 =	vpop (erf)  }
0x13c: {  	[tilespmem:v6+s29+$0x0] =	vst.idx.add.f32.msk $0xffff, v24;
	v24 =	vpop (erf);
	v6 =	vmov v12  }
0x13d: {  	[tilespmem:v2+s29+$0x0] =	vst.idx.add.f32.msk $0xffff, v24;
	v12 =	vpop (erf);
	v2 =	vmov v13  }
0x13e: {  	[tilespmem:v5+s29+$0x0] =	vst.idx.add.f32.msk $0xffff, v16;
	v5 =	vmov v15  }
0x13f: {  	[tilespmem:v4+s29+$0x0] =	vst.idx.add.f32.msk $0xffff, v23;
	v4 =	vmov v22  }
0x140: {  	v16 =	vld.idx.msk [tilespmem:v21+s25+$0x0], $0xffff  }
.Ltmp4:
0x141: {  	[tilespmem:v3+s29+$0x0] =	vst.idx.add.f32.msk $0xffff, v12;
	v3 =	vmov v14;
	(pc) =	sbr.rel @p0 .LBB2_10-.Ltmp4, $4  }
0x142: {  	v15 =	vld.idx.msk [tilespmem:v18+s25+$0x0], $0xffff  }
0x143: {  	v14 =	vld.idx.msk [tilespmem:v20+s25+$0x0], $0xffff  }
0x144: {  	v13 =	vld.idx.msk [tilespmem:v17+s25+$0x0], $0xffff  }
0x145: {  	v12 =	vld.idx.msk [tilespmem:v19+s25+$0x0], $0xffff  }
0x146: {  	v16 =	vmul.f32 $1.442695020e+00, v16  }
0x147: {  	v15 =	vmul.f32 $1.442695020e+00, v15  }
0x148: {  	v14 =	vmul.f32 $1.442695020e+00, v14;
	(erf) = vpow2.f32 v16  }
0x149: {  	v13 =	vmul.f32 $1.442695020e+00, v13;
	(erf) = vpow2.f32 v15  }
0x14a: {  	(erf) = vpow2.f32 v14;
	v12 =	vmul.f32 $1.442695020e+00, v12  }
0x14b: {  	(erf) = vpow2.f32 v13  }
0x14c: {  	(erf) = vpow2.f32 v12  }
0x14d: {  	[tilespmem:v5+s28+$0x0] =	vst.idx.add.f32.msk $0xffff, v11  }
0x14e: {  	[tilespmem:v4+s28+$0x0] =	vst.idx.add.f32.msk $0xffff, v9  }
0x14f: {  	[tilespmem:v3+s28+$0x0] =	vst.idx.add.f32.msk $0xffff, v8  }
0x150: {  	[tilespmem:v6+s28+$0x0] =	vst.idx.add.f32.msk $0xffff, v7  }
0x151: {  	[tilespmem:v2+s28+$0x0] =	vst.idx.add.f32.msk $0xffff, v10;
	v8 =	vpop (erf)  }
0x152: {  	v7 =	vpop (erf);
	[tilespmem:v5+s29+$0x0] =	vst.idx.add.f32.msk $0xffff, v8  }
0x153: {  	v9 =	vpop (erf);
	[tilespmem:v4+s29+$0x0] =	vst.idx.add.f32.msk $0xffff, v7  }
0x154: {  	[tilespmem:v6+s29+$0x0] =	vst.idx.add.f32.msk $0xffff, v9;
	v6 =	vpop (erf)  }
0x155: {  	[tilespmem:v2+s29+$0x0] =	vst.idx.add.f32.msk $0xffff, v6;
	v2 =	vpop (erf)  }
0x156: {  	[tilespmem:v3+s29+$0x0] =	vst.idx.add.f32.msk $0xffff, v2  }
0x157: {  	_ =	swait.ge [sflag:s23], $0x2710  }
0x158: {  	[sflag:s23] =	ssyncset.done $0x0  }
0x159: {  	[sflag:s23] =	ssyncadd.s32 $0xFFFFD8F0  }
0x15a: {  	s0 =	simm.s32 $0x0;
	_ =	swait.ge [sflag:s23], $0x2710  }
0x15b: {  	s4 =	simm.s32 $0x2;
	v12 =	vadd.s32 s0, v1;
	[sflag:s23] =	ssyncset.done $0x0  }
0x15c: {  	s1 =	simm.s32 $0x3;
	v17 =	vadd.s32 s4, v1;
	[sflag:s23] =	ssyncadd.s32 $0xFFFFD8F0  }
0x15d: {  	v13 =	vadd.s32 s1, v1;
	_ =	swait.ge [sflag:s23], $0x2710  }
0x15e: {  	s3 =	simm.s32 $0x1;
	[sflag:s23] =	ssyncset.done $0x0  }
0x15f: {  	s4 =	simm.s32 $0x4;
	v14 =	vadd.s32 s3, v1;
	[sflag:s23] =	ssyncadd.s32 $0xFFFFD8F0  }
0x160: {  	v15 =	vadd.s32 s4, v1;
	v2 =	vld.idx.msk [tilespmem:v12+s22+$0x0], $0xffff  }
0x161: {  	v8 =	vld.idx.msk [tilespmem:v17+s2+$0x0], $0xffff  }
0x162: {  	v7 =	vld.idx.msk [tilespmem:v13+s2+$0x0], $0xffff  }
0x163: {  	v6 =	vld.idx.msk [tilespmem:v13+s22+$0x0], $0xffff  }
0x164: {  	v9 =	vld.idx.msk [tilespmem:v14+s2+$0x0], $0xffff  }
0x165: {  	v11 =	vld.idx.msk [tilespmem:v15+s2+$0x0], $0xffff  }
0x166: {  	v3 =	vld.idx.msk [tilespmem:v17+s22+$0x0], $0xffff  }
0x167: {  	v5 =	vld.idx.msk [tilespmem:v15+s22+$0x0], $0xffff  }
0x168: {  	v4 =	vld.idx.msk [tilespmem:v14+s22+$0x0], $0xffff  }
0x169: {  	v10 =	vld.idx.msk [tilespmem:v12+s2+$0x0], $0xffff  }
0x16a: {  	v16 =	vld.idx.msk [tilespmem:v15+s21+$0x0], $0xffff  }
0x16b: {  	v15 =	vld.idx.msk [tilespmem:v14+s21+$0x0], $0xffff  }
0x16c: {  	v14 =	vld.idx.msk [tilespmem:v13+s21+$0x0], $0xffff  }
0x16d: {  	v13 =	vld.idx.msk [tilespmem:v12+s21+$0x0], $0xffff  }
0x16e: {  	s1 =	simm.s32 $0x5;
	v12 =	vld.idx.msk [tilespmem:v17+s21+$0x0], $0xffff  }
.LBB2_12:
0x16f: {  	v17 =	vadd.s32 s1, v1;
	s0 =	sadd.s32 $0x1, s1;
	s3 =	sadd.s32 $0x2, s1;
	s4 =	sadd.s32 $0x3, s1;
	v16 =	vmul.f32 $1.442695020e+00, v16;
	[tilespmem:v5+s28+$0x0] =	vst.idx.add.f32.msk $0xffff, v11  }
0x170: {  	p0 =	slt.u32 s1, $0x26C;
	v18 =	vadd.s32 s0, v1;
	v19 =	vadd.s32 s3, v1;
	v20 =	vadd.s32 s4, v1;
	s0 =	sadd.s32 $0x4, s1;
	s1 =	sadd.s32 $0x5, s1;
	[tilespmem:v4+s28+$0x0] =	vst.idx.add.f32.msk $0xffff, v9  }
0x171: {  	v9 =	vmul.f32 $1.442695020e+00, v15;
	v21 =	vadd.s32 s0, v1;
	[tilespmem:v3+s28+$0x0] =	vst.idx.add.f32.msk $0xffff, v8  }
0x172: {  	v8 =	vmul.f32 $1.442695020e+00, v14;
	[tilespmem:v6+s28+$0x0] =	vst.idx.add.f32.msk $0xffff, v7;
	(erf) = vpow2.f32 v16  }
0x173: {  	v7 =	vmul.f32 $1.442695020e+00, v13;
	[tilespmem:v2+s28+$0x0] =	vst.idx.add.f32.msk $0xffff, v10;
	(erf) = vpow2.f32 v9  }
0x174: {  	v9 =	vmul.f32 $1.442695020e+00, v12;
	v13 =	vld.idx.msk [tilespmem:v17+s22+$0x0], $0xffff;
	(erf) = vpow2.f32 v8  }
0x175: {  	v8 =	vld.idx.msk [tilespmem:v19+s2+$0x0], $0xffff;
	(erf) = vpow2.f32 v7  }
0x176: {  	v7 =	vld.idx.msk [tilespmem:v20+s2+$0x0], $0xffff;
	(erf) = vpow2.f32 v9  }
0x177: {  	v12 =	vld.idx.msk [tilespmem:v20+s22+$0x0], $0xffff  }
0x178: {  	v9 =	vld.idx.msk [tilespmem:v18+s2+$0x0], $0xffff  }
0x179: {  	v11 =	vld.idx.msk [tilespmem:v21+s2+$0x0], $0xffff  }
0x17a: {  	v14 =	vld.idx.msk [tilespmem:v19+s22+$0x0], $0xffff  }
0x17b: {  	v15 =	vld.idx.msk [tilespmem:v21+s22+$0x0], $0xffff;
	v16 =	vpop (erf)  }
0x17c: {  	v22 =	vld.idx.msk [tilespmem:v18+s22+$0x0], $0xffff;
	v23 =	vpop (erf)  }
0x17d: {  	v10 =	vld.idx.msk [tilespmem:v17+s2+$0x0], $0xffff;
	v24 =	vpop (erf)  }
0x17e: {  	[tilespmem:v6+s29+$0x0] =	vst.idx.add.f32.msk $0xffff, v24;
	v24 =	vpop (erf);
	v6 =	vmov v12  }
0x17f: {  	[tilespmem:v2+s29+$0x0] =	vst.idx.add.f32.msk $0xffff, v24;
	v12 =	vpop (erf);
	v2 =	vmov v13  }
0x180: {  	[tilespmem:v5+s29+$0x0] =	vst.idx.add.f32.msk $0xffff, v16;
	v5 =	vmov v15  }
0x181: {  	[tilespmem:v4+s29+$0x0] =	vst.idx.add.f32.msk $0xffff, v23;
	v4 =	vmov v22  }
0x182: {  	v16 =	vld.idx.msk [tilespmem:v21+s21+$0x0], $0xffff  }
.Ltmp5:
0x183: {  	[tilespmem:v3+s29+$0x0] =	vst.idx.add.f32.msk $0xffff, v12;
	v3 =	vmov v14;
	(pc) =	sbr.rel @p0 .LBB2_12-.Ltmp5, $4  }
0x184: {  	v15 =	vld.idx.msk [tilespmem:v18+s21+$0x0], $0xffff  }
0x185: {  	v14 =	vld.idx.msk [tilespmem:v20+s21+$0x0], $0xffff  }
0x186: {  	v13 =	vld.idx.msk [tilespmem:v17+s21+$0x0], $0xffff  }
0x187: {  	v12 =	vld.idx.msk [tilespmem:v19+s21+$0x0], $0xffff  }
0x188: {  	v16 =	vmul.f32 $1.442695020e+00, v16  }
0x189: {  	v15 =	vmul.f32 $1.442695020e+00, v15  }
0x18a: {  	v14 =	vmul.f32 $1.442695020e+00, v14;
	(erf) = vpow2.f32 v16  }
0x18b: {  	v13 =	vmul.f32 $1.442695020e+00, v13;
	(erf) = vpow2.f32 v15  }
0x18c: {  	(erf) = vpow2.f32 v14;
	v12 =	vmul.f32 $1.442695020e+00, v12  }
0x18d: {  	(erf) = vpow2.f32 v13  }
0x18e: {  	(erf) = vpow2.f32 v12  }
0x18f: {  	[tilespmem:v5+s28+$0x0] =	vst.idx.add.f32.msk $0xffff, v11  }
0x190: {  	[tilespmem:v4+s28+$0x0] =	vst.idx.add.f32.msk $0xffff, v9  }
0x191: {  	[tilespmem:v3+s28+$0x0] =	vst.idx.add.f32.msk $0xffff, v8  }
0x192: {  	[tilespmem:v6+s28+$0x0] =	vst.idx.add.f32.msk $0xffff, v7  }
0x193: {  	[tilespmem:v2+s28+$0x0] =	vst.idx.add.f32.msk $0xffff, v10;
	v60 =	vpop (erf)  }
0x194: {  	v61 =	vpop (erf);
	[tilespmem:v5+s29+$0x0] =	vst.idx.add.f32.msk $0xffff, v60  }
0x195: {  	v62 =	vpop (erf);
	[tilespmem:v4+s29+$0x0] =	vst.idx.add.f32.msk $0xffff, v61  }
0x196: {  	[tilespmem:v6+s29+$0x0] =	vst.idx.add.f32.msk $0xffff, v62;
	v63 =	vpop (erf)  }
0x197: {  	[tilespmem:v2+s29+$0x0] =	vst.idx.add.f32.msk $0xffff, v63;
	v2 =	vpop (erf)  }
0x198: {  	[tilespmem:v3+s29+$0x0] =	vst.idx.add.f32.msk $0xffff, v2  }
0x199: {  	[hbm4b:s18+s2] =	stream.linear.scatter [tilespmem:s28], [sflag:$0x1], $0x2800, $0x38;
	[tilespmem:$0x13A60] =	vst v63  }
0x19a: {  	s31 =	sadd.s32 $0x1, s31  }
0x19b: {  	[hbm4b:s19+s2] =	stream.linear.scatter [tilespmem:s29], [sflag:$0x2], $0x2800, $0x38;
	[tilespmem:$0x13A60] =	vst v63  }
0x19c: {  	p0 =	sne.s32 s31, s20;
	_ =	swait.ge [sflag:s23], $0x2800  }
.Ltmp6:
0x19d: {  	[sflag:s23] =	ssyncset.done $0x0;
	(pc) =	sbr.rel @p0 .LBB2_1-.Ltmp6, $4  }
0x19e: {  	[sflag:s23] =	ssyncadd.s32 $0xFFFFD800  }
0x19f: {  	_ =	swait.ge [sflag:s30], $0x2800  }
0x1a0: {  	[sflag:s30] =	ssyncset.done $0x0  }
0x1a1: {  	[sflag:s30] =	ssyncadd.s32 $0xFFFFD800  }
0x1a2: {  	_ =	sfence.sel $0x180000  }
0x1a3: {  	[bflag:$0x0] =	sbarrier.arrive $0xFFFF  }
0x1a4: {  	_ =	strace $0x90000047  }
0x1a5: {  	s0 =	stileid.u32;
	[bflag:$0x2] =	sbarrier.arrive $0xFFFF  }
0x1a6: {  	p0 =	sne.s32 s0, $0x0;
	s0 =	rddreg [dreg:$0x4]  }
0x1a7: {  	s0 =	sadd.s32 @!p0 $0x100000, s0  }
0x1a8: {  	[sflag:s0] =	ssyncadd.tile.s32 @!p0 $0x1;
	_ =	shalt  }
.Lfunc_end2:
_tile_overlayer_lowered:
.L_overlay_start_2:
0x1a9: {  	(tag) =	ssettag $0x2  }
0x1aa: {  	s0 =	rddreg [dreg:$0x0];
	s2 =	stileid.u32  }
0x1ab: {  	s1 =	rddreg [dreg:$0x1];
	p0 =	sne.s32 s2, $0x0  }
0x1ac: {  	s3 =	rddreg [dreg:$0x2];
	[bflag:$0x3] =	sbarrier.arrive $0xFFFF;
	s2 =	simm.s32 @!p0 $0x1C03  }
0x1ad: {  	[timem:s3], [sflag:s2] =	dma.local @!p0 [hbm:s0], s1  }
0x1ae: {  	s0 =	simm.s32 @!p0 $0x3  }
0x1af: {  	_ =	swait.ge @!p0 [sflag:s0], s1  }
0x1b0: {  	s1 =	ssub.s32 @!p0 $0x0, s1;
	[sflag:s0] =	ssyncset.done @!p0 $0x0  }
0x1b1: {  	[sflag:s0] =	ssyncadd.s32 @!p0 s1  }
0x1b2: {  	[bflag:$0x3] =	sbarrier.arrive $0xFFFF  }
0x1b3: {  	_ =	shalt  }

// kernel: kernel.8.cloned.1.call-start
scs
__scs_entry_jumppad:
0x0: {  	(pc) =	sbr.rel $0x88, $3  }
0x1: {  	(tag) =	ssettag $0x0;
	lr =	simm.s32 $0x1  }
0x2: {  	[smem:$0x3F9D] =	sst lr;
	_ =	strace $0xD0000000  }
0x3: {  	_ = 	snop  }
0x4: {  	_ = 	snop  }
0x5: {  	_ = 	snop  }
0x6: {  	_ = 	snop  }
0x7: {  	_ = 	snop  }
__scs_overlays_trampoline_lowered:
0x8: {  	[smem:$0x3FAC] =	sst s0  }
0x9: {  	[smem:$0x3FAD] =	sst s1  }
0xa: {  	[smem:$0x3FAE] =	sst s2  }
0xb: {  	[smem:$0x3FAF] =	sst s3  }
0xc: {  	[smem:$0x3FB0] =	sst s4  }
0xd: {  	[smem:$0x3FB1] =	sst s5  }
0xe: {  	[smem:$0x3FB2] =	sst s6  }
0xf: {  	[smem:$0x3FB3] =	sst s7  }
0x10: {  	[smem:$0x3FB4] =	sst s8  }
0x11: {  	[smem:$0x3FB5] =	sst s9;
	s0 =	simm.s32 @!p0 $0x0  }
0x12: {  	s1 =	sld [smem:$0x3F9B];
	s0 =	simm.s32 @p0 $0x1  }
0x13: {  	[smem:$0x3FB6] =	sst s0;
	s0 =	simm.s32 @!p1 $0x0  }
0x14: {  	s2 =	sld [smem:$0x3F9A];
	s0 =	simm.s32 @p1 $0x1  }
0x15: {  	[smem:$0x3FB7] =	sst s0;
	s0 =	simm.s32 @!p2 $0x0  }
0x16: {  	s3 =	sld [smem:$0x3FDB];
	s0 =	simm.s32 @p2 $0x1  }
0x17: {  	s4 =	simm.s32 $0x1BF5;
	[smem:$0x3FB9] =	sst s0  }
0x18: {  	s0 =	sld [smem:$0x3F9C];
	_ =	swait.ge [sflag:s4], $0x0  }
0x19: {  	s7 =	sld [smem:$0x3F9D]  }
0x1a: {  	s8 =	sadd.s32 $0xFFFFE003, lr  }
0x1b: {  	s9 =	sadd.s32 $0xFFFFFEF7, lr;
	s5 =	simm.s32 $0xFFFFFFFF;
	p2 =	slt.u32 s8, $0xFFFFF086  }
0x1c: {  	p1 =	slt.u32 s9, $0xF7A;
	s5 =	simm.s32 @!p2 $0x0  }
0x1d: {  	s5 =	simm.s32 @p1 $0x1;
	p0 =	seq.s32 s7, s2  }
0x1e: {  	s7 =	smul.u32 @!p0 $0xF7A, s2;
	p2 =	seq.s32 @!p0 s5, $0x0  }
0x1f: {  	s9 =	smul.u32 $0xF7A, s1;
	s8 =	simm.s32 @!p0 $0x1BF5;
	p2 =	por !p2, p0  }
0x20: {  	[sflag:s8] =	ssyncset.s32 @!p0 $0xFFFFF086;
	s6 =	sadd.s32 @!p0 s3, s7;
	s7 =	simm.s32 @!p0 $0x108  }
0x21: {  	s3 =	sadd.s32 s3, s9;
	s6 =	sadd.s32 @!p0 $0x88, s6;
	s7 =	simm.s32 @p2 $0x1082  }
0x22: {  	[simem:s7], [sflag:s8] =	dma.local @!p0 [hbm:s6], $0xF7A  }
0x23: {  	s9 =	sor.u32 $0xD0000000, s2;
	s6 =	simm.s32 $0x108;
	_ =	swait.ge @!p0 [sflag:s8], $0x0  }
0x24: {  	s3 =	sadd.s32 $0x88, s3;
	s6 =	simm.s32 @!p1 $0x1082;
	[sflag:s4] =	ssyncset.s32 $0xFFFFF086  }
0x25: {  	[simem:s6], [sflag:s4] =	dma.local [hbm:s3], $0xF7A  }
0x26: {  	[smem:$0x3F9D] =	sst s1;
	(tag) =	ssettag s2;
	_ =	strace s9  }
0x27: {  	s1 =	sld [smem:$0x3FAD]  }
0x28: {  	s2 =	sld [smem:$0x3FAE]  }
0x29: {  	s4 =	sld [smem:$0x3FB0]  }
0x2a: {  	p0 =	seq.s32 s5, $0x0;
	s5 =	sld [smem:$0x3FB1]  }
0x2b: {  	s6 =	sld [smem:$0x3FB2]  }
0x2c: {  	s7 =	sld [smem:$0x3FB3]  }
0x2d: {  	s3 =	simm.s32 $0x108;
	s8 =	sld [smem:$0x3FB4]  }
0x2e: {  	s3 =	simm.s32 @!p0 $0x1082;
	s9 =	sld [smem:$0x3FB5]  }
0x2f: {  	lr =	sadd.s32 s0, s3;
	s0 =	sld [smem:$0x3FAC]  }
0x30: {  	s3 =	sld [smem:$0x3FAF]  }
0x31: {  	[smem:$0x3FB8] =	sst s10  }
0x32: {  	s10 =	sld [smem:$0x3FB6];
	_ =	sdelay $0x3  }
0x33: {  	p0 =	seq.s32 s10, $0x1;
	s10 =	sld [smem:$0x3FB8];
	_ =	sdelay $0x3  }
0x34: {  	[smem:$0x3FB8] =	sst s10  }
0x35: {  	s10 =	sld [smem:$0x3FB7];
	_ =	sdelay $0x3  }
0x36: {  	p1 =	seq.s32 s10, $0x1;
	s10 =	sld [smem:$0x3FB8];
	_ =	sdelay $0x3  }
0x37: {  	[smem:$0x3FB8] =	sst s10  }
0x38: {  	s10 =	sld [smem:$0x3FB9]  }
0x39: {  	_ = 	snop;
	(pc) =	sbr.ind lr, $3  }
0x3a: {  	_ = 	snop  }
0x3b: {  	_ = 	snop  }
0x3c: {  	p2 =	seq.s32 s10, $0x1;
	s10 =	sld [smem:$0x3FB8]  }
0x3d: {  	_ =	shalt  }
0x3e: {  	_ =	shalt  }
0x3f: {  	_ =	shalt  }
0x40: {  	_ =	shalt  }
0x41: {  	_ =	shalt  }
0x42: {  	_ =	shalt  }
0x43: {  	_ =	shalt  }
0x44: {  	_ =	shalt  }
0x45: {  	_ =	shalt  }
0x46: {  	_ =	shalt  }
0x47: {  	_ =	shalt  }
0x48: {  	_ =	shalt  }
0x49: {  	_ =	shalt  }
0x4a: {  	_ =	shalt  }
0x4b: {  	_ =	shalt  }
0x4c: {  	_ =	shalt  }
0x4d: {  	_ =	shalt  }
0x4e: {  	_ =	shalt  }
0x4f: {  	_ =	shalt  }
0x50: {  	_ =	shalt  }
0x51: {  	_ =	shalt  }
0x52: {  	_ =	shalt  }
0x53: {  	_ =	shalt  }
0x54: {  	_ =	shalt  }
0x55: {  	_ =	shalt  }
0x56: {  	_ =	shalt  }
0x57: {  	_ =	shalt  }
0x58: {  	_ =	shalt  }
0x59: {  	_ =	shalt  }
0x5a: {  	_ =	shalt  }
0x5b: {  	_ =	shalt  }
0x5c: {  	_ =	shalt  }
0x5d: {  	_ =	shalt  }
0x5e: {  	_ =	shalt  }
0x5f: {  	_ =	shalt  }
0x60: {  	_ =	shalt  }
0x61: {  	_ =	shalt  }
0x62: {  	_ =	shalt  }
0x63: {  	_ =	shalt  }
0x64: {  	_ =	shalt  }
0x65: {  	_ =	shalt  }
0x66: {  	_ =	shalt  }
0x67: {  	_ =	shalt  }
0x68: {  	_ =	shalt  }
0x69: {  	_ =	shalt  }
0x6a: {  	_ =	shalt  }
0x6b: {  	_ =	shalt  }
0x6c: {  	_ =	shalt  }
0x6d: {  	_ =	shalt  }
0x6e: {  	_ =	shalt  }
0x6f: {  	_ =	shalt  }
0x70: {  	_ =	shalt  }
0x71: {  	_ =	shalt  }
0x72: {  	_ =	shalt  }
0x73: {  	_ =	shalt  }
0x74: {  	_ =	shalt  }
0x75: {  	_ =	shalt  }
0x76: {  	_ =	shalt  }
0x77: {  	_ =	shalt  }
0x78: {  	_ =	shalt  }
0x79: {  	_ =	shalt  }
0x7a: {  	_ =	shalt  }
0x7b: {  	_ =	shalt  }
0x7c: {  	_ =	shalt  }
0x7d: {  	_ =	shalt  }
0x7e: {  	_ =	shalt  }
0x7f: {  	_ =	shalt  }
0x80: {  	_ =	shalt  }
0x81: {  	_ =	shalt  }
0x82: {  	_ =	shalt  }
0x83: {  	_ =	shalt  }
0x84: {  	_ =	shalt  }
0x85: {  	_ =	shalt  }
0x86: {  	_ =	shalt  }
0x87: {  	_ =	shalt  }
.Lfunc_end0:
.L_simem_size_0:
called_computation.1_lowered:
.L_overlay_start_0:
0x88: {  	s2 =	sld [smem:$0x3FD9]  }
0x89: {  	s3 =	sld [smem:$0x3FFE];
	_ =	sdelay $0x1  }
0x8a: {  	s1 =	srdreg.scid  }
0x8b: {  	s0 =	sand.u32 $0x1, s1  }
0x8c: {  	s17 =	sshll.u32 s0, $0xA;
	s2 =	sadd.s32 s3, s2  }
0x8d: {  	s2 =	sadd.s32 s2, s17  }
0x8e: {  	[smem:$0x3FC4] =	sst s2  }
0x8f: {  	_ = 	snop  }
0x90: {  	s2 =	sld [smem:$0x3FD0];
	(tm) =	ssettm $0x1  }
0x91: {  	s18 =	sld [smem:$0x3FFB];
	_ =	sdelay $0x3  }
0x92: {  	_ =	strace s18  }
0x93: {  	s3 =	sld [smem:$0x3FFC];
	_ =	sdelay $0x3  }
0x94: {  	_ =	strace s3  }
0x95: {  	s3 =	sld [smem:$0x3FFD];
	_ =	sdelay $0x3  }
0x96: {  	_ =	strace s3  }
0x97: {  	_ =	strace $0x8FFFFFFF  }
0x98: {  	s19 =	sld [smem:$0x3FDB];
	_ =	sdelay $0x1  }
0x99: {  	s4 =	simm.s32 $_scs_section_size  }
0x9a: {  	s5 =	simm.s32 $_size__tile_overlayer_lowered;
	s6 =	simm.s32 $_tile_overlayer_lowered  }
0x9b: {  	s22 =	simm.s32 $0x1BFF;
	s21 =	sshll.u32 s6, $0x1;
	s3 =	sadd.s32 s4, s19  }
0x9c: {  	s7 =	simm.s32 $0x0;
	s20 =	sshll.u32 s5, $0x1;
	s5 =	sadd.s32 s21, s3  }
0x9d: {  	[timem:s7], [sflag:s22] =	dma.local [hbm:s5], s20  }
0x9e: {  	_ =	swait.ge [sflag:s22], s20  }
0x9f: {  	s4 =	ssub.s32 $0x0, s20;
	[sflag:s22] =	ssyncset.done $0x0  }
0xa0: {  	[sflag:s22] =	ssyncadd.s32 s4;
	_ =	sdelay $0x1  }
0xa1: {  	s23 =	simm.s32 $0x1B8B  }
0xa2: {  	_ =	swait.ge [sflag:s23], $0x1  }
0xa3: {  	[sflag:s23] =	ssyncset.done $0x0  }
0xa4: {  	s25 =	simm.s32 $0x1B8E;
	s24 =	sld [smem:$0x3FFE];
	[sflag:s23] =	ssyncadd.s32 $0xFFFFFFFF  }
0xa5: {  	s26 =	simm.s32 $execute0_lowered;
	[smem:$0x3FD2] =	sst s25  }
0xa6: {  	s5 =	sshll.u32 s26, $0x1;
	_ =	strace $0x80000049;
	[dreg:$0x1] =	wrdreg $0xFFFFFFFF  }
0xa7: {  	s28 =	simm.s32 $_size_execute0_lowered;
	s3 =	sadd.s32 s3, s5;
	[dreg:$0x0] =	wrdreg $0x0  }
0xa8: {  	s5 =	sshll.u32 s28, $0x1;
	[dreg:$0x2] =	wrdreg s3  }
0xa9: {  	[dreg:$0x3] =	wrdreg s5  }
0xaa: {  	[dreg:$0x4] =	wrdreg $0xC0  }
0xab: {  	_ =	task [dreg:s7], $0x5FFFF  }
0xac: {  	[dreg:$0x1] =	wrdreg $0xFFFFFFFF  }
0xad: {  	[dreg:$0x0] =	wrdreg $0x60  }
0xae: {  	[dreg:$0x2] =	wrdreg s2  }
0xaf: {  	[dreg:$0x3] =	wrdreg s24  }
0xb0: {  	[dreg:$0x4] =	wrdreg $0x9  }
0xb1: {  	_ =	task.clear_ibuf [dreg:s7], $0x5FFFF;
	_ =	strace $0x90000049  }
0xb2: {  	s29 =	simm.s32 $0x9;
	_ =	strace $0x8000004B  }
0xb3: {  	_ =	swait.ge [sflag:s29], $0x1  }
0xb4: {  	[sflag:s29] =	ssyncadd.s32 $0xFFFFFFFF  }
0xb5: {  	_ =	strace $0x9000004B  }
0xb6: {  	_ =	sfence  }
0xb7: {  	s30 =	sld [smem:$0x0];
	_ =	sdelay $0x2  }
0xb8: {  	s31 =	sshll.u32 s1, $0xD;
	s1 =	sshrl.u32 s1, $0x2  }
0xb9: {  	s3 =	sand.u32 $0x4000, s31;
	s1 =	sadd.s32 s1, s30  }
0xba: {  	s0 =	sor.u32 s3, s0;
	s1 =	sshll.u32 s1, $0x11  }
0xbb: {  	s0 =	sor.u32 s1, s0  }
0xbc: {  	s0 =	sadd.s32 $0x8F2B, s0  }
0xbd: {  	[sflag:s0] =	ssyncadd.remote.s32 $0x1  }
0xbe: {  	_ =	sfence.sel $0xFFFF  }
0xbf: {  	[dreg:$0x0] =	wrdreg $0xFFFFFFFF;
	(pc) =	sbr.abs _section_cstart, $3  }
0xc0: {  	[dreg:$0x1] =	wrdreg $0xFFFFFFFF  }
0xc1: {  	_ =	task.clear_ibuf [dreg:s7], $0x2FFFF;
	_ =	strace $0x9FFFFFFF  }
0xc2: {  	(tm) =	ssettm $0x7FFFFFFF  }
0xc3: {  	_ =	shalt  }
tec
execute0_lowered:
.L_overlay_start_1:
0x0: {  	(tag) =	ssettag $0x1  }
0x1: {  	s3 =	rddreg [dreg:$0x0];
	s1 =	srdreg.scid  }
0x2: {  	s0 =	stileid.u32;
	s4 =	rddreg [dreg:$0x1];
	s2 =	simm.s32 $0x0  }
0x3: {  	s9 =	simm.s32 $0x2800;
	s10 =	simm.s32 $0x5000;
	s11 =	simm.s32 $0x1  }
0x4: {  	s12 =	simm.s32 $0x2;
	s5 =	sand.u32 $0x1, s1;
	s6 =	sshll.u32 s0, $0x1  }
0x5: {  	s13 =	simm.s32 $0x5140;
	s14 =	simm.s32 $0x3;
	s6 =	sor.u32 s5, s6  }
0x6: {  	s1 =	rddreg [dreg:$0x2];
	s5 =	ssub.s32 $0x2, s5;
	s6 =	smul.u32 $0x28, s6  }
0x7: {  	s15 =	simm.s32 $0x0;
	[smem:$0x7FF] =	sst s2;
	s7 =	sshrl.u32 s5, $0x1  }
0x8: {  	_ =	strace $0x8000004A;
	s7 =	ssub.s32 s5, s7;
	s3 =	sadd.s32 s3, s6  }
0x9: {  	s8 =	sadd.s32 s6, s4;
	s7 =	smax.u32 s7, $0x1;
	s4 =	sadd.s32 $0xA000, s3  }
0xa: {  	s5 =	sadd.s32 $0xE00, s8;
	s6 =	sadd.s32 $0x1400, s8;
	s8 =	simm.s32 $0x140  }
.LBB2_1:
0xb: {  	[tilespmem:s2], [sflag:$0x1] =	stream.strided.gather [hbm4b:s3+s8], $0x2800, s9, s8, $0x38;
	[tilespmem:$0x5280] =	vst v63  }
0xc: {  	_ = 	snop  }
0xd: {  	[tilespmem:s9], [sflag:$0x2] =	stream.strided.gather [hbm4b:s4+s8], $0x2800, s9, s8, $0x38;
	[tilespmem:$0x5280] =	vst v63  }
0xe: {  	_ = 	snop  }
0xf: {  	[tilespmem:s10], [sflag:$0x1] =	stream.linear.gather [hbm4b:s5+s2], $0x140, $0x38;
	[tilespmem:$0x5280] =	vst v63  }
0x10: {  	_ =	swait.ge [sflag:s11], $0x2800  }
0x11: {  	[sflag:s11] =	ssyncset.done $0x0  }
0x12: {  	s16 =	simm.s32 $0x1400;
	[sflag:s11] =	ssyncadd.s32 $0xFFFFD800  }
0x13: {  	v0 =	vld [tilespmem:s16+$0xFFFFEC30]  }
0x14: {  	v1 =	vld [tilespmem:s16+$0xFFFFED70]  }
0x15: {  	v2 =	vld [tilespmem:s16+$0xFFFFEEB0]  }
0x16: {  	v3 =	vld [tilespmem:s16+$0xFFFFEFF0]  }
0x17: {  	v4 =	vld [tilespmem:s16+$0xFFFFF130]  }
0x18: {  	v5 =	vld [tilespmem:s16+$0xFFFFF270]  }
0x19: {  	v6 =	vld [tilespmem:s16+$0xFFFFF3B0]  }
0x1a: {  	v7 =	vld [tilespmem:s16+$0xFFFFF4F0]  }
0x1b: {  	v8 =	vld [tilespmem:s16+$0xFFFFF630]  }
0x1c: {  	v9 =	vld [tilespmem:s16+$0xFFFFF770]  }
0x1d: {  	v10 =	vld [tilespmem:s16+$0xFFFFF8B0]  }
0x1e: {  	v11 =	vld [tilespmem:s16+$0xFFFFF9F0]  }
0x1f: {  	v12 =	vld [tilespmem:s16+$0xFFFFFB30]  }
0x20: {  	v13 =	vld [tilespmem:s16+$0xFFFFFC70]  }
0x21: {  	v14 =	vld [tilespmem:s16+$0xFFFFFDB0]  }
0x22: {  	v15 =	vld [tilespmem:s16+$0xFFFFFEF0]  }
0x23: {  	v16 =	vld [tilespmem:s16+$0x30]  }
0x24: {  	v17 =	vld [tilespmem:s16+$0x170]  }
0x25: {  	v18 =	vld [tilespmem:s16+$0x2B0]  }
0x26: {  	v19 =	vld [tilespmem:s16+$0x3F0]  }
0x27: {  	v20 =	vld [tilespmem:s16+$0x530]  }
0x28: {  	v21 =	vld [tilespmem:s16+$0x670]  }
0x29: {  	v22 =	vld [tilespmem:s16+$0x7B0]  }
0x2a: {  	v23 =	vld [tilespmem:s16+$0x8F0]  }
0x2b: {  	v24 =	vld [tilespmem:s16+$0xA30]  }
0x2c: {  	v25 =	vld [tilespmem:s16+$0xB70]  }
0x2d: {  	v26 =	vld [tilespmem:s16+$0xCB0]  }
0x2e: {  	v27 =	vld [tilespmem:s16+$0xDF0]  }
0x2f: {  	v28 =	vld [tilespmem:s16+$0xF30]  }
0x30: {  	v29 =	vld [tilespmem:s16+$0x1070]  }
0x31: {  	v30 =	vld [tilespmem:s16+$0x11B0]  }
0x32: {  	v31 =	vld [tilespmem:s16+$0x12F0]  }
0x33: {  	v32 =	vld [tilespmem:s16+$0xFFFFED40]  }
0x34: {  	v33 =	vld [tilespmem:s16+$0xFFFFEE80]  }
0x35: {  	v34 =	vld [tilespmem:s16+$0xFFFFEFC0]  }
0x36: {  	v35 =	vld [tilespmem:s16+$0xFFFFEC10]  }
0x37: {  	v36 =	vld [tilespmem:s16+$0xFFFFED50]  }
0x38: {  	v37 =	vld [tilespmem:s16+$0xFFFFEE90]  }
0x39: {  	v38 =	vld [tilespmem:s16+$0xFFFFEFD0]  }
0x3a: {  	v39 =	vld [tilespmem:s16+$0xFFFFEC20]  }
0x3b: {  	v40 =	vld [tilespmem:s16+$0xFFFFED60]  }
0x3c: {  	v41 =	vld [tilespmem:s16+$0xFFFFEEA0]  }
0x3d: {  	v42 =	vld [tilespmem:s16+$0xFFFFEFE0]  }
0x3e: {  	v43 =	vld [tilespmem:s16+$0xFFFFEC00]  }
0x3f: {  	v44 =	vld [tilespmem:s16+$0xFFFFF100]  }
0x40: {  	v45 =	vld [tilespmem:s16+$0xFFFFF240]  }
0x41: {  	v46 =	vld [tilespmem:s16+$0xFFFFF110]  }
0x42: {  	v47 =	vld [tilespmem:s16+$0xFFFFF250]  }
0x43: {  	v48 =	vld [tilespmem:s16+$0xFFFFF120]  }
0x44: {  	v49 =	vld [tilespmem:s16+$0xFFFFF260]  }
0x45: {  	v50 =	vld [tilespmem:s16+$0xFFFFF380]  }
0x46: {  	v51 =	vld [tilespmem:s16+$0xFFFFF4C0]  }
0x47: {  	v52 =	vld [tilespmem:s16+$0xFFFFF390]  }
0x48: {  	v53 =	vld [tilespmem:s16+$0xFFFFF4D0]  }
0x49: {  	v54 =	vld [tilespmem:s16+$0xFFFFF3A0]  }
0x4a: {  	v55 =	vld [tilespmem:s16+$0xFFFFF4E0]  }
0x4b: {  	v56 =	vld [tilespmem:s16+$0x290]  }
0x4c: {  	v57 =	vld [tilespmem:s16+$0x3D0]  }
0x4d: {  	v58 =	vld [tilespmem:s16+$0x2A0]  }
0x4e: {  	v59 =	vld [tilespmem:s16+$0x3E0]  }
0x4f: {  	v60 =	vld [tilespmem:s16+$0x500]  }
0x50: {  	v0 =	vadd.f32 v2, v0;
	v2 =	vld [tilespmem:s16+$0xFFFFF600]  }
0x51: {  	v1 =	vadd.f32 v3, v1;
	v3 =	vld [tilespmem:s16+$0xFFFFF740]  }
0x52: {  	v61 =	vadd.f32 v37, v35;
	v35 =	vld [tilespmem:s16+$0x280]  }
0x53: {  	v36 =	vadd.f32 v38, v36;
	v38 =	vld [tilespmem:s16+$0x3C0]  }
0x54: {  	v62 =	vadd.f32 v41, v39;
	v0 =	vadd.f32 v4, v0;
	v4 =	vld [tilespmem:s16+$0xFFFFF610]  }
0x55: {  	v63 =	vadd.f32 v42, v40;
	v1 =	vadd.f32 v5, v1;
	v5 =	vld [tilespmem:s16+$0xFFFFF750]  }
0x56: {  	v37 =	vadd.f32 v48, v62;
	v62 =	vld [tilespmem:s16+$0x510]  }
0x57: {  	v39 =	vadd.f32 v49, v63;
	v63 =	vld [tilespmem:s16+$0x520]  }
0x58: {  	v36 =	vadd.f32 v47, v36;
	v47 =	vld [tilespmem:s16+$0xB40]  }
0x59: {  	v33 =	vadd.f32 v33, v43;
	v48 =	vld [tilespmem:s16+$0xA10]  }
0x5a: {  	v49 =	vld [tilespmem:s16+$0xB50]  }
0x5b: {  	v33 =	vadd.f32 v44, v33;
	v0 =	vadd.f32 v6, v0;
	v6 =	vld [tilespmem:s16+$0xFFFFF620]  }
0x5c: {  	v1 =	vadd.f32 v7, v1;
	v7 =	vld [tilespmem:s16+$0xFFFFF760]  }
0x5d: {  	v33 =	vadd.f32 v50, v33;
	v50 =	vld [tilespmem:s16+$0xA20]  }
0x5e: {  	v36 =	vadd.f32 v53, v36;
	v53 =	vld [tilespmem:s16+$0xDC0]  }
0x5f: {  	v37 =	vadd.f32 v54, v37;
	v54 =	vld [tilespmem:s16+$0xC90];
	v0 =	vadd.f32 v8, v0  }
0x60: {  	v39 =	vadd.f32 v55, v39;
	v55 =	vld [tilespmem:s16+$0xDD0];
	v1 =	vadd.f32 v9, v1  }
0x61: {  	v8 =	vld [tilespmem:s16+$0xFFFFF880];
	v0 =	vadd.f32 v10, v0  }
0x62: {  	v9 =	vld [tilespmem:s16+$0xFFFFF9C0];
	v1 =	vadd.f32 v11, v1  }
0x63: {  	v5 =	vadd.f32 v5, v36;
	v36 =	vld [tilespmem:s16+$0x8D0];
	v0 =	vadd.f32 v12, v0  }
0x64: {  	v10 =	vld [tilespmem:s16+$0xFFFFF890];
	v1 =	vadd.f32 v13, v1  }
0x65: {  	v11 =	vld [tilespmem:s16+$0xFFFFF9D0];
	v0 =	vadd.f32 v14, v0  }
0x66: {  	v6 =	vadd.f32 v6, v37;
	v37 =	vld [tilespmem:s16+$0x7A0];
	v1 =	vadd.f32 v15, v1  }
0x67: {  	v7 =	vadd.f32 v7, v39;
	v39 =	vld [tilespmem:s16+$0x8E0];
	v0 =	vadd.f32 v16, v0  }
0x68: {  	v12 =	vld [tilespmem:s16+$0xFFFFF8A0];
	v1 =	vadd.f32 v17, v1  }
0x69: {  	v2 =	vadd.f32 v2, v33;
	v13 =	vld [tilespmem:s16+$0xFFFFF9E0];
	v0 =	vadd.f32 v18, v0  }
0x6a: {  	v14 =	vld [tilespmem:s16+$0xFFFFFB00];
	v1 =	vadd.f32 v19, v1  }
0x6b: {  	v2 =	vadd.f32 v8, v2;
	v17 =	vld [tilespmem:s16+$0xFFFFFC50];
	v0 =	vadd.f32 v20, v0  }
0x6c: {  	v5 =	vadd.f32 v11, v5;
	v18 =	vld [tilespmem:s16+$0xFFFFFB20];
	v1 =	vadd.f32 v21, v1  }
0x6d: {  	v6 =	vadd.f32 v12, v6;
	v19 =	vld [tilespmem:s16+$0xFFFFFC60];
	v0 =	vadd.f32 v22, v0  }
0x6e: {  	v7 =	vadd.f32 v13, v7;
	v20 =	vld [tilespmem:s16+$0xFFFFFD80];
	v1 =	vadd.f32 v23, v1  }
0x6f: {  	v2 =	vadd.f32 v14, v2;
	v23 =	vld [tilespmem:s16+$0xFFFFFED0];
	v0 =	vadd.f32 v24, v0  }
0x70: {  	v5 =	vadd.f32 v17, v5;
	v24 =	vld [tilespmem:s16+$0xFFFFFDA0];
	v1 =	vadd.f32 v25, v1  }
0x71: {  	v8 =	vld [tilespmem:s16+$0x660];
	v6 =	vadd.f32 v18, v6;
	v0 =	vadd.f32 v26, v0  }
0x72: {  	v7 =	vadd.f32 v19, v7;
	v25 =	vld [tilespmem:s16+$0xFFFFFEE0];
	v1 =	vadd.f32 v27, v1  }
0x73: {  	v2 =	vadd.f32 v20, v2;
	v26 =	vld [tilespmem:s16+$0x0];
	v0 =	vadd.f32 v28, v0  }
0x74: {  	v5 =	vadd.f32 v23, v5;
	v1 =	vadd.f32 v29, v1;
	v29 =	vld [tilespmem:s16+$0x150]  }
0x75: {  	v6 =	vadd.f32 v24, v6;
	v0 =	vadd.f32 v30, v0;
	v30 =	vld [tilespmem:s16+$0x20]  }
0x76: {  	v31 =	vadd.f32 v31, v1;
	v1 =	vadd.f32 v34, v32;
	v32 =	vld [tilespmem:s16+$0x160]  }
0x77: {  	v15 =	vld [tilespmem:s16+$0xFFFFFC40];
	v7 =	vadd.f32 v25, v7;
	v34 =	vadd.f32 v46, v61  }
0x78: {  	v11 =	vld [tilespmem:s16+$0x790];
	v2 =	vadd.f32 v26, v2;
	v1 =	vadd.f32 v45, v1  }
0x79: {  	v16 =	vld [tilespmem:s16+$0xFFFFFB10];
	v34 =	vadd.f32 v52, v34;
	v5 =	vadd.f32 v29, v5  }
0x7a: {  	v21 =	vld [tilespmem:s16+$0xFFFFFEC0];
	v2 =	vadd.f32 v35, v2;
	v1 =	vadd.f32 v51, v1  }
0x7b: {  	v22 =	vld [tilespmem:s16+$0xFFFFFD90];
	v6 =	vadd.f32 v30, v6;
	v7 =	vadd.f32 v32, v7  }
0x7c: {  	v1 =	vadd.f32 v3, v1;
	v3 =	vadd.f32 v4, v34;
	v4 =	vld [tilespmem:s16+$0x650]  }
0x7d: {  	v27 =	vld [tilespmem:s16+$0x140];
	v5 =	vadd.f32 v57, v5;
	v2 =	vadd.f32 v60, v2  }
0x7e: {  	v28 =	vld [tilespmem:s16+$0x10];
	v7 =	vadd.f32 v59, v7;
	v1 =	vadd.f32 v9, v1  }
0x7f: {  	v6 =	vadd.f32 v58, v6;
	v3 =	vadd.f32 v10, v3;
	v9 =	vld [tilespmem:s16+$0x780]  }
0x80: {  	v61 =	vld [tilespmem:s16+$0x640];
	v7 =	vadd.f32 v8, v7;
	v1 =	vadd.f32 v15, v1  }
0x81: {  	v46 =	vld [tilespmem:s16+$0xA00];
	v3 =	vadd.f32 v16, v3;
	v4 =	vadd.f32 v4, v5  }
0x82: {  	v51 =	vld [tilespmem:s16+$0xB60];
	v5 =	vadd.f32 v63, v6;
	v1 =	vadd.f32 v21, v1  }
0x83: {  	v52 =	vld [tilespmem:s16+$0xC80];
	v7 =	vadd.f32 v39, v7;
	v3 =	vadd.f32 v22, v3  }
0x84: {  	v57 =	vld [tilespmem:s16+$0xF20];
	v2 =	vadd.f32 v9, v2;
	v1 =	vadd.f32 v27, v1  }
0x85: {  	v10 =	vld [tilespmem:s16+$0x8C0];
	v4 =	vadd.f32 v36, v4;
	v3 =	vadd.f32 v28, v3  }
0x86: {  	v8 =	vld [tilespmem:s16+$0xDE0];
	v5 =	vadd.f32 v37, v5;
	v1 =	vadd.f32 v38, v1  }
0x87: {  	v59 =	vld [tilespmem:s16+$0x1060];
	v7 =	vadd.f32 v51, v7;
	v3 =	vadd.f32 v56, v3  }
0x88: {  	v6 =	vld [tilespmem:s16+$0xCA0];
	v2 =	vadd.f32 v46, v2;
	v1 =	vadd.f32 v61, v1  }
0x89: {  	v9 =	vld [tilespmem:s16+$0xF00];
	v4 =	vadd.f32 v49, v4;
	v3 =	vadd.f32 v62, v3  }
0x8a: {  	v5 =	vadd.f32 v50, v5;
	v56 =	vld [tilespmem:s16+$0x1050];
	v1 =	vadd.f32 v10, v1  }
0x8b: {  	v63 =	vadd.f32 v8, v7;
	v3 =	vadd.f32 v11, v3;
	v10 =	vld [tilespmem:s16+$0x1040]  }
0x8c: {  	s17 =	simm.s32 $0x5160;
	v58 =	vadd.f32 v52, v2;
	v11 =	vld [tilespmem:s16+$0xF10];
	v1 =	vadd.f32 v47, v1  }
0x8d: {  	[tilespmem:s17+$0x10] =	vst v0;
	v60 =	vld [tilespmem:s16+$0x1180];
	v0 =	vadd.f32 v59, v63;
	v3 =	vadd.f32 v48, v3  }
0x8e: {  	v2 =	vld [tilespmem:s16+$0x12C0];
	v61 =	vadd.f32 v55, v4;
	v1 =	vadd.f32 v53, v1  }
0x8f: {  	v62 =	vadd.f32 v6, v5;
	v6 =	vld [tilespmem:s16+$0x1190];
	v3 =	vadd.f32 v54, v3  }
0x90: {  	v7 =	vld [tilespmem:s16+$0x12D0];
	v9 =	vadd.f32 v9, v58;
	v4 =	vadd.f32 v10, v1  }
0x91: {  	v8 =	vld [tilespmem:s16+$0x11A0];
	v5 =	vadd.f32 v11, v3;
	v3 =	vadd.f32 v56, v61  }
0x92: {  	s18 =	simm.s32 $0x0;
	s19 =	simm.s32 $0x1440;
	[tilespmem:s16+$0xFFFFED70] =	vst v31;
	v1 =	vadd.f32 v57, v62;
	v10 =	vadd.f32 v60, v9;
	v9 =	vld [tilespmem:s16+$0x12E0]  }
.LBB2_2:
0x93: {  	v11 =	vld [tilespmem:s19+$0xFFFFEC30];
	v2 =	vadd.f32 v2, v4  }
0x94: {  	v4 =	vld [tilespmem:s19+$0xFFFFED70];
	[tilespmem:s17+$0xFFFFFFE0] =	vst v10;
	v5 =	vadd.f32 v6, v5  }
0x95: {  	v6 =	vld [tilespmem:s19+$0xFFFFEEB0];
	[tilespmem:s16+$0xFFFFED40] =	vst v2;
	v2 =	vadd.f32 v7, v3  }
0x96: {  	s18 =	sadd.s32 $0x4, s18;
	v3 =	vld [tilespmem:s19+$0xFFFFEFF0];
	[tilespmem:s17+$0xFFFFFFF0] =	vst v5;
	v1 =	vadd.f32 v8, v1  }
0x97: {  	p0 =	slt.u32 s18, $0x10;
	v5 =	vld [tilespmem:s19+$0xFFFFF130];
	[tilespmem:s16+$0xFFFFED50] =	vst v2;
	v0 =	vadd.f32 v9, v0  }
0x98: {  	v2 =	vld [tilespmem:s19+$0xFFFFF270];
	[tilespmem:s17+$0x0] =	vst v1  }
0x99: {  	v1 =	vld [tilespmem:s19+$0xFFFFF3B0];
	[tilespmem:s16+$0xFFFFED60] =	vst v0;
	s16 =	smov.u32 s19  }
0x9a: {  	v0 =	vadd.f32 v6, v11;
	v6 =	vld [tilespmem:s19+$0xFFFFF4F0]  }
0x9b: {  	v3 =	vadd.f32 v3, v4;
	v4 =	vld [tilespmem:s19+$0xFFFFF630]  }
0x9c: {  	v0 =	vadd.f32 v5, v0;
	v5 =	vld [tilespmem:s19+$0xFFFFF770]  }
0x9d: {  	v2 =	vadd.f32 v2, v3;
	v3 =	vld [tilespmem:s19+$0xFFFFF8B0]  }
0x9e: {  	v0 =	vadd.f32 v1, v0;
	v1 =	vld [tilespmem:s19+$0xFFFFF9F0]  }
0x9f: {  	v2 =	vadd.f32 v6, v2;
	v6 =	vld [tilespmem:s19+$0xFFFFFB30]  }
0xa0: {  	v0 =	vadd.f32 v4, v0;
	v4 =	vld [tilespmem:s19+$0xFFFFFC70]  }
0xa1: {  	v2 =	vadd.f32 v5, v2;
	v5 =	vld [tilespmem:s19+$0xFFFFFDB0]  }
0xa2: {  	v0 =	vadd.f32 v3, v0;
	v3 =	vld [tilespmem:s19+$0xFFFFFEF0]  }
0xa3: {  	v1 =	vadd.f32 v1, v2;
	v2 =	vld [tilespmem:s19+$0x30]  }
0xa4: {  	v0 =	vadd.f32 v6, v0;
	v6 =	vld [tilespmem:s19+$0x170]  }
0xa5: {  	v1 =	vadd.f32 v4, v1;
	v4 =	vld [tilespmem:s19+$0x2B0]  }
0xa6: {  	v0 =	vadd.f32 v5, v0;
	v5 =	vld [tilespmem:s19+$0x3F0]  }
0xa7: {  	v1 =	vadd.f32 v3, v1;
	v3 =	vld [tilespmem:s19+$0x530]  }
0xa8: {  	v0 =	vadd.f32 v2, v0;
	v2 =	vld [tilespmem:s19+$0x670]  }
0xa9: {  	v1 =	vadd.f32 v6, v1;
	v6 =	vld [tilespmem:s19+$0x7B0]  }
0xaa: {  	v0 =	vadd.f32 v4, v0;
	v4 =	vld [tilespmem:s19+$0x8F0]  }
0xab: {  	v1 =	vadd.f32 v5, v1;
	v5 =	vld [tilespmem:s19+$0xA30]  }
0xac: {  	v0 =	vadd.f32 v3, v0;
	v3 =	vld [tilespmem:s19+$0xB70]  }
0xad: {  	v1 =	vadd.f32 v2, v1;
	v2 =	vld [tilespmem:s19+$0xCB0]  }
0xae: {  	v0 =	vadd.f32 v6, v0;
	v6 =	vld [tilespmem:s19+$0xDF0]  }
0xaf: {  	v1 =	vadd.f32 v4, v1;
	v4 =	vld [tilespmem:s19+$0xF30]  }
0xb0: {  	v0 =	vadd.f32 v5, v0;
	v5 =	vld [tilespmem:s19+$0x1070]  }
0xb1: {  	v1 =	vadd.f32 v3, v1;
	v3 =	vld [tilespmem:s19+$0x11B0]  }
0xb2: {  	v0 =	vadd.f32 v2, v0;
	v2 =	vld [tilespmem:s19+$0x12F0]  }
0xb3: {  	v7 =	vld [tilespmem:s19+$0xFFFFED40];
	v1 =	vadd.f32 v6, v1  }
0xb4: {  	v6 =	vld [tilespmem:s19+$0xFFFFEE80];
	v0 =	vadd.f32 v4, v0  }
0xb5: {  	v4 =	vld [tilespmem:s19+$0xFFFFEFC0];
	v1 =	vadd.f32 v5, v1  }
0xb6: {  	v5 =	vld [tilespmem:s19+$0xFFFFEC10];
	v0 =	vadd.f32 v3, v0  }
0xb7: {  	s17 =	sadd.s32 $0x40, s17;
	v3 =	vld [tilespmem:s19+$0xFFFFED50];
	v1 =	vadd.f32 v2, v1  }
0xb8: {  	v2 =	vld [tilespmem:s19+$0xFFFFEE90];
	[tilespmem:s17+$0x10] =	vst v0  }
0xb9: {  	v0 =	vld [tilespmem:s19+$0xFFFFEFD0];
	[tilespmem:s19+$0xFFFFED70] =	vst v1  }
0xba: {  	v1 =	vadd.f32 v4, v7;
	v4 =	vld [tilespmem:s19+$0xFFFFEC20]  }
0xbb: {  	v7 =	vld [tilespmem:s19+$0xFFFFED60]  }
0xbc: {  	v8 =	vld [tilespmem:s19+$0xFFFFEEA0]  }
0xbd: {  	v2 =	vadd.f32 v2, v5;
	v5 =	vld [tilespmem:s19+$0xFFFFEFE0]  }
0xbe: {  	v9 =	vld [tilespmem:s19+$0xFFFFEC00];
	v0 =	vadd.f32 v0, v3  }
0xbf: {  	v3 =	vld [tilespmem:s19+$0xFFFFF100]  }
0xc0: {  	v10 =	vld [tilespmem:s19+$0xFFFFF240]  }
0xc1: {  	v11 =	vld [tilespmem:s19+$0xFFFFF110];
	v4 =	vadd.f32 v8, v4  }
0xc2: {  	v8 =	vld [tilespmem:s19+$0xFFFFF250];
	v5 =	vadd.f32 v5, v7  }
0xc3: {  	v6 =	vadd.f32 v6, v9;
	v7 =	vld [tilespmem:s19+$0xFFFFF120]  }
0xc4: {  	v9 =	vld [tilespmem:s19+$0xFFFFF260]  }
0xc5: {  	v3 =	vadd.f32 v3, v6;
	v1 =	vadd.f32 v10, v1;
	v6 =	vld [tilespmem:s19+$0xFFFFF380]  }
0xc6: {  	v10 =	vld [tilespmem:s19+$0xFFFFF4C0];
	v2 =	vadd.f32 v11, v2  }
0xc7: {  	v0 =	vadd.f32 v8, v0;
	v8 =	vld [tilespmem:s19+$0xFFFFF390]  }
0xc8: {  	v11 =	vld [tilespmem:s19+$0xFFFFF4D0];
	v4 =	vadd.f32 v7, v4  }
0xc9: {  	v5 =	vadd.f32 v9, v5;
	v7 =	vld [tilespmem:s19+$0xFFFFF3A0]  }
0xca: {  	v3 =	vadd.f32 v6, v3;
	v6 =	vld [tilespmem:s19+$0xFFFFF4E0]  }
0xcb: {  	v1 =	vadd.f32 v10, v1;
	v9 =	vld [tilespmem:s19+$0xFFFFF600]  }
0xcc: {  	v10 =	vld [tilespmem:s19+$0xFFFFF740];
	v2 =	vadd.f32 v8, v2  }
0xcd: {  	v0 =	vadd.f32 v11, v0;
	v8 =	vld [tilespmem:s19+$0xFFFFF610]  }
0xce: {  	v11 =	vld [tilespmem:s19+$0xFFFFF750];
	v4 =	vadd.f32 v7, v4  }
0xcf: {  	v5 =	vadd.f32 v6, v5;
	v6 =	vld [tilespmem:s19+$0xFFFFF620]  }
0xd0: {  	v3 =	vadd.f32 v9, v3;
	v7 =	vld [tilespmem:s19+$0xFFFFF760]  }
0xd1: {  	v1 =	vadd.f32 v10, v1;
	v9 =	vld [tilespmem:s19+$0xFFFFF880]  }
0xd2: {  	v10 =	vld [tilespmem:s19+$0xFFFFF9C0];
	v2 =	vadd.f32 v8, v2  }
0xd3: {  	v0 =	vadd.f32 v11, v0;
	v8 =	vld [tilespmem:s19+$0xFFFFF890]  }
0xd4: {  	v11 =	vld [tilespmem:s19+$0xFFFFF9D0];
	v4 =	vadd.f32 v6, v4  }
0xd5: {  	v5 =	vadd.f32 v7, v5;
	v6 =	vld [tilespmem:s19+$0xFFFFF8A0]  }
0xd6: {  	v3 =	vadd.f32 v9, v3;
	v7 =	vld [tilespmem:s19+$0xFFFFF9E0]  }
0xd7: {  	v1 =	vadd.f32 v10, v1;
	v9 =	vld [tilespmem:s19+$0xFFFFFB00]  }
0xd8: {  	v10 =	vld [tilespmem:s19+$0xFFFFFC40];
	v2 =	vadd.f32 v8, v2  }
0xd9: {  	v0 =	vadd.f32 v11, v0;
	v8 =	vld [tilespmem:s19+$0xFFFFFB10]  }
0xda: {  	v11 =	vld [tilespmem:s19+$0xFFFFFC50];
	v4 =	vadd.f32 v6, v4  }
0xdb: {  	v5 =	vadd.f32 v7, v5;
	v6 =	vld [tilespmem:s19+$0xFFFFFB20]  }
0xdc: {  	v3 =	vadd.f32 v9, v3;
	v7 =	vld [tilespmem:s19+$0xFFFFFC60]  }
0xdd: {  	v1 =	vadd.f32 v10, v1;
	v9 =	vld [tilespmem:s19+$0xFFFFFD80]  }
0xde: {  	v10 =	vld [tilespmem:s19+$0xFFFFFEC0];
	v2 =	vadd.f32 v8, v2  }
0xdf: {  	v0 =	vadd.f32 v11, v0;
	v8 =	vld [tilespmem:s19+$0xFFFFFD90]  }
0xe0: {  	v11 =	vld [tilespmem:s19+$0xFFFFFED0];
	v4 =	vadd.f32 v6, v4  }
0xe1: {  	v5 =	vadd.f32 v7, v5;
	v6 =	vld [tilespmem:s19+$0xFFFFFDA0]  }
0xe2: {  	v3 =	vadd.f32 v9, v3;
	v7 =	vld [tilespmem:s19+$0xFFFFFEE0]  }
0xe3: {  	v1 =	vadd.f32 v10, v1;
	v9 =	vld [tilespmem:s19+$0x0]  }
0xe4: {  	v10 =	vld [tilespmem:s19+$0x140];
	v2 =	vadd.f32 v8, v2  }
0xe5: {  	v0 =	vadd.f32 v11, v0;
	v8 =	vld [tilespmem:s19+$0x10]  }
0xe6: {  	v11 =	vld [tilespmem:s19+$0x150];
	v4 =	vadd.f32 v6, v4  }
0xe7: {  	v5 =	vadd.f32 v7, v5;
	v6 =	vld [tilespmem:s19+$0x20]  }
0xe8: {  	v3 =	vadd.f32 v9, v3;
	v7 =	vld [tilespmem:s19+$0x160]  }
0xe9: {  	v1 =	vadd.f32 v10, v1;
	v9 =	vld [tilespmem:s19+$0x280]  }
0xea: {  	v10 =	vld [tilespmem:s19+$0x3C0];
	v2 =	vadd.f32 v8, v2  }
0xeb: {  	v0 =	vadd.f32 v11, v0;
	v8 =	vld [tilespmem:s19+$0x290]  }
0xec: {  	v11 =	vld [tilespmem:s19+$0x3D0];
	v4 =	vadd.f32 v6, v4  }
0xed: {  	v5 =	vadd.f32 v7, v5;
	v6 =	vld [tilespmem:s19+$0x2A0]  }
0xee: {  	v3 =	vadd.f32 v9, v3;
	v7 =	vld [tilespmem:s19+$0x3E0]  }
0xef: {  	v1 =	vadd.f32 v10, v1;
	v9 =	vld [tilespmem:s19+$0x500]  }
0xf0: {  	v10 =	vld [tilespmem:s19+$0x640];
	v2 =	vadd.f32 v8, v2  }
0xf1: {  	v0 =	vadd.f32 v11, v0;
	v8 =	vld [tilespmem:s19+$0x510]  }
0xf2: {  	v11 =	vld [tilespmem:s19+$0x650];
	v4 =	vadd.f32 v6, v4  }
0xf3: {  	v5 =	vadd.f32 v7, v5;
	v6 =	vld [tilespmem:s19+$0x520]  }
0xf4: {  	v3 =	vadd.f32 v9, v3;
	v7 =	vld [tilespmem:s19+$0x660]  }
0xf5: {  	v1 =	vadd.f32 v10, v1;
	v9 =	vld [tilespmem:s19+$0x780]  }
0xf6: {  	v10 =	vld [tilespmem:s19+$0x8C0];
	v2 =	vadd.f32 v8, v2  }
0xf7: {  	v0 =	vadd.f32 v11, v0;
	v8 =	vld [tilespmem:s19+$0x790]  }
0xf8: {  	v11 =	vld [tilespmem:s19+$0x8D0];
	v4 =	vadd.f32 v6, v4  }
0xf9: {  	v5 =	vadd.f32 v7, v5;
	v6 =	vld [tilespmem:s19+$0x7A0]  }
0xfa: {  	v3 =	vadd.f32 v9, v3;
	v7 =	vld [tilespmem:s19+$0x8E0]  }
0xfb: {  	v1 =	vadd.f32 v10, v1;
	v9 =	vld [tilespmem:s19+$0xA00]  }
0xfc: {  	v10 =	vld [tilespmem:s19+$0xB40];
	v2 =	vadd.f32 v8, v2  }
0xfd: {  	v0 =	vadd.f32 v11, v0;
	v8 =	vld [tilespmem:s19+$0xA10]  }
0xfe: {  	v11 =	vld [tilespmem:s19+$0xB50];
	v4 =	vadd.f32 v6, v4  }
0xff: {  	v5 =	vadd.f32 v7, v5;
	v6 =	vld [tilespmem:s19+$0xA20]  }
0x100: {  	v3 =	vadd.f32 v9, v3;
	v7 =	vld [tilespmem:s19+$0xB60]  }
0x101: {  	v1 =	vadd.f32 v10, v1;
	v9 =	vld [tilespmem:s19+$0xC80]  }
0x102: {  	v10 =	vld [tilespmem:s19+$0xDC0];
	v2 =	vadd.f32 v8, v2  }
0x103: {  	v0 =	vadd.f32 v11, v0;
	v8 =	vld [tilespmem:s19+$0xC90]  }
0x104: {  	v11 =	vld [tilespmem:s19+$0xDD0];
	v4 =	vadd.f32 v6, v4  }
0x105: {  	v5 =	vadd.f32 v7, v5;
	v6 =	vld [tilespmem:s19+$0xCA0]  }
0x106: {  	v3 =	vadd.f32 v9, v3;
	v7 =	vld [tilespmem:s19+$0xDE0]  }
0x107: {  	v1 =	vadd.f32 v10, v1;
	v9 =	vld [tilespmem:s19+$0xF00]  }
0x108: {  	v10 =	vld [tilespmem:s19+$0x1040];
	v8 =	vadd.f32 v8, v2  }
0x109: {  	v0 =	vadd.f32 v11, v0;
	v11 =	vld [tilespmem:s19+$0xF10]  }
0x10a: {  	v12 =	vld [tilespmem:s19+$0x1050];
	v13 =	vadd.f32 v6, v4  }
0x10b: {  	v14 =	vadd.f32 v7, v5;
	v15 =	vld [tilespmem:s19+$0xF20]  }
0x10c: {  	v9 =	vadd.f32 v9, v3;
	v16 =	vld [tilespmem:s19+$0x1060]  }
0x10d: {  	v4 =	vadd.f32 v10, v1;
	v10 =	vld [tilespmem:s19+$0x1180]  }
.Ltmp0:
0x10e: {  	v2 =	vld [tilespmem:s19+$0x12C0];
	v5 =	vadd.f32 v11, v8;
	(pc) =	sbr.rel @p0 .LBB2_2-.Ltmp0, $4  }
0x10f: {  	v3 =	vadd.f32 v12, v0;
	v6 =	vld [tilespmem:s19+$0x1190]  }
0x110: {  	v7 =	vld [tilespmem:s19+$0x12D0];
	v1 =	vadd.f32 v15, v13  }
0x111: {  	v0 =	vadd.f32 v16, v14;
	v8 =	vld [tilespmem:s19+$0x11A0]  }
0x112: {  	s19 =	sadd.s32 $0x40, s19;
	v10 =	vadd.f32 v10, v9;
	v9 =	vld [tilespmem:s16+$0x12E0]  }
0x113: {  	v2 =	vadd.f32 v2, v4  }
0x114: {  	[tilespmem:s17+$0xFFFFFFE0] =	vst v10;
	v4 =	vadd.f32 v6, v5  }
0x115: {  	[tilespmem:s16+$0xFFFFED40] =	vst v2;
	v2 =	vadd.f32 v7, v3  }
0x116: {  	[tilespmem:s17+$0xFFFFFFF0] =	vst v4;
	v1 =	vadd.f32 v8, v1  }
0x117: {  	[tilespmem:s16+$0xFFFFED50] =	vst v2;
	v0 =	vadd.f32 v9, v0  }
0x118: {  	[tilespmem:s17+$0x0] =	vst v1  }
0x119: {  	[tilespmem:s16+$0xFFFFED60] =	vst v0  }
0x11a: {  	_ =	swait.ge [sflag:s12], $0x2800  }
0x11b: {  	[sflag:s12] =	ssyncset.done $0x0  }
0x11c: {  	[sflag:s12] =	ssyncadd.s32 $0xFFFFD800  }
0x11d: {  	_ =	swait.ge [sflag:s11], $0x140  }
0x11e: {  	[sflag:s11] =	ssyncset.done $0x0  }
0x11f: {  	s16 =	simm.s32 $0x0;
	[sflag:s11] =	ssyncadd.s32 $0xFFFFFEC0  }
0x120: {  	v0 =	vld [tilespmem:s16+$0x170]  }
0x121: {  	v1 =	vld [tilespmem:s16+$0x2970]  }
0x122: {  	v2 =	vld [tilespmem:s16+$0x140]  }
0x123: {  	v3 =	vld [tilespmem:s16+$0x2BF0]  }
0x124: {  	v4 =	vld [tilespmem:s16+$0x2940]  }
0x125: {  	v5 =	vld [tilespmem:s16+$0x2E70]  }
0x126: {  	v6 =	vld [tilespmem:s16+$0x150]  }
0x127: {  	v7 =	vld [tilespmem:s16+$0x30F0]  }
0x128: {  	v8 =	vld [tilespmem:s16+$0x5170]  }
0x129: {  	v9 =	vld [tilespmem:s16+$0x3370]  }
0x12a: {  	v10 =	vld [tilespmem:s16+$0x2830]  }
0x12b: {  	v11 =	vld [tilespmem:s16+$0x35F0]  }
0x12c: {  	v12 =	vld [tilespmem:s16+$0x2AB0]  }
0x12d: {  	v13 =	vld [tilespmem:s16+$0x3870]  }
0x12e: {  	v14 =	vld [tilespmem:s16+$0x2D30]  }
0x12f: {  	v15 =	vld [tilespmem:s16+$0x3AF0]  }
0x130: {  	v16 =	vld [tilespmem:s16+$0x2FB0]  }
0x131: {  	v17 =	vld [tilespmem:s16+$0x3D70]  }
0x132: {  	v18 =	vld [tilespmem:s16+$0x3230]  }
0x133: {  	v19 =	vld [tilespmem:s16+$0x3FF0]  }
0x134: {  	v20 =	vld [tilespmem:s16+$0x34B0]  }
0x135: {  	v21 =	vld [tilespmem:s16+$0x4270]  }
0x136: {  	v22 =	vld [tilespmem:s16+$0x3730]  }
0x137: {  	v23 =	vld [tilespmem:s16+$0x44F0]  }
0x138: {  	v24 =	vld [tilespmem:s16+$0x39B0]  }
0x139: {  	v25 =	vld [tilespmem:s16+$0x4770]  }
0x13a: {  	v26 =	vld [tilespmem:s16+$0x3C30]  }
0x13b: {  	v27 =	vld [tilespmem:s16+$0x49F0]  }
0x13c: {  	v28 =	vld [tilespmem:s16+$0x3EB0]  }
0x13d: {  	v29 =	vld [tilespmem:s16+$0x4C70]  }
0x13e: {  	v30 =	vld [tilespmem:s16+$0x4130]  }
0x13f: {  	v31 =	vld [tilespmem:s16+$0x4EF0]  }
0x140: {  	v32 =	vld [tilespmem:s16+$0x2950]  }
0x141: {  	v33 =	vld [tilespmem:s16+$0x43B0]  }
0x142: {  	v34 =	vld [tilespmem:s16+$0x160]  }
0x143: {  	v35 =	vld [tilespmem:s16+$0x4630]  }
0x144: {  	v36 =	vld [tilespmem:s16+$0x2960]  }
0x145: {  	v37 =	vld [tilespmem:s16+$0x48B0]  }
0x146: {  	v38 =	vld [tilespmem:s16+$0x2BC0]  }
0x147: {  	v39 =	vld [tilespmem:s16+$0x4B30]  }
0x148: {  	v40 =	vld [tilespmem:s16+$0x2BD0]  }
0x149: {  	v41 =	vld [tilespmem:s16+$0x4DB0]  }
0x14a: {  	v42 =	vld [tilespmem:s16+$0x2BE0]  }
0x14b: {  	v43 =	vld [tilespmem:s16+$0x5030]  }
0x14c: {  	v44 =	vld [tilespmem:s16+$0x2E40]  }
0x14d: {  	v45 =	vld [tilespmem:s16+$0x2E50]  }
0x14e: {  	v46 =	vld [tilespmem:s16+$0x2E60]  }
0x14f: {  	v47 =	vld [tilespmem:s16+$0x30C0]  }
0x150: {  	v48 =	vld [tilespmem:s16+$0x30D0]  }
0x151: {  	v49 =	vld [tilespmem:s16+$0x30E0]  }
0x152: {  	v50 =	vld [tilespmem:s16+$0x3340]  }
0x153: {  	v51 =	vld [tilespmem:s16+$0x3350]  }
0x154: {  	v52 =	vld [tilespmem:s16+$0x3360]  }
0x155: {  	v53 =	vld [tilespmem:s16+$0x5140]  }
0x156: {  	v54 =	vld [tilespmem:s16+$0x2800]  }
0x157: {  	v55 =	vld [tilespmem:s16+$0x5150]  }
0x158: {  	v56 =	vld [tilespmem:s16+$0x2810]  }
0x159: {  	v57 =	vld [tilespmem:s16+$0x5160]  }
0x15a: {  	v58 =	vld [tilespmem:s16+$0x35C0]  }
0x15b: {  	v59 =	vld [tilespmem:s16+$0x35E0]  }
0x15c: {  	v60 =	vld [tilespmem:s16+$0x44E0]  }
0x15d: {  	v62 =	vld [tilespmem:s16+$0x3980]  }
0x15e: {  	v63 =	vld [tilespmem:s16+$0x39A0]  }
0x15f: {  	v0 =	vadd.f32 v1, v0;
	v1 =	vld [tilespmem:s16+$0x2820]  }
0x160: {  	v8 =	vadd.f32 v10, v8;
	v10 =	vld [tilespmem:s16+$0x2A90]  }
0x161: {  	v36 =	vadd.f32 v36, v34;
	v34 =	vld [tilespmem:s16+$0x4240]  }
0x162: {  	v54 =	vadd.f32 v54, v53;
	v53 =	vld [tilespmem:s16+$0x3E90]  }
0x163: {  	v61 =	vadd.f32 v56, v55;
	v55 =	vld [tilespmem:s16+$0x4C50]  }
0x164: {  	v56 =	vld [tilespmem:s16+$0x4C60]  }
0x165: {  	v0 =	vadd.f32 v3, v0;
	v3 =	vld [tilespmem:s16+$0x35D0]  }
0x166: {  	v2 =	vadd.f32 v4, v2;
	v8 =	vadd.f32 v12, v8;
	v12 =	vld [tilespmem:s16+$0x3840]  }
0x167: {  	v6 =	vadd.f32 v32, v6;
	v32 =	vadd.f32 v42, v36;
	v36 =	vld [tilespmem:s16+$0x4260]  }
0x168: {  	v2 =	vadd.f32 v38, v2;
	v38 =	vld [tilespmem:s16+$0x3710]  }
0x169: {  	v6 =	vadd.f32 v40, v6;
	v40 =	vld [tilespmem:s16+$0x44C0]  }
0x16a: {  	v0 =	vadd.f32 v5, v0;
	v5 =	vld [tilespmem:s16+$0x2A80]  }
0x16b: {  	v8 =	vadd.f32 v14, v8;
	v14 =	vld [tilespmem:s16+$0x3860]  }
0x16c: {  	v32 =	vadd.f32 v46, v32;
	v46 =	vld [tilespmem:s16+$0x3C00]  }
0x16d: {  	v1 =	vadd.f32 v1, v57;
	v57 =	vld [tilespmem:s16+$0x4100]  }
0x16e: {  	v2 =	vadd.f32 v44, v2;
	v10 =	vadd.f32 v10, v61;
	v61 =	vld [tilespmem:s16+$0x4620]  }
0x16f: {  	v6 =	vadd.f32 v45, v6;
	v0 =	vadd.f32 v7, v0;
	v7 =	vld [tilespmem:s16+$0x2AA0]  }
0x170: {  	v8 =	vadd.f32 v16, v8;
	v16 =	vld [tilespmem:s16+$0x2D10]  }
0x171: {  	v2 =	vadd.f32 v47, v2;
	v6 =	vadd.f32 v48, v6;
	v47 =	vld [tilespmem:s16+$0x3C10]  }
0x172: {  	v32 =	vadd.f32 v49, v32;
	v48 =	vld [tilespmem:s16+$0x3C20];
	v0 =	vadd.f32 v9, v0  }
0x173: {  	v49 =	vld [tilespmem:s16+$0x49C0];
	v8 =	vadd.f32 v18, v8;
	v2 =	vadd.f32 v50, v2  }
0x174: {  	v9 =	vld [tilespmem:s16+$0x3850];
	v6 =	vadd.f32 v51, v6;
	v32 =	vadd.f32 v52, v32  }
0x175: {  	v18 =	vld [tilespmem:s16+$0x3AC0];
	v5 =	vadd.f32 v5, v54;
	v0 =	vadd.f32 v11, v0  }
0x176: {  	v11 =	vld [tilespmem:s16+$0x2D00];
	v8 =	vadd.f32 v20, v8;
	v2 =	vadd.f32 v58, v2  }
0x177: {  	v20 =	vld [tilespmem:s16+$0x3AE0];
	v3 =	vadd.f32 v3, v6;
	v32 =	vadd.f32 v59, v32  }
0x178: {  	v6 =	vld [tilespmem:s16+$0x3990];
	v0 =	vadd.f32 v13, v0;
	v8 =	vadd.f32 v22, v8  }
0x179: {  	v1 =	vadd.f32 v7, v1;
	v7 =	vld [tilespmem:s16+$0x4740];
	v10 =	vadd.f32 v16, v10  }
0x17a: {  	v13 =	vld [tilespmem:s16+$0x2D20];
	v0 =	vadd.f32 v15, v0;
	v8 =	vadd.f32 v24, v8  }
0x17b: {  	v22 =	vld [tilespmem:s16+$0x2F90];
	v2 =	vadd.f32 v12, v2;
	v44 =	vadd.f32 v14, v32  }
0x17c: {  	v15 =	vld [tilespmem:s16+$0x3AD0];
	v0 =	vadd.f32 v17, v0;
	v8 =	vadd.f32 v26, v8  }
0x17d: {  	v3 =	vadd.f32 v9, v3;
	v24 =	vld [tilespmem:s16+$0x3D40];
	v2 =	vadd.f32 v18, v2  }
0x17e: {  	v17 =	vld [tilespmem:s16+$0x2F80];
	v0 =	vadd.f32 v19, v0;
	v8 =	vadd.f32 v28, v8  }
0x17f: {  	v5 =	vadd.f32 v11, v5;
	v12 =	vadd.f32 v20, v44;
	v26 =	vld [tilespmem:s16+$0x3D60]  }
0x180: {  	v19 =	vld [tilespmem:s16+$0x2FA0];
	v0 =	vadd.f32 v21, v0;
	v8 =	vadd.f32 v30, v8  }
0x181: {  	v1 =	vadd.f32 v13, v1;
	v10 =	vadd.f32 v22, v10;
	v28 =	vld [tilespmem:s16+$0x3210]  }
0x182: {  	v21 =	vld [tilespmem:s16+$0x3D50];
	v0 =	vadd.f32 v23, v0;
	v8 =	vadd.f32 v33, v8  }
0x183: {  	v3 =	vadd.f32 v15, v3;
	v2 =	vadd.f32 v24, v2;
	v30 =	vld [tilespmem:s16+$0x3FC0]  }
0x184: {  	v23 =	vld [tilespmem:s16+$0x3200];
	v0 =	vadd.f32 v25, v0;
	v4 =	vadd.f32 v35, v8  }
0x185: {  	v5 =	vadd.f32 v17, v5;
	v12 =	vadd.f32 v26, v12;
	v33 =	vld [tilespmem:s16+$0x3FE0]  }
0x186: {  	v0 =	vadd.f32 v27, v0;
	v27 =	vld [tilespmem:s16+$0x3FD0];
	v4 =	vadd.f32 v37, v4  }
0x187: {  	v1 =	vadd.f32 v19, v1;
	v10 =	vadd.f32 v28, v10;
	v25 =	vld [tilespmem:s16+$0x3220]  }
0x188: {  	v35 =	vld [tilespmem:s16+$0x4250];
	v3 =	vadd.f32 v21, v3;
	v4 =	vadd.f32 v39, v4  }
0x189: {  	v8 =	vld [tilespmem:s16+$0x3490];
	v2 =	vadd.f32 v30, v2;
	v5 =	vadd.f32 v23, v5  }
0x18a: {  	v12 =	vadd.f32 v33, v12;
	v4 =	vadd.f32 v41, v4;
	v41 =	vld [tilespmem:s16+$0x44D0]  }
0x18b: {  	v9 =	vld [tilespmem:s16+$0x4750];
	v0 =	vadd.f32 v29, v0;
	v3 =	vadd.f32 v27, v3  }
0x18c: {  	v2 =	vadd.f32 v34, v2;
	v29 =	vld [tilespmem:s16+$0x3480];
	v1 =	vadd.f32 v25, v1  }
0x18d: {  	v0 =	vadd.f32 v31, v0;
	v31 =	vld [tilespmem:s16+$0x34A0];
	v3 =	vadd.f32 v35, v3  }
0x18e: {  	v39 =	vld [tilespmem:s16+$0x3720];
	v8 =	vadd.f32 v8, v10;
	v2 =	vadd.f32 v40, v2  }
0x18f: {  	v10 =	vld [tilespmem:s16+$0x4C40];
	v12 =	vadd.f32 v36, v12;
	v3 =	vadd.f32 v41, v3  }
0x190: {  	v37 =	vld [tilespmem:s16+$0x3700];
	v8 =	vadd.f32 v38, v8;
	v2 =	vadd.f32 v7, v2  }
0x191: {  	v12 =	vadd.f32 v60, v12;
	v3 =	vadd.f32 v9, v3;
	v9 =	vld [tilespmem:s16+$0x4EC0]  }
0x192: {  	v11 =	vld [tilespmem:s16+$0x4760];
	v2 =	vadd.f32 v49, v2;
	v1 =	vadd.f32 v31, v1  }
0x193: {  	v50 =	vld [tilespmem:s16+$0x49D0];
	v0 =	vadd.f32 $9.999999930e-09, v0;
	v5 =	vadd.f32 v29, v5  }
0x194: {  	v51 =	vld [tilespmem:s16+$0x49E0];
	v2 =	vadd.f32 v10, v2;
	v1 =	vadd.f32 v39, v1  }
0x195: {  	v52 =	vld [tilespmem:s16+$0x3E80];
	v6 =	vadd.f32 v6, v8;
	v5 =	vadd.f32 v37, v5  }
0x196: {  	v54 =	vld [tilespmem:s16+$0x3EA0];
	v1 =	vadd.f32 v63, v1;
	v2 =	vadd.f32 v9, v2  }
0x197: {  	v58 =	vld [tilespmem:s16+$0x4110];
	v11 =	vadd.f32 v11, v12;
	v5 =	vadd.f32 v62, v5  }
0x198: {  	v8 =	vld [tilespmem:s16+$0x4ED0];
	(erf) = vrcp.f32 v0;
	v0 =	vadd.f32 v48, v1;
	v1 =	vadd.f32 $9.999999930e-09, v2  }
0x199: {  	v59 =	vld [tilespmem:s16+$0x4EE0];
	v3 =	vadd.f32 v50, v3  }
0x19a: {  	v7 =	vld [tilespmem:s16+$0x4120];
	v5 =	vadd.f32 v46, v5;
	(erf) = vrcp.f32 v1;
	v1 =	vadd.f32 v51, v11  }
0x19b: {  	v10 =	vld [tilespmem:s16+$0x4380];
	v6 =	vadd.f32 v47, v6;
	v3 =	vadd.f32 v55, v3  }
0x19c: {  	v60 =	vld [tilespmem:s16+$0x4390];
	v5 =	vadd.f32 v52, v5;
	v1 =	vadd.f32 v56, v1  }
0x19d: {  	v6 =	vadd.f32 v53, v6;
	v3 =	vadd.f32 v8, v3;
	v8 =	vld [tilespmem:s16+$0x4600]  }
0x19e: {  	v9 =	vld [tilespmem:s16+$0x43A0];
	v5 =	vadd.f32 v57, v5;
	v11 =	vadd.f32 v59, v1  }
0x19f: {  	v62 =	vld [tilespmem:s16+$0x4880];
	v0 =	vadd.f32 v54, v0;
	v3 =	vadd.f32 $9.999999930e-09, v3  }
0x1a0: {  	v63 =	vld [tilespmem:s16+$0x4B20];
	v5 =	vadd.f32 v10, v5;
	v11 =	vadd.f32 $9.999999930e-09, v11  }
0x1a1: {  	v2 =	vld [tilespmem:s16+$0x4610];
	v0 =	vadd.f32 v7, v0;
	(erf) = vrcp.f32 v3  }
0x1a2: {  	v6 =	vadd.f32 v58, v6;
	v7 =	vld [tilespmem:s16+$0x48A0];
	v5 =	vadd.f32 v8, v5;
	v8 =	vpop (erf);
	(erf) = vrcp.f32 v11  }
0x1a3: {  	v3 =	vld [tilespmem:s16+$0x4890];
	v0 =	vadd.f32 v9, v0  }
0x1a4: {  	v6 =	vadd.f32 v60, v6;
	v10 =	vld [tilespmem:s16+$0x4B00]  }
0x1a5: {  	v4 =	vsub.f32 v43, v4;
	v9 =	vld [tilespmem:s16+$0x4B10];
	v0 =	vadd.f32 v61, v0  }
0x1a6: {  	v6 =	vadd.f32 v2, v6;
	v1 =	vld [tilespmem:s16+$0x4D80];
	v5 =	vadd.f32 v62, v5  }
0x1a7: {  	v2 =	vld [tilespmem:s16+$0x4D90]  }
0x1a8: {  	v8 =	vmul.f32 v8, v4;
	v13 =	vadd.f32 v7, v0;
	v6 =	vadd.f32 v3, v6;
	v3 =	vld [tilespmem:s16+$0x4DA0]  }
0x1a9: {  	v4 =	vld [tilespmem:s16+$0x5000];
	v7 =	vadd.f32 v10, v5;
	v0 =	vpop (erf)  }
0x1aa: {  	s18 =	simm.s32 $0x100;
	s17 =	simm.s32 $0x0;
	[tilespmem:s16+$0x5170] =	vst v8;
	v8 =	vadd.f32 v9, v6;
	v6 =	vld [tilespmem:s16+$0x5010];
	v9 =	vadd.f32 v63, v13;
	v5 =	vpop (erf)  }
.LBB2_4:
0x1ab: {  	s19 =	sshra.s32 s18, $0x2;
	v1 =	vadd.f32 v1, v7;
	v7 =	vld [tilespmem:s16+$0x5020];
	v10 =	vpop (erf)  }
0x1ac: {  	s17 =	sadd.s32 $0x4, s17;
	v11 =	vld [tilespmem:s19+$0x170];
	v2 =	vadd.f32 v2, v8  }
0x1ad: {  	p0 =	slt.u32 s17, $0x10;
	v8 =	vld [tilespmem:s19+$0x2970];
	v3 =	vadd.f32 v3, v9  }
0x1ae: {  	v9 =	vld [tilespmem:s19+$0x140];
	v1 =	vsub.f32 v4, v1  }
0x1af: {  	v4 =	vld [tilespmem:s19+$0x2BF0];
	v2 =	vsub.f32 v6, v2  }
0x1b0: {  	v6 =	vld [tilespmem:s19+$0x2940];
	v0 =	vmul.f32 v0, v1;
	v1 =	vsub.f32 v7, v3  }
0x1b1: {  	v3 =	vld [tilespmem:s19+$0x2E70];
	v2 =	vmul.f32 v5, v2  }
0x1b2: {  	v5 =	vld [tilespmem:s19+$0x150];
	v7 =	vadd.f32 v8, v11;
	[tilespmem:s16+$0x5140] =	vst v0;
	v0 =	vmul.f32 v10, v1  }
0x1b3: {  	v1 =	vld [tilespmem:s19+$0x30F0];
	[tilespmem:s16+$0x5150] =	vst v2  }
0x1b4: {  	v2 =	vld [tilespmem:s19+$0x5170];
	v4 =	vadd.f32 v4, v7;
	[tilespmem:s16+$0x5160] =	vst v0;
	s16 =	smov.u32 s19  }
0x1b5: {  	v0 =	vadd.f32 v6, v9;
	v6 =	vld [tilespmem:s16+$0x3370]  }
0x1b6: {  	v7 =	vld [tilespmem:s16+$0x2830];
	v3 =	vadd.f32 v3, v4  }
0x1b7: {  	v4 =	vld [tilespmem:s16+$0x35F0]  }
0x1b8: {  	v8 =	vld [tilespmem:s16+$0x2AB0];
	v1 =	vadd.f32 v1, v3  }
0x1b9: {  	v3 =	vld [tilespmem:s16+$0x3870]  }
0x1ba: {  	v9 =	vld [tilespmem:s16+$0x2D30];
	v1 =	vadd.f32 v6, v1  }
0x1bb: {  	v6 =	vld [tilespmem:s16+$0x3AF0]  }
0x1bc: {  	v2 =	vadd.f32 v7, v2;
	v7 =	vld [tilespmem:s16+$0x2FB0];
	v1 =	vadd.f32 v4, v1  }
0x1bd: {  	v4 =	vld [tilespmem:s16+$0x3D70]  }
0x1be: {  	v2 =	vadd.f32 v8, v2;
	v8 =	vld [tilespmem:s16+$0x3230];
	v1 =	vadd.f32 v3, v1  }
0x1bf: {  	v3 =	vld [tilespmem:s16+$0x3FF0]  }
0x1c0: {  	v2 =	vadd.f32 v9, v2;
	v9 =	vld [tilespmem:s16+$0x34B0];
	v1 =	vadd.f32 v6, v1  }
0x1c1: {  	v6 =	vld [tilespmem:s16+$0x4270]  }
0x1c2: {  	v2 =	vadd.f32 v7, v2;
	v7 =	vld [tilespmem:s16+$0x3730];
	v1 =	vadd.f32 v4, v1  }
0x1c3: {  	v4 =	vld [tilespmem:s16+$0x44F0]  }
0x1c4: {  	v2 =	vadd.f32 v8, v2;
	v8 =	vld [tilespmem:s16+$0x39B0];
	v1 =	vadd.f32 v3, v1  }
0x1c5: {  	v3 =	vld [tilespmem:s16+$0x4770]  }
0x1c6: {  	v2 =	vadd.f32 v9, v2;
	v9 =	vld [tilespmem:s16+$0x3C30];
	v1 =	vadd.f32 v6, v1  }
0x1c7: {  	v6 =	vld [tilespmem:s16+$0x49F0]  }
0x1c8: {  	v2 =	vadd.f32 v7, v2;
	v7 =	vld [tilespmem:s16+$0x3EB0];
	v1 =	vadd.f32 v4, v1  }
0x1c9: {  	v4 =	vld [tilespmem:s16+$0x4C70]  }
0x1ca: {  	v2 =	vadd.f32 v8, v2;
	v8 =	vld [tilespmem:s16+$0x4130];
	v1 =	vadd.f32 v3, v1  }
0x1cb: {  	v3 =	vld [tilespmem:s16+$0x4EF0]  }
0x1cc: {  	v2 =	vadd.f32 v9, v2;
	v10 =	vld [tilespmem:s16+$0x2950];
	v1 =	vadd.f32 v6, v1  }
0x1cd: {  	v6 =	vld [tilespmem:s16+$0x43B0]  }
0x1ce: {  	v2 =	vadd.f32 v7, v2;
	v9 =	vld [tilespmem:s16+$0x160];
	v1 =	vadd.f32 v4, v1  }
0x1cf: {  	v4 =	vld [tilespmem:s16+$0x4630]  }
0x1d0: {  	v2 =	vadd.f32 v8, v2;
	v7 =	vld [tilespmem:s16+$0x2960];
	v1 =	vadd.f32 v3, v1  }
0x1d1: {  	v3 =	vadd.f32 v10, v5;
	v5 =	vld [tilespmem:s16+$0x48B0]  }
0x1d2: {  	v8 =	vld [tilespmem:s16+$0x2BC0];
	v2 =	vadd.f32 v6, v2;
	v1 =	vadd.f32 $9.999999930e-09, v1  }
0x1d3: {  	v6 =	vld [tilespmem:s16+$0x4B30]  }
0x1d4: {  	v10 =	vld [tilespmem:s16+$0x2BD0];
	v2 =	vadd.f32 v4, v2;
	(erf) = vrcp.f32 v1  }
0x1d5: {  	v1 =	vadd.f32 v7, v9;
	v4 =	vld [tilespmem:s16+$0x4DB0]  }
0x1d6: {  	v7 =	vld [tilespmem:s16+$0x2BE0];
	v2 =	vadd.f32 v5, v2  }
0x1d7: {  	v0 =	vadd.f32 v8, v0;
	v5 =	vld [tilespmem:s16+$0x5030]  }
0x1d8: {  	v8 =	vld [tilespmem:s16+$0x2E40];
	v2 =	vadd.f32 v6, v2  }
0x1d9: {  	v3 =	vadd.f32 v10, v3;
	v6 =	vld [tilespmem:s16+$0x2E50]  }
0x1da: {  	v9 =	vld [tilespmem:s16+$0x2E60];
	v2 =	vadd.f32 v4, v2  }
0x1db: {  	v4 =	vld [tilespmem:s16+$0x30C0];
	v1 =	vadd.f32 v7, v1  }
0x1dc: {  	v7 =	vld [tilespmem:s16+$0x30D0];
	v2 =	vsub.f32 v5, v2  }
0x1dd: {  	v0 =	vadd.f32 v8, v0;
	v5 =	vld [tilespmem:s16+$0x30E0];
	v8 =	vpop (erf)  }
0x1de: {  	v10 =	vld [tilespmem:s16+$0x3340];
	v3 =	vadd.f32 v6, v3;
	v2 =	vmul.f32 v8, v2  }
0x1df: {  	v6 =	vld [tilespmem:s16+$0x3350];
	v1 =	vadd.f32 v9, v1  }
0x1e0: {  	v0 =	vadd.f32 v4, v0;
	v4 =	vld [tilespmem:s16+$0x3360];
	[tilespmem:s16+$0x5170] =	vst v2  }
0x1e1: {  	v2 =	vld [tilespmem:s16+$0x5140];
	v3 =	vadd.f32 v7, v3  }
0x1e2: {  	v7 =	vld [tilespmem:s16+$0x2800];
	v1 =	vadd.f32 v5, v1  }
0x1e3: {  	v0 =	vadd.f32 v10, v0;
	v5 =	vld [tilespmem:s16+$0x5150]  }
0x1e4: {  	v8 =	vld [tilespmem:s16+$0x2810];
	v3 =	vadd.f32 v6, v3  }
0x1e5: {  	v6 =	vld [tilespmem:s16+$0x5160];
	v1 =	vadd.f32 v4, v1  }
0x1e6: {  	v4 =	vld [tilespmem:s16+$0x2820]  }
0x1e7: {  	v2 =	vadd.f32 v7, v2;
	v7 =	vld [tilespmem:s16+$0x35C0]  }
0x1e8: {  	v9 =	vld [tilespmem:s16+$0x35D0]  }
0x1e9: {  	v5 =	vadd.f32 v8, v5;
	v8 =	vld [tilespmem:s16+$0x35E0]  }
0x1ea: {  	v10 =	vld [tilespmem:s16+$0x2A80]  }
0x1eb: {  	v11 =	vld [tilespmem:s16+$0x2A90];
	v4 =	vadd.f32 v4, v6  }
0x1ec: {  	v0 =	vadd.f32 v7, v0;
	v6 =	vld [tilespmem:s16+$0x2AA0]  }
0x1ed: {  	v7 =	vld [tilespmem:s16+$0x3840];
	v3 =	vadd.f32 v9, v3  }
0x1ee: {  	v9 =	vld [tilespmem:s16+$0x3850];
	v1 =	vadd.f32 v8, v1  }
0x1ef: {  	v2 =	vadd.f32 v10, v2;
	v8 =	vld [tilespmem:s16+$0x3860]  }
0x1f0: {  	v10 =	vld [tilespmem:s16+$0x2D00];
	v5 =	vadd.f32 v11, v5  }
0x1f1: {  	v11 =	vld [tilespmem:s16+$0x2D10];
	v4 =	vadd.f32 v6, v4  }
0x1f2: {  	v0 =	vadd.f32 v7, v0;
	v6 =	vld [tilespmem:s16+$0x2D20]  }
0x1f3: {  	v7 =	vld [tilespmem:s16+$0x3AC0];
	v3 =	vadd.f32 v9, v3  }
0x1f4: {  	v9 =	vld [tilespmem:s16+$0x3AD0];
	v1 =	vadd.f32 v8, v1  }
0x1f5: {  	v2 =	vadd.f32 v10, v2;
	v8 =	vld [tilespmem:s16+$0x3AE0]  }
0x1f6: {  	v10 =	vld [tilespmem:s16+$0x2F80];
	v5 =	vadd.f32 v11, v5  }
0x1f7: {  	v11 =	vld [tilespmem:s16+$0x2F90];
	v4 =	vadd.f32 v6, v4  }
0x1f8: {  	v0 =	vadd.f32 v7, v0;
	v6 =	vld [tilespmem:s16+$0x2FA0]  }
0x1f9: {  	v7 =	vld [tilespmem:s16+$0x3D40];
	v3 =	vadd.f32 v9, v3  }
0x1fa: {  	v9 =	vld [tilespmem:s16+$0x3D50];
	v1 =	vadd.f32 v8, v1  }
0x1fb: {  	v2 =	vadd.f32 v10, v2;
	v8 =	vld [tilespmem:s16+$0x3D60]  }
0x1fc: {  	v10 =	vld [tilespmem:s16+$0x3200];
	v5 =	vadd.f32 v11, v5  }
0x1fd: {  	v11 =	vld [tilespmem:s16+$0x3210];
	v4 =	vadd.f32 v6, v4  }
0x1fe: {  	v0 =	vadd.f32 v7, v0;
	v6 =	vld [tilespmem:s16+$0x3220]  }
0x1ff: {  	v7 =	vld [tilespmem:s16+$0x3FC0];
	v3 =	vadd.f32 v9, v3  }
0x200: {  	v9 =	vld [tilespmem:s16+$0x3FD0];
	v1 =	vadd.f32 v8, v1  }
0x201: {  	v2 =	vadd.f32 v10, v2;
	v8 =	vld [tilespmem:s16+$0x3FE0]  }
0x202: {  	v10 =	vld [tilespmem:s16+$0x3480];
	v5 =	vadd.f32 v11, v5  }
0x203: {  	v11 =	vld [tilespmem:s16+$0x3490];
	v4 =	vadd.f32 v6, v4  }
0x204: {  	v0 =	vadd.f32 v7, v0;
	v6 =	vld [tilespmem:s16+$0x34A0]  }
0x205: {  	v7 =	vld [tilespmem:s16+$0x4240];
	v3 =	vadd.f32 v9, v3  }
0x206: {  	v9 =	vld [tilespmem:s16+$0x4250];
	v1 =	vadd.f32 v8, v1  }
0x207: {  	v2 =	vadd.f32 v10, v2;
	v8 =	vld [tilespmem:s16+$0x4260]  }
0x208: {  	v10 =	vld [tilespmem:s16+$0x3700];
	v5 =	vadd.f32 v11, v5  }
0x209: {  	v11 =	vld [tilespmem:s16+$0x3710];
	v4 =	vadd.f32 v6, v4  }
0x20a: {  	v0 =	vadd.f32 v7, v0;
	v6 =	vld [tilespmem:s16+$0x3720]  }
0x20b: {  	v7 =	vld [tilespmem:s16+$0x44C0];
	v3 =	vadd.f32 v9, v3  }
0x20c: {  	v9 =	vld [tilespmem:s16+$0x44D0];
	v1 =	vadd.f32 v8, v1  }
0x20d: {  	v2 =	vadd.f32 v10, v2;
	v8 =	vld [tilespmem:s16+$0x44E0]  }
0x20e: {  	v10 =	vld [tilespmem:s16+$0x3980];
	v5 =	vadd.f32 v11, v5  }
0x20f: {  	v11 =	vld [tilespmem:s16+$0x3990];
	v4 =	vadd.f32 v6, v4  }
0x210: {  	v0 =	vadd.f32 v7, v0;
	v6 =	vld [tilespmem:s16+$0x39A0]  }
0x211: {  	v7 =	vld [tilespmem:s16+$0x4740];
	v3 =	vadd.f32 v9, v3  }
0x212: {  	v9 =	vld [tilespmem:s16+$0x4750];
	v1 =	vadd.f32 v8, v1  }
0x213: {  	v2 =	vadd.f32 v10, v2;
	v8 =	vld [tilespmem:s16+$0x4760]  }
0x214: {  	v10 =	vld [tilespmem:s16+$0x3C00];
	v5 =	vadd.f32 v11, v5  }
0x215: {  	v11 =	vld [tilespmem:s16+$0x3C10];
	v4 =	vadd.f32 v6, v4  }
0x216: {  	v0 =	vadd.f32 v7, v0;
	v6 =	vld [tilespmem:s16+$0x3C20]  }
0x217: {  	v7 =	vld [tilespmem:s16+$0x49C0];
	v3 =	vadd.f32 v9, v3  }
0x218: {  	v9 =	vld [tilespmem:s16+$0x49D0];
	v1 =	vadd.f32 v8, v1  }
0x219: {  	v2 =	vadd.f32 v10, v2;
	v8 =	vld [tilespmem:s16+$0x49E0]  }
0x21a: {  	v10 =	vld [tilespmem:s16+$0x3E80];
	v5 =	vadd.f32 v11, v5  }
0x21b: {  	v11 =	vld [tilespmem:s16+$0x3E90];
	v4 =	vadd.f32 v6, v4  }
0x21c: {  	v0 =	vadd.f32 v7, v0;
	v6 =	vld [tilespmem:s16+$0x3EA0]  }
0x21d: {  	v7 =	vld [tilespmem:s16+$0x4C40];
	v3 =	vadd.f32 v9, v3  }
0x21e: {  	v9 =	vld [tilespmem:s16+$0x4C50];
	v1 =	vadd.f32 v8, v1  }
0x21f: {  	v2 =	vadd.f32 v10, v2;
	v8 =	vld [tilespmem:s16+$0x4C60]  }
0x220: {  	v10 =	vld [tilespmem:s16+$0x4100];
	v5 =	vadd.f32 v11, v5  }
0x221: {  	v11 =	vld [tilespmem:s16+$0x4110];
	v4 =	vadd.f32 v6, v4  }
0x222: {  	v0 =	vadd.f32 v7, v0;
	v6 =	vld [tilespmem:s16+$0x4120]  }
0x223: {  	v7 =	vld [tilespmem:s16+$0x4EC0];
	v3 =	vadd.f32 v9, v3  }
0x224: {  	v9 =	vld [tilespmem:s16+$0x4ED0];
	v1 =	vadd.f32 v8, v1  }
0x225: {  	v2 =	vadd.f32 v10, v2;
	v8 =	vld [tilespmem:s16+$0x4EE0]  }
0x226: {  	v10 =	vld [tilespmem:s16+$0x4380];
	v5 =	vadd.f32 v11, v5  }
0x227: {  	v11 =	vld [tilespmem:s16+$0x4390];
	v4 =	vadd.f32 v6, v4  }
0x228: {  	v0 =	vadd.f32 v7, v0;
	v6 =	vld [tilespmem:s16+$0x43A0]  }
0x229: {  	v7 =	vld [tilespmem:s16+$0x4600];
	v3 =	vadd.f32 v9, v3  }
0x22a: {  	v0 =	vadd.f32 $9.999999930e-09, v0;
	v9 =	vld [tilespmem:s16+$0x4610];
	v1 =	vadd.f32 v8, v1  }
0x22b: {  	v2 =	vadd.f32 v10, v2;
	v3 =	vadd.f32 $9.999999930e-09, v3;
	v8 =	vld [tilespmem:s16+$0x4620]  }
0x22c: {  	v10 =	vld [tilespmem:s16+$0x4880];
	v5 =	vadd.f32 v11, v5;
	v1 =	vadd.f32 $9.999999930e-09, v1;
	(erf) = vrcp.f32 v0  }
0x22d: {  	v0 =	vld [tilespmem:s16+$0x4890];
	v4 =	vadd.f32 v6, v4;
	(erf) = vrcp.f32 v3  }
0x22e: {  	v2 =	vadd.f32 v7, v2;
	v3 =	vld [tilespmem:s16+$0x48A0];
	(erf) = vrcp.f32 v1  }
0x22f: {  	v6 =	vld [tilespmem:s16+$0x4B00];
	v5 =	vadd.f32 v9, v5  }
0x230: {  	v9 =	vld [tilespmem:s16+$0x4B10];
	v4 =	vadd.f32 v8, v4  }
0x231: {  	v7 =	vadd.f32 v10, v2;
	v10 =	vld [tilespmem:s16+$0x4B20]  }
.Ltmp1:
0x232: {  	v1 =	vld [tilespmem:s16+$0x4D80];
	v11 =	vadd.f32 v0, v5;
	(pc) =	sbr.rel @p0 .LBB2_4-.Ltmp1, $4  }
0x233: {  	v2 =	vld [tilespmem:s16+$0x4D90];
	v12 =	vadd.f32 v3, v4  }
0x234: {  	v7 =	vadd.f32 v6, v7;
	v3 =	vld [tilespmem:s16+$0x4DA0]  }
0x235: {  	v4 =	vld [tilespmem:s16+$0x5000];
	v8 =	vadd.f32 v9, v11;
	v0 =	vpop (erf)  }
0x236: {  	s18 =	sadd.s32 $0x100, s18;
	v6 =	vld [tilespmem:s16+$0x5010];
	v9 =	vadd.f32 v10, v12;
	v5 =	vpop (erf)  }
0x237: {  	v10 =	vld [tilespmem:s16+$0x5020]  }
0x238: {  	v1 =	vadd.f32 v1, v7  }
0x239: {  	v2 =	vadd.f32 v2, v8  }
0x23a: {  	v3 =	vadd.f32 v3, v9;
	v1 =	vsub.f32 v4, v1  }
0x23b: {  	v2 =	vsub.f32 v6, v2  }
0x23c: {  	v0 =	vmul.f32 v0, v1;
	v61 =	vsub.f32 v10, v3  }
0x23d: {  	v62 =	vpop (erf);
	v2 =	vmul.f32 v5, v2  }
0x23e: {  	s15 =	sadd.s32 $0x1, s15;
	[tilespmem:s16+$0x5140] =	vst v0;
	v63 =	vmul.f32 v62, v61  }
0x23f: {  	p0 =	sne.s32 s15, s7;
	[tilespmem:s16+$0x5150] =	vst v2  }
.Ltmp2:
0x240: {  	[tilespmem:s16+$0x5160] =	vst v63;
	(pc) =	sbr.rel @p0 .LBB2_1-.Ltmp2, $4  }
0x241: {  	[hbm4b:s6+s2] =	stream.linear.scatter [tilespmem:s13], [sflag:$0x3], $0x140, $0x38;
	[tilespmem:$0x5280] =	vst v63  }
0x242: {  	_ =	swait.ge [sflag:s14], $0x140  }
0x243: {  	[sflag:s14] =	ssyncset.done $0x0  }
0x244: {  	[sflag:s14] =	ssyncadd.s32 $0xFFFFFEC0  }
0x245: {  	_ =	sfence.sel $0x180000  }
0x246: {  	[bflag:$0x0] =	sbarrier.arrive $0xFFFF  }
0x247: {  	p0 =	sne.s32 s0, $0x0;
	_ =	strace $0x9000004A  }
0x248: {  	s0 =	sadd.s32 @!p0 $0x100000, s1;
	[bflag:$0x2] =	sbarrier.arrive $0xFFFF  }
0x249: {  	[sflag:s0] =	ssyncadd.tile.s32 @!p0 $0x1;
	_ =	shalt  }
.Lfunc_end2:
_tile_overlayer_lowered:
.L_overlay_start_2:
0x24a: {  	(tag) =	ssettag $0x2  }
0x24b: {  	s0 =	rddreg [dreg:$0x0];
	s2 =	stileid.u32  }
0x24c: {  	s1 =	rddreg [dreg:$0x1];
	p0 =	sne.s32 s2, $0x0  }
0x24d: {  	s3 =	rddreg [dreg:$0x2];
	[bflag:$0x3] =	sbarrier.arrive $0xFFFF;
	s2 =	simm.s32 @!p0 $0x1C03  }
0x24e: {  	[timem:s3], [sflag:s2] =	dma.local @!p0 [hbm:s0], s1  }
0x24f: {  	s0 =	simm.s32 @!p0 $0x3  }
0x250: {  	_ =	swait.ge @!p0 [sflag:s0], s1  }
0x251: {  	s1 =	ssub.s32 @!p0 $0x0, s1;
	[sflag:s0] =	ssyncset.done @!p0 $0x0  }
0x252: {  	[sflag:s0] =	ssyncadd.s32 @!p0 s1  }
0x253: {  	[bflag:$0x3] =	sbarrier.arrive $0xFFFF  }
0x254: {  	_ =	shalt  }

</sc_bundles>
